<compile_context>
chip_gen: v7x
topology: tpu7x:2x2x1
jax: 0.10.2.dev20260603
libtpu: 0.0.44.dev20260713+nightly
codegen_flags: <defaults>
</compile_context>

<pallas_src>
import functools
import math

import jax
import jax.numpy as jnp
from jax import lax
from jax.experimental import pallas as pl
from jax.experimental.pallas import tpu as pltpu
from jax.experimental.pallas import tpu_sc as plsc

N_HEAD = 12
Q_LEN = 2048
K_LEN = 2048
LINE_LEN = Q_LEN + K_LEN - 1
LINE_PAD = 5120
_QB = Q_LEN // 128


def _bucket_body(shift_ref, out_ref):
    c = lax.broadcasted_iota(jnp.int32, (LINE_PAD // 128, 128), 0)
    l = lax.broadcasted_iota(jnp.int32, (LINE_PAD // 128, 128), 1)
    m = jnp.minimum(c * 128 + l, LINE_LEN - 1)
    d_tri = m - (Q_LEN - 1)
    rp = jnp.abs(d_tri + shift_ref[0, 0])
    rp_f = rp.astype(jnp.float32)
    t = jnp.log(rp_f / 8) / math.log(128 / 8) * (16 - 8)
    large = jnp.minimum(8 + t.astype(jnp.int32), 15)
    out_ref[...] = jnp.where(rp < 8, rp, large) + jnp.where(d_tri >= 1, 16, 0)


def _make_buckets(shift):
    return pl.pallas_call(
        _bucket_body,
        in_specs=[pl.BlockSpec(memory_space=pltpu.SMEM)],
        out_specs=pl.BlockSpec((LINE_PAD // 128, 128), lambda: (0, 0)),
        out_shape=jax.ShapeDtypeStruct((LINE_PAD // 128, 128), jnp.int32),
    )(shift)


_HALF_J = LINE_PAD // 2


@functools.cache
def _build_sc_lookup():
    mesh = plsc.VectorSubcoreMesh(core_axis_name="c", subcore_axis_name="s")

    @functools.partial(
        pl.kernel,
        mesh=mesh,
        out_type=jax.ShapeDtypeStruct((N_HEAD * LINE_PAD,), jnp.float32),
        compiler_params=pltpu.CompilerParams(
            use_tc_tiling_on_sc=False, needs_layout_passes=False),
        scratch_types=[
            pltpu.VMEM((32 * N_HEAD,), jnp.float32),
            pltpu.VMEM((LINE_PAD,), jnp.int32),
            pltpu.VMEM((LINE_PAD,), jnp.float32),
        ],
    )
    def _sc_lookup(buckets_hbm, table_hbm, out_hbm, table_v, buckets_v, line_v):
        wid = lax.axis_index("s") * 2 + lax.axis_index("c")

        @pl.when(wid < N_HEAD * 2)
        def _():
            h = wid // 2
            j0 = (wid % 2) * _HALF_J
            pltpu.sync_copy(table_hbm, table_v)
            pltpu.sync_copy(buckets_hbm, buckets_v)

            def step(i, carry):
                j = j0 + i * 16
                b = buckets_v[pl.ds(j, 16)]
                vals = plsc.load_gather(table_v, [b * N_HEAD + h])
                line_v[pl.ds(j, 16)] = vals
                return carry

            lax.fori_loop(0, _HALF_J // 16, step, 0)
            pltpu.sync_copy(
                line_v.at[pl.ds(pl.multiple_of(j0, 8), _HALF_J)],
                out_hbm.at[pl.ds(pl.multiple_of(h * LINE_PAD + j0, 8), _HALF_J)],
            )

    return _sc_lookup


def _expand_body(line_ref, out_ref, bank_ref, sem):
    h = pl.program_id(0)
    p = lax.rem(h, 2)

    def _copies(head, bank_slot):
        cps = []
        for qb in range(_QB):
            src = bank_ref.at[bank_slot, :, pl.ds(128 * (_QB - 1 - qb), K_LEN)]
            dst = out_ref.at[0, head, pl.ds(128 * qb, 128), :]
            cps.append(pltpu.make_async_copy(src, dst, sem.at[bank_slot]))
        return cps

    @pl.when(h >= 2)
    def _drain_two_back():
        for cp in _copies(h - 2, p):
            cp.wait()

    for s in range(128):
        bank_ref[p, s, :] = line_ref[pl.ds(127 - s, 4096)]

    for cp in _copies(h, p):
        cp.start()

    @pl.when(h == N_HEAD - 1)
    def _drain_tail():
        for cp in _copies(h - 1, 1 - p) + _copies(h, p):
            cp.wait()


def _make_expand(line_flat):
    return pl.pallas_call(
        _expand_body,
        grid=(N_HEAD,),
        in_specs=[pl.BlockSpec((LINE_PAD,), lambda h: (h,))],
        out_specs=pl.BlockSpec(memory_space=pl.ANY),
        out_shape=jax.ShapeDtypeStruct((1, N_HEAD, Q_LEN, K_LEN), jnp.float32),
        scratch_shapes=[
            pltpu.VMEM((2, 128, 4096), jnp.float32),
            pltpu.SemaphoreType.DMA((2,)),
        ],
    )(line_flat)


def kernel(q_len, k_len, bias_table):
    shift = jnp.asarray(k_len - q_len, jnp.int32).reshape(1, 1)
    buckets = _make_buckets(shift)
    line_flat = _build_sc_lookup()(
        buckets.reshape(LINE_PAD), bias_table.reshape(32 * N_HEAD))
    return _make_expand(line_flat)

# --- scband reference (transcript-rebuilt; emitter-appended) ---
"""Pipeline reference for scband-t5-relative-attention-bias-24773371363338 (READ-ONLY COPY).

The authoritative reference and input builder live on the scoring server;
editing this copy changes nothing except your own understanding.
"""

import math
import jax, jax.numpy as jnp
import numpy as np

NUM_BUCKETS = 32
MAX_DISTANCE = 128
N_HEAD = 12
Q_LEN = 2048
K_LEN = 2048


def _relative_position(q_len, k_len):
    memory_position = (jnp.arange(K_LEN, dtype=jnp.int32) + jnp.asarray(k_len - K_LEN, dtype=jnp.int32))[None, :]
    context_position = (jnp.arange(Q_LEN, dtype=jnp.int32) + jnp.asarray(q_len - Q_LEN, dtype=jnp.int32))[:, None]
    return memory_position - context_position


def _relative_position_bucket(relative_position, num_buckets=NUM_BUCKETS, max_distance=MAX_DISTANCE):
    # bidirectional=True branch of the torch reference
    q_len, k_len = relative_position.shape
    excess_keys = k_len - q_len
    num_buckets = num_buckets // 2
    relative_buckets = jnp.triu(jnp.full_like(relative_position, num_buckets), k=1 + excess_keys)
    relative_position = jnp.abs(relative_position)
    max_exact = num_buckets // 2
    is_small = relative_position < max_exact
    rp_f = relative_position.astype(jnp.float32)
    relative_position_if_large = max_exact + (
        jnp.log(rp_f / max_exact) / math.log(max_distance / max_exact) * (num_buckets - max_exact)
    ).astype(jnp.int32)
    relative_position_if_large = jnp.minimum(relative_position_if_large, num_buckets - 1)
    relative_buckets = relative_buckets + jnp.where(is_small, relative_position, relative_position_if_large)
    return relative_buckets


def setup_inputs(seed: int = 0) -> dict:
    key = jax.random.key(seed)
    bias_table = jax.random.normal(key, (NUM_BUCKETS, N_HEAD), dtype=jnp.float32)
    return {"q_len": 2048, "k_len": 2048, "bias_table": bias_table}


def reference(q_len, k_len, bias_table):
    relative_position = _relative_position(q_len, k_len)
    buckets = _relative_position_bucket(relative_position)
    values = jnp.take(bias_table, buckets, axis=0)  # (q, k, heads)
    # rearrange 'q k heads -> 1 heads q k'
    values = jnp.transpose(values, (2, 0, 1))[None, :, :, :]
    return values

if __name__ == "__main__":
    import jax
    _d = setup_inputs()
    print(jax.jit(kernel)(*tuple(_d.values())))

</pallas_src>

<mosaic_0001>
#map = affine_map<(d0, d1) -> (0)>
module attributes {stable_mosaic.version = 14 : i64} {
  func.func @_sc_lookup(%arg0: i32, %arg1: i32, %arg2: memref<5120xi32, #tpu.memory_space<hbm>>, %arg3: memref<384xf32, #tpu.memory_space<hbm>>, %arg4: memref<61440xf32, #tpu.memory_space<hbm>>, %arg5: memref<384xf32, #tpu.memory_space<vmem>>, %arg6: memref<5120xi32, #tpu.memory_space<vmem>>, %arg7: memref<5120xf32, #tpu.memory_space<vmem>>) attributes {dimension_semantics = [#tpu.dimension_semantics<core_parallel>, #tpu.dimension_semantics<subcore_parallel>], iteration_bounds = array<i64: 2, 16>, scalar_prefetch = 0 : i64, scratch_operands = 3 : i64, tpu.core_type = #tpu.core_type<sc_vector_subcore>, window_params = [{transform_indices = #map}, {transform_indices = #map}, {transform_indices = #map}]} {
    %mul3A = arith.constant 2 : i32
    %mul3A_0 = arith.muli %arg1, %mul3A : i32
    %add3A = arith.addi %mul3A_0, %arg0 : i32
    %lt3A = arith.constant 24 : i32
    %lt3A_1 = arith.cmpi slt, %add3A, %lt3A : i32
    %convert_element_type3A = arith.extui %lt3A_1 : i1 to i32
    %cond3A = arith.constant 0 : i32
    %cond3A_2 = arith.cmpi ne, %convert_element_type3A, %cond3A : i32
    scf.if %cond3A_2 {
      %jit3A = arith.constant 2 : i32
      %div3A = arith.divsi %add3A, %jit3A : i32
      %sign3A = arith.constant 0 : i32
      %sign3A_3 = arith.cmpi sgt, %add3A, %sign3A : i32
      %sign3A_4 = arith.extui %sign3A_3 : i1 to i32
      %sign3A_5 = arith.constant 0 : i32
      %sign3A_6 = arith.cmpi slt, %add3A, %sign3A_5 : i32
      %sign3A_7 = arith.extui %sign3A_6 : i1 to i32
      %sign3A_8 = arith.subi %sign3A_4, %sign3A_7 : i32
      %sign3A_9 = arith.constant 0 : i32
      %sign3A_10 = arith.cmpi sgt, %jit3A, %sign3A_9 : i32
      %sign3A_11 = arith.extui %sign3A_10 : i1 to i32
      %sign3A_12 = arith.constant 0 : i32
      %sign3A_13 = arith.cmpi slt, %jit3A, %sign3A_12 : i32
      %sign3A_14 = arith.extui %sign3A_13 : i1 to i32
      %sign3A_15 = arith.subi %sign3A_11, %sign3A_14 : i32
      %ne3A = arith.cmpi ne, %sign3A_8, %sign3A_15 : i32
      %rem3A = arith.remsi %add3A, %jit3A : i32
      %ne3A_16 = arith.constant 0 : i32
      %ne3A_17 = arith.cmpi ne, %rem3A, %ne3A_16 : i32
      %and3A = arith.andi %ne3A, %ne3A_17 : i1
      %sub3A = arith.constant 1 : i32
      %sub3A_18 = arith.subi %div3A, %sub3A : i32
      %select_n3A = arith.select %and3A, %sub3A_18, %div3A : i32
      %jit3A_19 = arith.constant 2 : i32
      %eq3A = arith.constant 0 : i32
      %eq3A_20 = arith.cmpi eq, %jit3A_19, %eq3A : i32
      %jit3A_21 = arith.constant 1 : i32
      %select_n3A_22 = arith.select %eq3A_20, %jit3A_21, %jit3A_19 : i32
      %rem3A_23 = arith.remsi %add3A, %select_n3A_22 : i32
      %ne3A_24 = arith.constant 0 : i32
      %ne3A_25 = arith.cmpi ne, %rem3A_23, %ne3A_24 : i32
      %lt3A_26 = arith.constant 0 : i32
      %lt3A_27 = arith.cmpi slt, %rem3A_23, %lt3A_26 : i32
      %lt3A_28 = arith.constant 0 : i32
      %lt3A_29 = arith.cmpi slt, %select_n3A_22, %lt3A_28 : i32
      %ne3A_30 = arith.xori %lt3A_27, %lt3A_29 : i1
      %and3A_31 = arith.andi %ne3A_30, %ne3A_25 : i1
      %add3A_32 = arith.addi %rem3A_23, %select_n3A_22 : i32
      %select_n3A_33 = arith.select %and3A_31, %add3A_32, %rem3A_23 : i32
      %mul3A_34 = arith.constant 2560 : i32
      %mul3A_35 = arith.muli %select_n3A_33, %mul3A_34 : i32
      "tpu.region"() ({
        %run_scoped3A = tpu.sem_alloc : memref<!tpu.dma_semaphore, #tpu.memory_space<semaphore_mem>>
        tpu.enqueue_dma source(%arg3 : memref<384xf32, #tpu.memory_space<hbm>>) target(%arg5 : memref<384xf32, #tpu.memory_space<vmem>>) target_semaphore(%run_scoped3A : memref<!tpu.dma_semaphore, #tpu.memory_space<semaphore_mem>>)
        tpu.wait_dma2 semaphore(%run_scoped3A : memref<!tpu.dma_semaphore, #tpu.memory_space<semaphore_mem>>) src(%arg3 : memref<384xf32, #tpu.memory_space<hbm>>) dst(%arg5 : memref<384xf32, #tpu.memory_space<vmem>>)
        tpu.yield
      }) : () -> ()
      "tpu.region"() ({
        %run_scoped3A = tpu.sem_alloc : memref<!tpu.dma_semaphore, #tpu.memory_space<semaphore_mem>>
        tpu.enqueue_dma source(%arg2 : memref<5120xi32, #tpu.memory_space<hbm>>) target(%arg6 : memref<5120xi32, #tpu.memory_space<vmem>>) target_semaphore(%run_scoped3A : memref<!tpu.dma_semaphore, #tpu.memory_space<semaphore_mem>>)
        tpu.wait_dma2 semaphore(%run_scoped3A : memref<!tpu.dma_semaphore, #tpu.memory_space<semaphore_mem>>) src(%arg2 : memref<5120xi32, #tpu.memory_space<hbm>>) dst(%arg6 : memref<5120xi32, #tpu.memory_space<vmem>>)
        tpu.yield
      }) : () -> ()
      %scan3A = arith.constant 0 : i32
      %scan3A_36 = arith.constant 0 : i32
      %scan3A_37 = arith.constant 160 : i32
      %scan3A_38 = arith.addi %scan3A_36, %scan3A_37 : i32
      %scan3A_39 = arith.constant 1 : i32
      scf.for %scan3A_45 = %scan3A_36 to %scan3A_38 step %scan3A_39  : i32 {
        %mul3A_46 = arith.constant 16 : i32
        %mul3A_47 = arith.muli %scan3A_45, %mul3A_46 : i32
        %add3A_48 = arith.addi %mul3A_35, %mul3A_47 : i32
        %get3A = arith.index_cast %add3A_48 : i32 to index
        %get3A_49 = tpu.vector_load %arg6[%get3A] {strides = array<i32>} : memref<5120xi32, #tpu.memory_space<vmem>>, vector<16xi32>,
        %mul3A_50 = arith.constant 12 : i32
        %mul3A_51 = vector.broadcast %mul3A_50 : i32 to vector<16xi32>
        %mul3A_52 = arith.muli %get3A_49, %mul3A_51 : vector<16xi32>
        %add3A_53 = vector.broadcast %select_n3A : i32 to vector<16xi32>
        %add3A_54 = arith.addi %mul3A_52, %add3A_53 : vector<16xi32>
        %gather3A = tpu.vector_load_idx %arg5[%add3A_54] : memref<384xf32, #tpu.memory_space<vmem>>[vector<16xi32>], vector<16xf32>,
        %swap3A = arith.index_cast %add3A_48 : i32 to index
        %swap3A_55 = tpu.vector_load %arg7[%swap3A] {strides = array<i32>} : memref<5120xf32, #tpu.memory_space<vmem>>, vector<16xf32>,
        tpu.vector_store %arg7[%swap3A], %gather3A {strides = array<i32>} : memref<5120xf32, #tpu.memory_space<vmem>>, vector<16xf32>,
      }
      %scan3A_40 = arith.constant 160 : i32
      %multiple_of3A = tpu.assume_multiple %mul3A_35, 8 : i32
      %mul3A_41 = arith.constant 5120 : i32
      %mul3A_42 = arith.muli %select_n3A, %mul3A_41 : i32
      %add3A_43 = arith.addi %mul3A_42, %mul3A_35 : i32
      %multiple_of3A_44 = tpu.assume_multiple %add3A_43, 8 : i32
      "tpu.region"() ({
        %run_scoped3A = tpu.sem_alloc : memref<!tpu.dma_semaphore, #tpu.memory_space<semaphore_mem>>
        %dma_start3A = tpu.memref_slice %arg7[%multiple_of3A] : memref<5120xf32, #tpu.memory_space<vmem>> -> memref<2560xf32, #tpu.memory_space<vmem>>
        %dma_start3A_45 = tpu.memref_slice %arg4[%multiple_of3A_44] : memref<61440xf32, #tpu.memory_space<hbm>> -> memref<2560xf32, #tpu.memory_space<hbm>>
        %dma_start3A_46 = tpu.memref_slice %arg4[%multiple_of3A_44] : memref<61440xf32, #tpu.memory_space<hbm>> -> memref<2560xf32, #tpu.memory_space<hbm>>
        %dma_start3A_47 = tpu.memref_slice %arg7[%multiple_of3A] : memref<5120xf32, #tpu.memory_space<vmem>> -> memref<2560xf32, #tpu.memory_space<vmem>>
        tpu.enqueue_dma source(%dma_start3A_47 : memref<2560xf32, #tpu.memory_space<vmem>>) target(%dma_start3A_46 : memref<2560xf32, #tpu.memory_space<hbm>>) target_semaphore(%run_scoped3A : memref<!tpu.dma_semaphore, #tpu.memory_space<semaphore_mem>>)
        %dma_wait3A = tpu.memref_slice %arg7[%multiple_of3A] : memref<5120xf32, #tpu.memory_space<vmem>> -> memref<2560xf32, #tpu.memory_space<vmem>>
        %dma_wait3A_48 = tpu.memref_slice %arg4[%multiple_of3A_44] : memref<61440xf32, #tpu.memory_space<hbm>> -> memref<2560xf32, #tpu.memory_space<hbm>>
        %dma_wait3A_49 = tpu.memref_slice %arg4[%multiple_of3A_44] : memref<61440xf32, #tpu.memory_space<hbm>> -> memref<2560xf32, #tpu.memory_space<hbm>>
        %dma_wait3A_50 = tpu.memref_slice %arg7[%multiple_of3A] : memref<5120xf32, #tpu.memory_space<vmem>> -> memref<2560xf32, #tpu.memory_space<vmem>>
        tpu.wait_dma2 semaphore(%run_scoped3A : memref<!tpu.dma_semaphore, #tpu.memory_space<semaphore_mem>>) src(%dma_wait3A_50 : memref<2560xf32, #tpu.memory_space<vmem>>) dst(%dma_wait3A_49 : memref<2560xf32, #tpu.memory_space<hbm>>)
        tpu.yield
      }) : () -> ()
    } else {
    }
    return
  }
}

module attributes {stable_mosaic.version = 14 : i64} {
  func.func @_bucket_body(%arg0: memref<1x1xi32, #tpu.memory_space<smem>>, %arg1: memref<40x128xi32, #tpu.memory_space<vmem>>) attributes {dimension_semantics = [], scalar_prefetch = 0 : i64, scratch_operands = 0 : i64, tpu.core_type = #tpu.core_type<tc>} {
    %iota3A = tpu.iota {dimensions = array<i32: 0>} : vector<40x128xi32>
    %iota3A_0 = tpu.iota {dimensions = array<i32: 1>} : vector<40x128xi32>
    %mul3A = arith.constant 128 : i32
    %mul3A_1 = vector.broadcast %mul3A : i32 to vector<40x128xi32>
    %mul3A_2 = arith.muli %iota3A, %mul3A_1 : vector<40x128xi32>
    %add3A = arith.addi %mul3A_2, %iota3A_0 : vector<40x128xi32>
    %min3A = arith.constant 4094 : i32
    %min3A_3 = vector.broadcast %min3A : i32 to vector<40x128xi32>
    %min3A_4 = arith.minsi %add3A, %min3A_3 : vector<40x128xi32>
    %sub3A = arith.constant 2047 : i32
    %sub3A_5 = vector.broadcast %sub3A : i32 to vector<40x128xi32>
    %sub3A_6 = arith.subi %min3A_4, %sub3A_5 : vector<40x128xi32>
    %get3A = arith.constant 0 : index
    %get3A_7 = arith.constant 0 : index
    %get3A_8 = memref.load %arg0[%get3A, %get3A_7] : memref<1x1xi32, #tpu.memory_space<smem>>
    %add3A_9 = vector.broadcast %get3A_8 : i32 to vector<40x128xi32>
    %add3A_10 = arith.addi %sub3A_6, %add3A_9 : vector<40x128xi32>
    %abs3A = math.absi %add3A_10 : vector<40x128xi32>
    %convert_element_type3A = arith.sitofp %abs3A : vector<40x128xi32> to vector<40x128xf32>
    %div3A = arith.constant 8.000000e+00 : f32
    %div3A_11 = vector.broadcast %div3A : f32 to vector<40x128xf32>
    %div3A_12 = arith.divf %convert_element_type3A, %div3A_11 : vector<40x128xf32>
    %log3A = math.log %div3A_12 : vector<40x128xf32>
    %div3A_13 = arith.constant 2.77258873 : f32
    %div3A_14 = vector.broadcast %div3A_13 : f32 to vector<40x128xf32>
    %div3A_15 = arith.divf %log3A, %div3A_14 : vector<40x128xf32>
    %mul3A_16 = arith.constant 8.000000e+00 : f32
    %mul3A_17 = vector.broadcast %mul3A_16 : f32 to vector<40x128xf32>
    %mul3A_18 = arith.mulf %div3A_15, %mul3A_17 : vector<40x128xf32>
    %convert_element_type3A_19 = arith.fptosi %mul3A_18 : vector<40x128xf32> to vector<40x128xi32>
    %add3A_20 = arith.constant 8 : i32
    %add3A_21 = vector.broadcast %add3A_20 : i32 to vector<40x128xi32>
    %add3A_22 = arith.addi %add3A_21, %convert_element_type3A_19 : vector<40x128xi32>
    %min3A_23 = arith.constant 15 : i32
    %min3A_24 = vector.broadcast %min3A_23 : i32 to vector<40x128xi32>
    %min3A_25 = arith.minsi %add3A_22, %min3A_24 : vector<40x128xi32>
    %lt3A = arith.constant 8 : i32
    %lt3A_26 = vector.broadcast %lt3A : i32 to vector<40x128xi32>
    %lt3A_27 = arith.cmpi slt, %abs3A, %lt3A_26 : vector<40x128xi32>
    %select_n3A = arith.select %lt3A_27, %abs3A, %min3A_25 : vector<40x128xi1>, vector<40x128xi32>
    %ge3A = arith.constant 1 : i32
    %ge3A_28 = vector.broadcast %ge3A : i32 to vector<40x128xi32>
    %ge3A_29 = arith.cmpi sge, %sub3A_6, %ge3A_28 : vector<40x128xi32>
    %jit3A = arith.constant 16 : i32
    %jit3A_30 = arith.constant 0 : i32
    %broadcast_in_dim3A = vector.broadcast %jit3A : i32 to vector<40x128xi32>
    %broadcast_in_dim3A_31 = vector.broadcast %jit3A_30 : i32 to vector<40x128xi32>
    %select_n3A_32 = arith.select %ge3A_29, %broadcast_in_dim3A, %broadcast_in_dim3A_31 : vector<40x128xi1>, vector<40x128xi32>
    %add3A_33 = arith.addi %select_n3A, %select_n3A_32 : vector<40x128xi32>
    %swap3A = arith.constant 0 : index
    %swap3A_34 = arith.constant 0 : index
    %swap3A_35 = vector.load %arg1[%swap3A, %swap3A_34] : memref<40x128xi32, #tpu.memory_space<vmem>>, vector<40x128xi32>
    tpu.vector_store %arg1[%swap3A, %swap3A_34], %add3A_33 {strides = array<i32>} : memref<40x128xi32, #tpu.memory_space<vmem>>, vector<40x128xi32>,
    return
  }
}

module attributes {stable_mosaic.version = 14 : i64} {
  func.func @_expand_body(%arg0: i32, %arg1: memref<5120xf32, #tpu.memory_space<vmem>>, %arg2: memref<1x12x2048x2048xf32, #tpu.memory_space<any>>, %arg3: memref<2x128x4096xf32, #tpu.memory_space<vmem>>, %arg4: memref<2x!tpu.dma_semaphore, #tpu.memory_space<semaphore_mem>>) attributes {dimension_semantics = [#tpu.dimension_semantics<arbitrary>], iteration_bounds = array<i64: 12>, scalar_prefetch = 0 : i64, scratch_operands = 2 : i64, tpu.core_type = #tpu.core_type<tc>, window_params = [{transform_indices = @transform_0, window_bounds = array<i64: 5120>}, {}]} {
    %rem3A = arith.constant 2 : i32
    %rem3A_0 = arith.remsi %arg0, %rem3A : i32
    %ge3A = arith.constant 2 : i32
    %ge3A_1 = arith.cmpi sge, %arg0, %ge3A : i32
    %convert_element_type3A = arith.extui %ge3A_1 : i1 to i32
    %cond3A = arith.constant 0 : i32
    %cond3A_2 = arith.cmpi ne, %convert_element_type3A, %cond3A : i32
    scf.if %cond3A_2 {
      %sub3A = arith.constant 2 : i32
      %sub3A_1204 = arith.subi %arg0, %sub3A : i32
      %dma_wait3A = arith.constant 0 : i32
      %dma_wait3A_1205 = tpu.memref_slice %arg4[%rem3A_0] : memref<2x!tpu.dma_semaphore, #tpu.memory_space<semaphore_mem>> -> memref<1x!tpu.dma_semaphore, #tpu.memory_space<semaphore_mem>>
      %dma_wait3A_1206 = tpu.memref_squeeze %dma_wait3A_1205 : memref<1x!tpu.dma_semaphore, #tpu.memory_space<semaphore_mem>> -> memref<!tpu.dma_semaphore, #tpu.memory_space<semaphore_mem>>
      %dma_wait3A_1207 = arith.constant 0 : i32
      %dma_wait3A_1208 = arith.constant 0 : i32
      %dma_wait3A_1209 = tpu.memref_slice %arg2[%dma_wait3A, %sub3A_1204, %dma_wait3A_1207, %dma_wait3A_1208] : memref<1x12x2048x2048xf32, #tpu.memory_space<any>> -> memref<1x1x128x2048xf32, #tpu.memory_space<any>>
      %dma_wait3A_1210 = tpu.memref_squeeze %dma_wait3A_1209 : memref<1x1x128x2048xf32, #tpu.memory_space<any>> -> memref<128x2048xf32, #tpu.memory_space<any>>
      %dma_wait3A_1211 = arith.constant 0 : i32
      %dma_wait3A_1212 = arith.constant 1920 : i32
      %dma_wait3A_1213 = tpu.memref_slice %arg3[%rem3A_0, %dma_wait3A_1211, %dma_wait3A_1212] : memref<2x128x4096xf32, #tpu.memory_space<vmem>> -> memref<1x128x2048xf32, #tpu.memory_space<vmem>>
      %dma_wait3A_1214 = tpu.memref_squeeze %dma_wait3A_1213 : memref<1x128x2048xf32, #tpu.memory_space<vmem>> -> memref<128x2048xf32, #tpu.memory_space<vmem>>
      tpu.wait_dma2 semaphore(%dma_wait3A_1206 : memref<!tpu.dma_semaphore, #tpu.memory_space<semaphore_mem>>) src(%dma_wait3A_1214 : memref<128x2048xf32, #tpu.memory_space<vmem>>) dst(%dma_wait3A_1210 : memref<128x2048xf32, #tpu.memory_space<any>>)
      %dma_wait3A_1215 = arith.constant 0 : i32
      %dma_wait3A_1216 = tpu.memref_slice %arg4[%rem3A_0] : memref<2x!tpu.dma_semaphore, #tpu.memory_space<semaphore_mem>> -> memref<1x!tpu.dma_semaphore, #tpu.memory_space<semaphore_mem>>
      %dma_wait3A_1217 = tpu.memref_squeeze %dma_wait3A_1216 : memref<1x!tpu.dma_semaphore, #tpu.memory_space<semaphore_mem>> -> memref<!tpu.dma_semaphore, #tpu.memory_space<semaphore_mem>>
      %dma_wait3A_1218 = arith.constant 128 : i32
      %dma_wait3A_1219 = arith.constant 0 : i32
      %dma_wait3A_1220 = tpu.memref_slice %arg2[%dma_wait3A_1215, %sub3A_1204, %dma_wait3A_1218, %dma_wait3A_1219] : memref<1x12x2048x2048xf32, #tpu.memory_space<any>> -> memref<1x1x128x2048xf32, #tpu.memory_space<any>>
      %dma_wait3A_1221 = tpu.memref_squeeze %dma_wait3A_1220 : memref<1x1x128x2048xf32, #tpu.memory_space<any>> -> memref<128x2048xf32, #tpu.memory_space<any>>
      %dma_wait3A_1222 = arith.constant 0 : i32
      %dma_wait3A_1223 = arith.constant 1792 : i32
      %dma_wait3A_1224 = tpu.memref_slice %arg3[%rem3A_0, %dma_wait3A_1222, %dma_wait3A_1223] : memref<2x128x4096xf32, #tpu.memory_space<vmem>> -> memref<1x128x2048xf32, #tpu.memory_space<vmem>>
      %dma_wait3A_1225 = tpu.memref_squeeze %dma_wait3A_1224 : memref<1x128x2048xf32, #tpu.memory_space<vmem>> -> memref<128x2048xf32, #tpu.memory_space<vmem>>
      tpu.wait_dma2 semaphore(%dma_wait3A_1217 : memref<!tpu.dma_semaphore, #tpu.memory_space<semaphore_mem>>) src(%dma_wait3A_1225 : memref<128x2048xf32, #tpu.memory_space<vmem>>) dst(%dma_wait3A_1221 : memref<128x2048xf32, #tpu.memory_space<any>>)
      %dma_wait3A_1226 = arith.constant 0 : i32
      %dma_wait3A_1227 = tpu.memref_slice %arg4[%rem3A_0] : memref<2x!tpu.dma_semaphore, #tpu.memory_space<semaphore_mem>> -> memref<1x!tpu.dma_semaphore, #tpu.memory_space<semaphore_mem>>
      %dma_wait3A_1228 = tpu.memref_squeeze %dma_wait3A_1227 : memref<1x!tpu.dma_semaphore, #tpu.memory_space<semaphore_mem>> -> memref<!tpu.dma_semaphore, #tpu.memory_space<semaphore_mem>>
      %dma_wait3A_1229 = arith.constant 256 : i32
      %dma_wait3A_1230 = arith.constant 0 : i32
      %dma_wait3A_1231 = tpu.memref_slice %arg2[%dma_wait3A_1226, %sub3A_1204, %dma_wait3A_1229, %dma_wait3A_1230] : memref<1x12x2048x2048xf32, #tpu.memory_space<any>> -> memref<1x1x128x2048xf32, #tpu.memory_space<any>>
      %dma_wait3A_1232 = tpu.memref_squeeze %dma_wait3A_1231 : memref<1x1x128x2048xf32, #tpu.memory_space<any>> -> memref<128x2048xf32, #tpu.memory_space<any>>
      %dma_wait3A_1233 = arith.constant 0 : i32
      %dma_wait3A_1234 = arith.constant 1664 : i32
      %dma_wait3A_1235 = tpu.memref_slice %arg3[%rem3A_0, %dma_wait3A_1233, %dma_wait3A_1234] : memref<2x128x4096xf32, #tpu.memory_space<vmem>> -> memref<1x128x2048xf32, #tpu.memory_space<vmem>>
      %dma_wait3A_1236 = tpu.memref_squeeze %dma_wait3A_1235 : memref<1x128x2048xf32, #tpu.memory_space<vmem>> -> memref<128x2048xf32, #tpu.memory_space<vmem>>
      tpu.wait_dma2 semaphore(%dma_wait3A_1228 : memref<!tpu.dma_semaphore, #tpu.memory_space<semaphore_mem>>) src(%dma_wait3A_1236 : memref<128x2048xf32, #tpu.memory_space<vmem>>) dst(%dma_wait3A_1232 : memref<128x2048xf32, #tpu.memory_space<any>>)
      %dma_wait3A_1237 = arith.constant 0 : i32
      %dma_wait3A_1238 = tpu.memref_slice %arg4[%rem3A_0] : memref<2x!tpu.dma_semaphore, #tpu.memory_space<semaphore_mem>> -> memref<1x!tpu.dma_semaphore, #tpu.memory_space<semaphore_mem>>
      %dma_wait3A_1239 = tpu.memref_squeeze %dma_wait3A_1238 : memref<1x!tpu.dma_semaphore, #tpu.memory_space<semaphore_mem>> -> memref<!tpu.dma_semaphore, #tpu.memory_space<semaphore_mem>>
      %dma_wait3A_1240 = arith.constant 384 : i32
      %dma_wait3A_1241 = arith.constant 0 : i32
      %dma_wait3A_1242 = tpu.memref_slice %arg2[%dma_wait3A_1237, %sub3A_1204, %dma_wait3A_1240, %dma_wait3A_1241] : memref<1x12x2048x2048xf32, #tpu.memory_space<any>> -> memref<1x1x128x2048xf32, #tpu.memory_space<any>>
      %dma_wait3A_1243 = tpu.memref_squeeze %dma_wait3A_1242 : memref<1x1x128x2048xf32, #tpu.memory_space<any>> -> memref<128x2048xf32, #tpu.memory_space<any>>
      %dma_wait3A_1244 = arith.constant 0 : i32
      %dma_wait3A_1245 = arith.constant 1536 : i32
      %dma_wait3A_1246 = tpu.memref_slice %arg3[%rem3A_0, %dma_wait3A_1244, %dma_wait3A_1245] : memref<2x128x4096xf32, #tpu.memory_space<vmem>> -> memref<1x128x2048xf32, #tpu.memory_space<vmem>>
      %dma_wait3A_1247 = tpu.memref_squeeze %dma_wait3A_1246 : memref<1x128x2048xf32, #tpu.memory_space<vmem>> -> memref<128x2048xf32, #tpu.memory_space<vmem>>
      tpu.wait_dma2 semaphore(%dma_wait3A_1239 : memref<!tpu.dma_semaphore, #tpu.memory_space<semaphore_mem>>) src(%dma_wait3A_1247 : memref<128x2048xf32, #tpu.memory_space<vmem>>) dst(%dma_wait3A_1243 : memref<128x2048xf32, #tpu.memory_space<any>>)
      %dma_wait3A_1248 = arith.constant 0 : i32
      %dma_wait3A_1249 = tpu.memref_slice %arg4[%rem3A_0] : memref<2x!tpu.dma_semaphore, #tpu.memory_space<semaphore_mem>> -> memref<1x!tpu.dma_semaphore, #tpu.memory_space<semaphore_mem>>
      %dma_wait3A_1250 = tpu.memref_squeeze %dma_wait3A_1249 : memref<1x!tpu.dma_semaphore, #tpu.memory_space<semaphore_mem>> -> memref<!tpu.dma_semaphore, #tpu.memory_space<semaphore_mem>>
      %dma_wait3A_1251 = arith.constant 512 : i32
      %dma_wait3A_1252 = arith.constant 0 : i32
      %dma_wait3A_1253 = tpu.memref_slice %arg2[%dma_wait3A_1248, %sub3A_1204, %dma_wait3A_1251, %dma_wait3A_1252] : memref<1x12x2048x2048xf32, #tpu.memory_space<any>> -> memref<1x1x128x2048xf32, #tpu.memory_space<any>>
      %dma_wait3A_1254 = tpu.memref_squeeze %dma_wait3A_1253 : memref<1x1x128x2048xf32, #tpu.memory_space<any>> -> memref<128x2048xf32, #tpu.memory_space<any>>
      %dma_wait3A_1255 = arith.constant 0 : i32
      %dma_wait3A_1256 = arith.constant 1408 : i32
      %dma_wait3A_1257 = tpu.memref_slice %arg3[%rem3A_0, %dma_wait3A_1255, %dma_wait3A_1256] : memref<2x128x4096xf32, #tpu.memory_space<vmem>> -> memref<1x128x2048xf32, #tpu.memory_space<vmem>>
      %dma_wait3A_1258 = tpu.memref_squeeze %dma_wait3A_1257 : memref<1x128x2048xf32, #tpu.memory_space<vmem>> -> memref<128x2048xf32, #tpu.memory_space<vmem>>
      tpu.wait_dma2 semaphore(%dma_wait3A_1250 : memref<!tpu.dma_semaphore, #tpu.memory_space<semaphore_mem>>) src(%dma_wait3A_1258 : memref<128x2048xf32, #tpu.memory_space<vmem>>) dst(%dma_wait3A_1254 : memref<128x2048xf32, #tpu.memory_space<any>>)
      %dma_wait3A_1259 = arith.constant 0 : i32
      %dma_wait3A_1260 = tpu.memref_slice %arg4[%rem3A_0] : memref<2x!tpu.dma_semaphore, #tpu.memory_space<semaphore_mem>> -> memref<1x!tpu.dma_semaphore, #tpu.memory_space<semaphore_mem>>
      %dma_wait3A_1261 = tpu.memref_squeeze %dma_wait3A_1260 : memref<1x!tpu.dma_semaphore, #tpu.memory_space<semaphore_mem>> -> memref<!tpu.dma_semaphore, #tpu.memory_space<semaphore_mem>>
      %dma_wait3A_1262 = arith.constant 640 : i32
      %dma_wait3A_1263 = arith.constant 0 : i32
      %dma_wait3A_1264 = tpu.memref_slice %arg2[%dma_wait3A_1259, %sub3A_1204, %dma_wait3A_1262, %dma_wait3A_1263] : memref<1x12x2048x2048xf32, #tpu.memory_space<any>> -> memref<1x1x128x2048xf32, #tpu.memory_space<any>>
      %dma_wait3A_1265 = tpu.memref_squeeze %dma_wait3A_1264 : memref<1x1x128x2048xf32, #tpu.memory_space<any>> -> memref<128x2048xf32, #tpu.memory_space<any>>
      %dma_wait3A_1266 = arith.constant 0 : i32
      %dma_wait3A_1267 = arith.constant 1280 : i32
      %dma_wait3A_1268 = tpu.memref_slice %arg3[%rem3A_0, %dma_wait3A_1266, %dma_wait3A_1267] : memref<2x128x4096xf32, #tpu.memory_space<vmem>> -> memref<1x128x2048xf32, #tpu.memory_space<vmem>>
      %dma_wait3A_1269 = tpu.memref_squeeze %dma_wait3A_1268 : memref<1x128x2048xf32, #tpu.memory_space<vmem>> -> memref<128x2048xf32, #tpu.memory_space<vmem>>
      tpu.wait_dma2 semaphore(%dma_wait3A_1261 : memref<!tpu.dma_semaphore, #tpu.memory_space<semaphore_mem>>) src(%dma_wait3A_1269 : memref<128x2048xf32, #tpu.memory_space<vmem>>) dst(%dma_wait3A_1265 : memref<128x2048xf32, #tpu.memory_space<any>>)
      %dma_wait3A_1270 = arith.constant 0 : i32
      %dma_wait3A_1271 = tpu.memref_slice %arg4[%rem3A_0] : memref<2x!tpu.dma_semaphore, #tpu.memory_space<semaphore_mem>> -> memref<1x!tpu.dma_semaphore, #tpu.memory_space<semaphore_mem>>
      %dma_wait3A_1272 = tpu.memref_squeeze %dma_wait3A_1271 : memref<1x!tpu.dma_semaphore, #tpu.memory_space<semaphore_mem>> -> memref<!tpu.dma_semaphore, #tpu.memory_space<semaphore_mem>>
      %dma_wait3A_1273 = arith.constant 768 : i32
      %dma_wait3A_1274 = arith.constant 0 : i32
      %dma_wait3A_1275 = tpu.memref_slice %arg2[%dma_wait3A_1270, %sub3A_1204, %dma_wait3A_1273, %dma_wait3A_1274] : memref<1x12x2048x2048xf32, #tpu.memory_space<any>> -> memref<1x1x128x2048xf32, #tpu.memory_space<any>>
      %dma_wait3A_1276 = tpu.memref_squeeze %dma_wait3A_1275 : memref<1x1x128x2048xf32, #tpu.memory_space<any>> -> memref<128x2048xf32, #tpu.memory_space<any>>
      %dma_wait3A_1277 = arith.constant 0 : i32
      %dma_wait3A_1278 = arith.constant 1152 : i32
      %dma_wait3A_1279 = tpu.memref_slice %arg3[%rem3A_0, %dma_wait3A_1277, %dma_wait3A_1278] : memref<2x128x4096xf32, #tpu.memory_space<vmem>> -> memref<1x128x2048xf32, #tpu.memory_space<vmem>>
      %dma_wait3A_1280 = tpu.memref_squeeze %dma_wait3A_1279 : memref<1x128x2048xf32, #tpu.memory_space<vmem>> -> memref<128x2048xf32, #tpu.memory_space<vmem>>
      tpu.wait_dma2 semaphore(%dma_wait3A_1272 : memref<!tpu.dma_semaphore, #tpu.memory_space<semaphore_mem>>) src(%dma_wait3A_1280 : memref<128x2048xf32, #tpu.memory_space<vmem>>) dst(%dma_wait3A_1276 : memref<128x2048xf32, #tpu.memory_space<any>>)
      %dma_wait3A_1281 = arith.constant 0 : i32
      %dma_wait3A_1282 = tpu.memref_slice %arg4[%rem3A_0] : memref<2x!tpu.dma_semaphore, #tpu.memory_space<semaphore_mem>> -> memref<1x!tpu.dma_semaphore, #tpu.memory_space<semaphore_mem>>
      %dma_wait3A_1283 = tpu.memref_squeeze %dma_wait3A_1282 : memref<1x!tpu.dma_semaphore, #tpu.memory_space<semaphore_mem>> -> memref<!tpu.dma_semaphore, #tpu.memory_space<semaphore_mem>>
      %dma_wait3A_1284 = arith.constant 896 : i32
      %dma_wait3A_1285 = arith.constant 0 : i32
      %dma_wait3A_1286 = tpu.memref_slice %arg2[%dma_wait3A_1281, %sub3A_1204, %dma_wait3A_1284, %dma_wait3A_1285] : memref<1x12x2048x2048xf32, #tpu.memory_space<any>> -> memref<1x1x128x2048xf32, #tpu.memory_space<any>>
      %dma_wait3A_1287 = tpu.memref_squeeze %dma_wait3A_1286 : memref<1x1x128x2048xf32, #tpu.memory_space<any>> -> memref<128x2048xf32, #tpu.memory_space<any>>
      %dma_wait3A_1288 = arith.constant 0 : i32
      %dma_wait3A_1289 = arith.constant 1024 : i32
      %dma_wait3A_1290 = tpu.memref_slice %arg3[%rem3A_0, %dma_wait3A_1288, %dma_wait3A_1289] : memref<2x128x4096xf32, #tpu.memory_space<vmem>> -> memref<1x128x2048xf32, #tpu.memory_space<vmem>>
      %dma_wait3A_1291 = tpu.memref_squeeze %dma_wait3A_1290 : memref<1x128x2048xf32, #tpu.memory_space<vmem>> -> memref<128x2048xf32, #tpu.memory_space<vmem>>
      tpu.wait_dma2 semaphore(%dma_wait3A_1283 : memref<!tpu.dma_semaphore, #tpu.memory_space<semaphore_mem>>) src(%dma_wait3A_1291 : memref<128x2048xf32, #tpu.memory_space<vmem>>) dst(%dma_wait3A_1287 : memref<128x2048xf32, #tpu.memory_space<any>>)
      %dma_wait3A_1292 = arith.constant 0 : i32
      %dma_wait3A_1293 = tpu.memref_slice %arg4[%rem3A_0] : memref<2x!tpu.dma_semaphore, #tpu.memory_space<semaphore_mem>> -> memref<1x!tpu.dma_semaphore, #tpu.memory_space<semaphore_mem>>
      %dma_wait3A_1294 = tpu.memref_squeeze %dma_wait3A_1293 : memref<1x!tpu.dma_semaphore, #tpu.memory_space<semaphore_mem>> -> memref<!tpu.dma_semaphore, #tpu.memory_space<semaphore_mem>>
      %dma_wait3A_1295 = arith.constant 1024 : i32
      %dma_wait3A_1296 = arith.constant 0 : i32
      %dma_wait3A_1297 = tpu.memref_slice %arg2[%dma_wait3A_1292, %sub3A_1204, %dma_wait3A_1295, %dma_wait3A_1296] : memref<1x12x2048x2048xf32, #tpu.memory_space<any>> -> memref<1x1x128x2048xf32, #tpu.memory_space<any>>
      %dma_wait3A_1298 = tpu.memref_squeeze %dma_wait3A_1297 : memref<1x1x128x2048xf32, #tpu.memory_space<any>> -> memref<128x2048xf32, #tpu.memory_space<any>>
      %dma_wait3A_1299 = arith.constant 0 : i32
      %dma_wait3A_1300 = arith.constant 896 : i32
      %dma_wait3A_1301 = tpu.memref_slice %arg3[%rem3A_0, %dma_wait3A_1299, %dma_wait3A_1300] : memref<2x128x4096xf32, #tpu.memory_space<vmem>> -> memref<1x128x2048xf32, #tpu.memory_space<vmem>>
      %dma_wait3A_1302 = tpu.memref_squeeze %dma_wait3A_1301 : memref<1x128x2048xf32, #tpu.memory_space<vmem>> -> memref<128x2048xf32, #tpu.memory_space<vmem>>
      tpu.wait_dma2 semaphore(%dma_wait3A_1294 : memref<!tpu.dma_semaphore, #tpu.memory_space<semaphore_mem>>) src(%dma_wait3A_1302 : memref<128x2048xf32, #tpu.memory_space<vmem>>) dst(%dma_wait3A_1298 : memref<128x2048xf32, #tpu.memory_space<any>>)
      %dma_wait3A_1303 = arith.constant 0 : i32
      %dma_wait3A_1304 = tpu.memref_slice %arg4[%rem3A_0] : memref<2x!tpu.dma_semaphore, #tpu.memory_space<semaphore_mem>> -> memref<1x!tpu.dma_semaphore, #tpu.memory_space<semaphore_mem>>
      %dma_wait3A_1305 = tpu.memref_squeeze %dma_wait3A_1304 : memref<1x!tpu.dma_semaphore, #tpu.memory_space<semaphore_mem>> -> memref<!tpu.dma_semaphore, #tpu.memory_space<semaphore_mem>>
      %dma_wait3A_1306 = arith.constant 1152 : i32
      %dma_wait3A_1307 = arith.constant 0 : i32
      %dma_wait3A_1308 = tpu.memref_slice %arg2[%dma_wait3A_1303, %sub3A_1204, %dma_wait3A_1306, %dma_wait3A_1307] : memref<1x12x2048x2048xf32, #tpu.memory_space<any>> -> memref<1x1x128x2048xf32, #tpu.memory_space<any>>
      %dma_wait3A_1309 = tpu.memref_squeeze %dma_wait3A_1308 : memref<1x1x128x2048xf32, #tpu.memory_space<any>> -> memref<128x2048xf32, #tpu.memory_space<any>>
      %dma_wait3A_1310 = arith.constant 0 : i32
      %dma_wait3A_1311 = arith.constant 768 : i32
      %dma_wait3A_1312 = tpu.memref_slice %arg3[%rem3A_0, %dma_wait3A_1310, %dma_wait3A_1311] : memref<2x128x4096xf32, #tpu.memory_space<vmem>> -> memref<1x128x2048xf32, #tpu.memory_space<vmem>>
      %dma_wait3A_1313 = tpu.memref_squeeze %dma_wait3A_1312 : memref<1x128x2048xf32, #tpu.memory_space<vmem>> -> memref<128x2048xf32, #tpu.memory_space<vmem>>
      tpu.wait_dma2 semaphore(%dma_wait3A_1305 : memref<!tpu.dma_semaphore, #tpu.memory_space<semaphore_mem>>) src(%dma_wait3A_1313 : memref<128x2048xf32, #tpu.memory_space<vmem>>) dst(%dma_wait3A_1309 : memref<128x2048xf32, #tpu.memory_space<any>>)
      %dma_wait3A_1314 = arith.constant 0 : i32
      %dma_wait3A_1315 = tpu.memref_slice %arg4[%rem3A_0] : memref<2x!tpu.dma_semaphore, #tpu.memory_space<semaphore_mem>> -> memref<1x!tpu.dma_semaphore, #tpu.memory_space<semaphore_mem>>
      %dma_wait3A_1316 = tpu.memref_squeeze %dma_wait3A_1315 : memref<1x!tpu.dma_semaphore, #tpu.memory_space<semaphore_mem>> -> memref<!tpu.dma_semaphore, #tpu.memory_space<semaphore_mem>>
      %dma_wait3A_1317 = arith.constant 1280 : i32
      %dma_wait3A_1318 = arith.constant 0 : i32
      %dma_wait3A_1319 = tpu.memref_slice %arg2[%dma_wait3A_1314, %sub3A_1204, %dma_wait3A_1317, %dma_wait3A_1318] : memref<1x12x2048x2048xf32, #tpu.memory_space<any>> -> memref<1x1x128x2048xf32, #tpu.memory_space<any>>
      %dma_wait3A_1320 = tpu.memref_squeeze %dma_wait3A_1319 : memref<1x1x128x2048xf32, #tpu.memory_space<any>> -> memref<128x2048xf32, #tpu.memory_space<any>>
      %dma_wait3A_1321 = arith.constant 0 : i32
      %dma_wait3A_1322 = arith.constant 640 : i32
      %dma_wait3A_1323 = tpu.memref_slice %arg3[%rem3A_0, %dma_wait3A_1321, %dma_wait3A_1322] : memref<2x128x4096xf32, #tpu.memory_space<vmem>> -> memref<1x128x2048xf32, #tpu.memory_space<vmem>>
      %dma_wait3A_1324 = tpu.memref_squeeze %dma_wait3A_1323 : memref<1x128x2048xf32, #tpu.memory_space<vmem>> -> memref<128x2048xf32, #tpu.memory_space<vmem>>
      tpu.wait_dma2 semaphore(%dma_wait3A_1316 : memref<!tpu.dma_semaphore, #tpu.memory_space<semaphore_mem>>) src(%dma_wait3A_1324 : memref<128x2048xf32, #tpu.memory_space<vmem>>) dst(%dma_wait3A_1320 : memref<128x2048xf32, #tpu.memory_space<any>>)
      %dma_wait3A_1325 = arith.constant 0 : i32
      %dma_wait3A_1326 = tpu.memref_slice %arg4[%rem3A_0] : memref<2x!tpu.dma_semaphore, #tpu.memory_space<semaphore_mem>> -> memref<1x!tpu.dma_semaphore, #tpu.memory_space<semaphore_mem>>
      %dma_wait3A_1327 = tpu.memref_squeeze %dma_wait3A_1326 : memref<1x!tpu.dma_semaphore, #tpu.memory_space<semaphore_mem>> -> memref<!tpu.dma_semaphore, #tpu.memory_space<semaphore_mem>>
      %dma_wait3A_1328 = arith.constant 1408 : i32
      %dma_wait3A_1329 = arith.constant 0 : i32
      %dma_wait3A_1330 = tpu.memref_slice %arg2[%dma_wait3A_1325, %sub3A_1204, %dma_wait3A_1328, %dma_wait3A_1329] : memref<1x12x2048x2048xf32, #tpu.memory_space<any>> -> memref<1x1x128x2048xf32, #tpu.memory_space<any>>
      %dma_wait3A_1331 = tpu.memref_squeeze %dma_wait3A_1330 : memref<1x1x128x2048xf32, #tpu.memory_space<any>> -> memref<128x2048xf32, #tpu.memory_space<any>>
      %dma_wait3A_1332 = arith.constant 0 : i32
      %dma_wait3A_1333 = arith.constant 512 : i32
      %dma_wait3A_1334 = tpu.memref_slice %arg3[%rem3A_0, %dma_wait3A_1332, %dma_wait3A_1333] : memref<2x128x4096xf32, #tpu.memory_space<vmem>> -> memref<1x128x2048xf32, #tpu.memory_space<vmem>>
      %dma_wait3A_1335 = tpu.memref_squeeze %dma_wait3A_1334 : memref<1x128x2048xf32, #tpu.memory_space<vmem>> -> memref<128x2048xf32, #tpu.memory_space<vmem>>
      tpu.wait_dma2 semaphore(%dma_wait3A_1327 : memref<!tpu.dma_semaphore, #tpu.memory_space<semaphore_mem>>) src(%dma_wait3A_1335 : memref<128x2048xf32, #tpu.memory_space<vmem>>) dst(%dma_wait3A_1331 : memref<128x2048xf32, #tpu.memory_space<any>>)
      %dma_wait3A_1336 = arith.constant 0 : i32
      %dma_wait3A_1337 = tpu.memref_slice %arg4[%rem3A_0] : memref<2x!tpu.dma_semaphore, #tpu.memory_space<semaphore_mem>> -> memref<1x!tpu.dma_semaphore, #tpu.memory_space<semaphore_mem>>
      %dma_wait3A_1338 = tpu.memref_squeeze %dma_wait3A_1337 : memref<1x!tpu.dma_semaphore, #tpu.memory_space<semaphore_mem>> -> memref<!tpu.dma_semaphore, #tpu.memory_space<semaphore_mem>>
      %dma_wait3A_1339 = arith.constant 1536 : i32
      %dma_wait3A_1340 = arith.constant 0 : i32
      %dma_wait3A_1341 = tpu.memref_slice %arg2[%dma_wait3A_1336, %sub3A_1204, %dma_wait3A_1339, %dma_wait3A_1340] : memref<1x12x2048x2048xf32, #tpu.memory_space<any>> -> memref<1x1x128x2048xf32, #tpu.memory_space<any>>
      %dma_wait3A_1342 = tpu.memref_squeeze %dma_wait3A_1341 : memref<1x1x128x2048xf32, #tpu.memory_space<any>> -> memref<128x2048xf32, #tpu.memory_space<any>>
      %dma_wait3A_1343 = arith.constant 0 : i32
      %dma_wait3A_1344 = arith.constant 384 : i32
      %dma_wait3A_1345 = tpu.memref_slice %arg3[%rem3A_0, %dma_wait3A_1343, %dma_wait3A_1344] : memref<2x128x4096xf32, #tpu.memory_space<vmem>> -> memref<1x128x2048xf32, #tpu.memory_space<vmem>>
      %dma_wait3A_1346 = tpu.memref_squeeze %dma_wait3A_1345 : memref<1x128x2048xf32, #tpu.memory_space<vmem>> -> memref<128x2048xf32, #tpu.memory_space<vmem>>
      tpu.wait_dma2 semaphore(%dma_wait3A_1338 : memref<!tpu.dma_semaphore, #tpu.memory_space<semaphore_mem>>) src(%dma_wait3A_1346 : memref<128x2048xf32, #tpu.memory_space<vmem>>) dst(%dma_wait3A_1342 : memref<128x2048xf32, #tpu.memory_space<any>>)
      %dma_wait3A_1347 = arith.constant 0 : i32
      %dma_wait3A_1348 = tpu.memref_slice %arg4[%rem3A_0] : memref<2x!tpu.dma_semaphore, #tpu.memory_space<semaphore_mem>> -> memref<1x!tpu.dma_semaphore, #tpu.memory_space<semaphore_mem>>
      %dma_wait3A_1349 = tpu.memref_squeeze %dma_wait3A_1348 : memref<1x!tpu.dma_semaphore, #tpu.memory_space<semaphore_mem>> -> memref<!tpu.dma_semaphore, #tpu.memory_space<semaphore_mem>>
      %dma_wait3A_1350 = arith.constant 1664 : i32
      %dma_wait3A_1351 = arith.constant 0 : i32
      %dma_wait3A_1352 = tpu.memref_slice %arg2[%dma_wait3A_1347, %sub3A_1204, %dma_wait3A_1350, %dma_wait3A_1351] : memref<1x12x2048x2048xf32, #tpu.memory_space<any>> -> memref<1x1x128x2048xf32, #tpu.memory_space<any>>
      %dma_wait3A_1353 = tpu.memref_squeeze %dma_wait3A_1352 : memref<1x1x128x2048xf32, #tpu.memory_space<any>> -> memref<128x2048xf32, #tpu.memory_space<any>>
      %dma_wait3A_1354 = arith.constant 0 : i32
      %dma_wait3A_1355 = arith.constant 256 : i32
      %dma_wait3A_1356 = tpu.memref_slice %arg3[%rem3A_0, %dma_wait3A_1354, %dma_wait3A_1355] : memref<2x128x4096xf32, #tpu.memory_space<vmem>> -> memref<1x128x2048xf32, #tpu.memory_space<vmem>>
      %dma_wait3A_1357 = tpu.memref_squeeze %dma_wait3A_1356 : memref<1x128x2048xf32, #tpu.memory_space<vmem>> -> memref<128x2048xf32, #tpu.memory_space<vmem>>
      tpu.wait_dma2 semaphore(%dma_wait3A_1349 : memref<!tpu.dma_semaphore, #tpu.memory_space<semaphore_mem>>) src(%dma_wait3A_1357 : memref<128x2048xf32, #tpu.memory_space<vmem>>) dst(%dma_wait3A_1353 : memref<128x2048xf32, #tpu.memory_space<any>>)
      %dma_wait3A_1358 = arith.constant 0 : i32
      %dma_wait3A_1359 = tpu.memref_slice %arg4[%rem3A_0] : memref<2x!tpu.dma_semaphore, #tpu.memory_space<semaphore_mem>> -> memref<1x!tpu.dma_semaphore, #tpu.memory_space<semaphore_mem>>
      %dma_wait3A_1360 = tpu.memref_squeeze %dma_wait3A_1359 : memref<1x!tpu.dma_semaphore, #tpu.memory_space<semaphore_mem>> -> memref<!tpu.dma_semaphore, #tpu.memory_space<semaphore_mem>>
      %dma_wait3A_1361 = arith.constant 1792 : i32
      %dma_wait3A_1362 = arith.constant 0 : i32
      %dma_wait3A_1363 = tpu.memref_slice %arg2[%dma_wait3A_1358, %sub3A_1204, %dma_wait3A_1361, %dma_wait3A_1362] : memref<1x12x2048x2048xf32, #tpu.memory_space<any>> -> memref<1x1x128x2048xf32, #tpu.memory_space<any>>
      %dma_wait3A_1364 = tpu.memref_squeeze %dma_wait3A_1363 : memref<1x1x128x2048xf32, #tpu.memory_space<any>> -> memref<128x2048xf32, #tpu.memory_space<any>>
      %dma_wait3A_1365 = arith.constant 0 : i32
      %dma_wait3A_1366 = arith.constant 128 : i32
      %dma_wait3A_1367 = tpu.memref_slice %arg3[%rem3A_0, %dma_wait3A_1365, %dma_wait3A_1366] : memref<2x128x4096xf32, #tpu.memory_space<vmem>> -> memref<1x128x2048xf32, #tpu.memory_space<vmem>>
      %dma_wait3A_1368 = tpu.memref_squeeze %dma_wait3A_1367 : memref<1x128x2048xf32, #tpu.memory_space<vmem>> -> memref<128x2048xf32, #tpu.memory_space<vmem>>
      tpu.wait_dma2 semaphore(%dma_wait3A_1360 : memref<!tpu.dma_semaphore, #tpu.memory_space<semaphore_mem>>) src(%dma_wait3A_1368 : memref<128x2048xf32, #tpu.memory_space<vmem>>) dst(%dma_wait3A_1364 : memref<128x2048xf32, #tpu.memory_space<any>>)
      %dma_wait3A_1369 = arith.constant 0 : i32
      %dma_wait3A_1370 = tpu.memref_slice %arg4[%rem3A_0] : memref<2x!tpu.dma_semaphore, #tpu.memory_space<semaphore_mem>> -> memref<1x!tpu.dma_semaphore, #tpu.memory_space<semaphore_mem>>
      %dma_wait3A_1371 = tpu.memref_squeeze %dma_wait3A_1370 : memref<1x!tpu.dma_semaphore, #tpu.memory_space<semaphore_mem>> -> memref<!tpu.dma_semaphore, #tpu.memory_space<semaphore_mem>>
      %dma_wait3A_1372 = arith.constant 1920 : i32
      %dma_wait3A_1373 = arith.constant 0 : i32
      %dma_wait3A_1374 = tpu.memref_slice %arg2[%dma_wait3A_1369, %sub3A_1204, %dma_wait3A_1372, %dma_wait3A_1373] : memref<1x12x2048x2048xf32, #tpu.memory_space<any>> -> memref<1x1x128x2048xf32, #tpu.memory_space<any>>
      %dma_wait3A_1375 = tpu.memref_squeeze %dma_wait3A_1374 : memref<1x1x128x2048xf32, #tpu.memory_space<any>> -> memref<128x2048xf32, #tpu.memory_space<any>>
      %dma_wait3A_1376 = arith.constant 0 : i32
      %dma_wait3A_1377 = arith.constant 0 : i32
      %dma_wait3A_1378 = tpu.memref_slice %arg3[%rem3A_0, %dma_wait3A_1376, %dma_wait3A_1377] : memref<2x128x4096xf32, #tpu.memory_space<vmem>> -> memref<1x128x2048xf32, #tpu.memory_space<vmem>>
      %dma_wait3A_1379 = tpu.memref_squeeze %dma_wait3A_1378 : memref<1x128x2048xf32, #tpu.memory_space<vmem>> -> memref<128x2048xf32, #tpu.memory_space<vmem>>
      tpu.wait_dma2 semaphore(%dma_wait3A_1371 : memref<!tpu.dma_semaphore, #tpu.memory_space<semaphore_mem>>) src(%dma_wait3A_1379 : memref<128x2048xf32, #tpu.memory_space<vmem>>) dst(%dma_wait3A_1375 : memref<128x2048xf32, #tpu.memory_space<any>>)
    } else {
    }
    %get3A = arith.constant 127 : index
    %get3A_3 = vector.load %arg1[%get3A] : memref<5120xf32, #tpu.memory_space<vmem>>, vector<4096xf32>
    %swap3A = arith.index_cast %rem3A_0 : i32 to index
    %swap3A_4 = arith.constant 0 : index
    %swap3A_5 = arith.constant 0 : index
    %swap3A_6 = vector.load %arg3[%swap3A, %swap3A_4, %swap3A_5] : memref<2x128x4096xf32, #tpu.memory_space<vmem>>, vector<1x1x4096xf32>
    %swap3A_7 = vector.shape_cast %swap3A_6 : vector<1x1x4096xf32> to vector<4096xf32>
    %swap3A_8 = vector.shape_cast %get3A_3 : vector<4096xf32> to vector<1x1x4096xf32>
    tpu.vector_store %arg3[%swap3A, %swap3A_4, %swap3A_5], %swap3A_8 {strides = array<i32>} : memref<2x128x4096xf32, #tpu.memory_space<vmem>>, vector<1x1x4096xf32>,
    %get3A_9 = arith.constant 126 : index
    %get3A_10 = vector.load %arg1[%get3A_9] : memref<5120xf32, #tpu.memory_space<vmem>>, vector<4096xf32>
    %swap3A_11 = arith.index_cast %rem3A_0 : i32 to index
    %swap3A_12 = arith.constant 1 : index
    %swap3A_13 = arith.constant 0 : index
    %swap3A_14 = vector.load %arg3[%swap3A_11, %swap3A_12, %swap3A_13] : memref<2x128x4096xf32, #tpu.memory_space<vmem>>, vector<1x1x4096xf32>
    %swap3A_15 = vector.shape_cast %swap3A_14 : vector<1x1x4096xf32> to vector<4096xf32>
    %swap3A_16 = vector.shape_cast %get3A_10 : vector<4096xf32> to vector<1x1x4096xf32>
    tpu.vector_store %arg3[%swap3A_11, %swap3A_12, %swap3A_13], %swap3A_16 {strides = array<i32>} : memref<2x128x4096xf32, #tpu.memory_space<vmem>>, vector<1x1x4096xf32>,
    %get3A_17 = arith.constant 125 : index
    %get3A_18 = vector.load %arg1[%get3A_17] : memref<5120xf32, #tpu.memory_space<vmem>>, vector<4096xf32>
    %swap3A_19 = arith.index_cast %rem3A_0 : i32 to index
    %swap3A_20 = arith.constant 2 : index
    %swap3A_21 = arith.constant 0 : index
    %swap3A_22 = vector.load %arg3[%swap3A_19, %swap3A_20, %swap3A_21] : memref<2x128x4096xf32, #tpu.memory_space<vmem>>, vector<1x1x4096xf32>
    %swap3A_23 = vector.shape_cast %swap3A_22 : vector<1x1x4096xf32> to vector<4096xf32>
    %swap3A_24 = vector.shape_cast %get3A_18 : vector<4096xf32> to vector<1x1x4096xf32>
    tpu.vector_store %arg3[%swap3A_19, %swap3A_20, %swap3A_21], %swap3A_24 {strides = array<i32>} : memref<2x128x4096xf32, #tpu.memory_space<vmem>>, vector<1x1x4096xf32>,
    %get3A_25 = arith.constant 124 : index
    %get3A_26 = vector.load %arg1[%get3A_25] : memref<5120xf32, #tpu.memory_space<vmem>>, vector<4096xf32>
    %swap3A_27 = arith.index_cast %rem3A_0 : i32 to index
    %swap3A_28 = arith.constant 3 : index
    %swap3A_29 = arith.constant 0 : index
    %swap3A_30 = vector.load %arg3[%swap3A_27, %swap3A_28, %swap3A_29] : memref<2x128x4096xf32, #tpu.memory_space<vmem>>, vector<1x1x4096xf32>
    %swap3A_31 = vector.shape_cast %swap3A_30 : vector<1x1x4096xf32> to vector<4096xf32>
    %swap3A_32 = vector.shape_cast %get3A_26 : vector<4096xf32> to vector<1x1x4096xf32>
    tpu.vector_store %arg3[%swap3A_27, %swap3A_28, %swap3A_29], %swap3A_32 {strides = array<i32>} : memref<2x128x4096xf32, #tpu.memory_space<vmem>>, vector<1x1x4096xf32>,
    %get3A_33 = arith.constant 123 : index
    %get3A_34 = vector.load %arg1[%get3A_33] : memref<5120xf32, #tpu.memory_space<vmem>>, vector<4096xf32>
    %swap3A_35 = arith.index_cast %rem3A_0 : i32 to index
    %swap3A_36 = arith.constant 4 : index
    %swap3A_37 = arith.constant 0 : index
    %swap3A_38 = vector.load %arg3[%swap3A_35, %swap3A_36, %swap3A_37] : memref<2x128x4096xf32, #tpu.memory_space<vmem>>, vector<1x1x4096xf32>
    %swap3A_39 = vector.shape_cast %swap3A_38 : vector<1x1x4096xf32> to vector<4096xf32>
    %swap3A_40 = vector.shape_cast %get3A_34 : vector<4096xf32> to vector<1x1x4096xf32>
    tpu.vector_store %arg3[%swap3A_35, %swap3A_36, %swap3A_37], %swap3A_40 {strides = array<i32>} : memref<2x128x4096xf32, #tpu.memory_space<vmem>>, vector<1x1x4096xf32>,
    %get3A_41 = arith.constant 122 : index
    %get3A_42 = vector.load %arg1[%get3A_41] : memref<5120xf32, #tpu.memory_space<vmem>>, vector<4096xf32>
    %swap3A_43 = arith.index_cast %rem3A_0 : i32 to index
    %swap3A_44 = arith.constant 5 : index
    %swap3A_45 = arith.constant 0 : index
    %swap3A_46 = vector.load %arg3[%swap3A_43, %swap3A_44, %swap3A_45] : memref<2x128x4096xf32, #tpu.memory_space<vmem>>, vector<1x1x4096xf32>
    %swap3A_47 = vector.shape_cast %swap3A_46 : vector<1x1x4096xf32> to vector<4096xf32>
    %swap3A_48 = vector.shape_cast %get3A_42 : vector<4096xf32> to vector<1x1x4096xf32>
    tpu.vector_store %arg3[%swap3A_43, %swap3A_44, %swap3A_45], %swap3A_48 {strides = array<i32>} : memref<2x128x4096xf32, #tpu.memory_space<vmem>>, vector<1x1x4096xf32>,
    %get3A_49 = arith.constant 121 : index
    %get3A_50 = vector.load %arg1[%get3A_49] : memref<5120xf32, #tpu.memory_space<vmem>>, vector<4096xf32>
    %swap3A_51 = arith.index_cast %rem3A_0 : i32 to index
    %swap3A_52 = arith.constant 6 : index
    %swap3A_53 = arith.constant 0 : index
    %swap3A_54 = vector.load %arg3[%swap3A_51, %swap3A_52, %swap3A_53] : memref<2x128x4096xf32, #tpu.memory_space<vmem>>, vector<1x1x4096xf32>
    %swap3A_55 = vector.shape_cast %swap3A_54 : vector<1x1x4096xf32> to vector<4096xf32>
    %swap3A_56 = vector.shape_cast %get3A_50 : vector<4096xf32> to vector<1x1x4096xf32>
    tpu.vector_store %arg3[%swap3A_51, %swap3A_52, %swap3A_53], %swap3A_56 {strides = array<i32>} : memref<2x128x4096xf32, #tpu.memory_space<vmem>>, vector<1x1x4096xf32>,
    %get3A_57 = arith.constant 120 : index
    %get3A_58 = vector.load %arg1[%get3A_57] : memref<5120xf32, #tpu.memory_space<vmem>>, vector<4096xf32>
    %swap3A_59 = arith.index_cast %rem3A_0 : i32 to index
    %swap3A_60 = arith.constant 7 : index
    %swap3A_61 = arith.constant 0 : index
    %swap3A_62 = vector.load %arg3[%swap3A_59, %swap3A_60, %swap3A_61] : memref<2x128x4096xf32, #tpu.memory_space<vmem>>, vector<1x1x4096xf32>
    %swap3A_63 = vector.shape_cast %swap3A_62 : vector<1x1x4096xf32> to vector<4096xf32>
    %swap3A_64 = vector.shape_cast %get3A_58 : vector<4096xf32> to vector<1x1x4096xf32>
    tpu.vector_store %arg3[%swap3A_59, %swap3A_60, %swap3A_61], %swap3A_64 {strides = array<i32>} : memref<2x128x4096xf32, #tpu.memory_space<vmem>>, vector<1x1x4096xf32>,
    %get3A_65 = arith.constant 119 : index
    %get3A_66 = vector.load %arg1[%get3A_65] : memref<5120xf32, #tpu.memory_space<vmem>>, vector<4096xf32>
    %swap3A_67 = arith.index_cast %rem3A_0 : i32 to index
    %swap3A_68 = arith.constant 8 : index
    %swap3A_69 = arith.constant 0 : index
    %swap3A_70 = vector.load %arg3[%swap3A_67, %swap3A_68, %swap3A_69] : memref<2x128x4096xf32, #tpu.memory_space<vmem>>, vector<1x1x4096xf32>
    %swap3A_71 = vector.shape_cast %swap3A_70 : vector<1x1x4096xf32> to vector<4096xf32>
    %swap3A_72 = vector.shape_cast %get3A_66 : vector<4096xf32> to vector<1x1x4096xf32>
    tpu.vector_store %arg3[%swap3A_67, %swap3A_68, %swap3A_69], %swap3A_72 {strides = array<i32>} : memref<2x128x4096xf32, #tpu.memory_space<vmem>>, vector<1x1x4096xf32>,
    %get3A_73 = arith.constant 118 : index
    %get3A_74 = vector.load %arg1[%get3A_73] : memref<5120xf32, #tpu.memory_space<vmem>>, vector<4096xf32>
    %swap3A_75 = arith.index_cast %rem3A_0 : i32 to index
    %swap3A_76 = arith.constant 9 : index
    %swap3A_77 = arith.constant 0 : index
    %swap3A_78 = vector.load %arg3[%swap3A_75, %swap3A_76, %swap3A_77] : memref<2x128x4096xf32, #tpu.memory_space<vmem>>, vector<1x1x4096xf32>
    %swap3A_79 = vector.shape_cast %swap3A_78 : vector<1x1x4096xf32> to vector<4096xf32>
    %swap3A_80 = vector.shape_cast %get3A_74 : vector<4096xf32> to vector<1x1x4096xf32>
    tpu.vector_store %arg3[%swap3A_75, %swap3A_76, %swap3A_77], %swap3A_80 {strides = array<i32>} : memref<2x128x4096xf32, #tpu.memory_space<vmem>>, vector<1x1x4096xf32>,
    %get3A_81 = arith.constant 117 : index
    %get3A_82 = vector.load %arg1[%get3A_81] : memref<5120xf32, #tpu.memory_space<vmem>>, vector<4096xf32>
    %swap3A_83 = arith.index_cast %rem3A_0 : i32 to index
    %swap3A_84 = arith.constant 10 : index
    %swap3A_85 = arith.constant 0 : index
    %swap3A_86 = vector.load %arg3[%swap3A_83, %swap3A_84, %swap3A_85] : memref<2x128x4096xf32, #tpu.memory_space<vmem>>, vector<1x1x4096xf32>
    %swap3A_87 = vector.shape_cast %swap3A_86 : vector<1x1x4096xf32> to vector<4096xf32>
    %swap3A_88 = vector.shape_cast %get3A_82 : vector<4096xf32> to vector<1x1x4096xf32>
    tpu.vector_store %arg3[%swap3A_83, %swap3A_84, %swap3A_85], %swap3A_88 {strides = array<i32>} : memref<2x128x4096xf32, #tpu.memory_space<vmem>>, vector<1x1x4096xf32>,
    %get3A_89 = arith.constant 116 : index
    %get3A_90 = vector.load %arg1[%get3A_89] : memref<5120xf32, #tpu.memory_space<vmem>>, vector<4096xf32>
    %swap3A_91 = arith.index_cast %rem3A_0 : i32 to index
    %swap3A_92 = arith.constant 11 : index
    %swap3A_93 = arith.constant 0 : index
    %swap3A_94 = vector.load %arg3[%swap3A_91, %swap3A_92, %swap3A_93] : memref<2x128x4096xf32, #tpu.memory_space<vmem>>, vector<1x1x4096xf32>
    %swap3A_95 = vector.shape_cast %swap3A_94 : vector<1x1x4096xf32> to vector<4096xf32>
    %swap3A_96 = vector.shape_cast %get3A_90 : vector<4096xf32> to vector<1x1x4096xf32>
    tpu.vector_store %arg3[%swap3A_91, %swap3A_92, %swap3A_93], %swap3A_96 {strides = array<i32>} : memref<2x128x4096xf32, #tpu.memory_space<vmem>>, vector<1x1x4096xf32>,
    %get3A_97 = arith.constant 115 : index
    %get3A_98 = vector.load %arg1[%get3A_97] : memref<5120xf32, #tpu.memory_space<vmem>>, vector<4096xf32>
    %swap3A_99 = arith.index_cast %rem3A_0 : i32 to index
    %swap3A_100 = arith.constant 12 : index
    %swap3A_101 = arith.constant 0 : index
    %swap3A_102 = vector.load %arg3[%swap3A_99, %swap3A_100, %swap3A_101] : memref<2x128x4096xf32, #tpu.memory_space<vmem>>, vector<1x1x4096xf32>
    %swap3A_103 = vector.shape_cast %swap3A_102 : vector<1x1x4096xf32> to vector<4096xf32>
    %swap3A_104 = vector.shape_cast %get3A_98 : vector<4096xf32> to vector<1x1x4096xf32>
    tpu.vector_store %arg3[%swap3A_99, %swap3A_100, %swap3A_101], %swap3A_104 {strides = array<i32>} : memref<2x128x4096xf32, #tpu.memory_space<vmem>>, vector<1x1x4096xf32>,
    %get3A_105 = arith.constant 114 : index
    %get3A_106 = vector.load %arg1[%get3A_105] : memref<5120xf32, #tpu.memory_space<vmem>>, vector<4096xf32>
    %swap3A_107 = arith.index_cast %rem3A_0 : i32 to index
    %swap3A_108 = arith.constant 13 : index
    %swap3A_109 = arith.constant 0 : index
    %swap3A_110 = vector.load %arg3[%swap3A_107, %swap3A_108, %swap3A_109] : memref<2x128x4096xf32, #tpu.memory_space<vmem>>, vector<1x1x4096xf32>
    %swap3A_111 = vector.shape_cast %swap3A_110 : vector<1x1x4096xf32> to vector<4096xf32>
    %swap3A_112 = vector.shape_cast %get3A_106 : vector<4096xf32> to vector<1x1x4096xf32>
    tpu.vector_store %arg3[%swap3A_107, %swap3A_108, %swap3A_109], %swap3A_112 {strides = array<i32>} : memref<2x128x4096xf32, #tpu.memory_space<vmem>>, vector<1x1x4096xf32>,
    %get3A_113 = arith.constant 113 : index
    %get3A_114 = vector.load %arg1[%get3A_113] : memref<5120xf32, #tpu.memory_space<vmem>>, vector<4096xf32>
    %swap3A_115 = arith.index_cast %rem3A_0 : i32 to index
    %swap3A_116 = arith.constant 14 : index
    %swap3A_117 = arith.constant 0 : index
    %swap3A_118 = vector.load %arg3[%swap3A_115, %swap3A_116, %swap3A_117] : memref<2x128x4096xf32, #tpu.memory_space<vmem>>, vector<1x1x4096xf32>
    %swap3A_119 = vector.shape_cast %swap3A_118 : vector<1x1x4096xf32> to vector<4096xf32>
    %swap3A_120 = vector.shape_cast %get3A_114 : vector<4096xf32> to vector<1x1x4096xf32>
    tpu.vector_store %arg3[%swap3A_115, %swap3A_116, %swap3A_117], %swap3A_120 {strides = array<i32>} : memref<2x128x4096xf32, #tpu.memory_space<vmem>>, vector<1x1x4096xf32>,
    %get3A_121 = arith.constant 112 : index
    %get3A_122 = vector.load %arg1[%get3A_121] : memref<5120xf32, #tpu.memory_space<vmem>>, vector<4096xf32>
    %swap3A_123 = arith.index_cast %rem3A_0 : i32 to index
    %swap3A_124 = arith.constant 15 : index
    %swap3A_125 = arith.constant 0 : index
    %swap3A_126 = vector.load %arg3[%swap3A_123, %swap3A_124, %swap3A_125] : memref<2x128x4096xf32, #tpu.memory_space<vmem>>, vector<1x1x4096xf32>
    %swap3A_127 = vector.shape_cast %swap3A_126 : vector<1x1x4096xf32> to vector<4096xf32>
    %swap3A_128 = vector.shape_cast %get3A_122 : vector<4096xf32> to vector<1x1x4096xf32>
    tpu.vector_store %arg3[%swap3A_123, %swap3A_124, %swap3A_125], %swap3A_128 {strides = array<i32>} : memref<2x128x4096xf32, #tpu.memory_space<vmem>>, vector<1x1x4096xf32>,
    %get3A_129 = arith.constant 111 : index
    %get3A_130 = vector.load %arg1[%get3A_129] : memref<5120xf32, #tpu.memory_space<vmem>>, vector<4096xf32>
    %swap3A_131 = arith.index_cast %rem3A_0 : i32 to index
    %swap3A_132 = arith.constant 16 : index
    %swap3A_133 = arith.constant 0 : index
    %swap3A_134 = vector.load %arg3[%swap3A_131, %swap3A_132, %swap3A_133] : memref<2x128x4096xf32, #tpu.memory_space<vmem>>, vector<1x1x4096xf32>
    %swap3A_135 = vector.shape_cast %swap3A_134 : vector<1x1x4096xf32> to vector<4096xf32>
    %swap3A_136 = vector.shape_cast %get3A_130 : vector<4096xf32> to vector<1x1x4096xf32>
    tpu.vector_store %arg3[%swap3A_131, %swap3A_132, %swap3A_133], %swap3A_136 {strides = array<i32>} : memref<2x128x4096xf32, #tpu.memory_space<vmem>>, vector<1x1x4096xf32>,
    %get3A_137 = arith.constant 110 : index
    %get3A_138 = vector.load %arg1[%get3A_137] : memref<5120xf32, #tpu.memory_space<vmem>>, vector<4096xf32>
    %swap3A_139 = arith.index_cast %rem3A_0 : i32 to index
    %swap3A_140 = arith.constant 17 : index
    %swap3A_141 = arith.constant 0 : index
    %swap3A_142 = vector.load %arg3[%swap3A_139, %swap3A_140, %swap3A_141] : memref<2x128x4096xf32, #tpu.memory_space<vmem>>, vector<1x1x4096xf32>
    %swap3A_143 = vector.shape_cast %swap3A_142 : vector<1x1x4096xf32> to vector<4096xf32>
    %swap3A_144 = vector.shape_cast %get3A_138 : vector<4096xf32> to vector<1x1x4096xf32>
    tpu.vector_store %arg3[%swap3A_139, %swap3A_140, %swap3A_141], %swap3A_144 {strides = array<i32>} : memref<2x128x4096xf32, #tpu.memory_space<vmem>>, vector<1x1x4096xf32>,
    %get3A_145 = arith.constant 109 : index
    %get3A_146 = vector.load %arg1[%get3A_145] : memref<5120xf32, #tpu.memory_space<vmem>>, vector<4096xf32>
    %swap3A_147 = arith.index_cast %rem3A_0 : i32 to index
    %swap3A_148 = arith.constant 18 : index
    %swap3A_149 = arith.constant 0 : index
    %swap3A_150 = vector.load %arg3[%swap3A_147, %swap3A_148, %swap3A_149] : memref<2x128x4096xf32, #tpu.memory_space<vmem>>, vector<1x1x4096xf32>
    %swap3A_151 = vector.shape_cast %swap3A_150 : vector<1x1x4096xf32> to vector<4096xf32>
    %swap3A_152 = vector.shape_cast %get3A_146 : vector<4096xf32> to vector<1x1x4096xf32>
    tpu.vector_store %arg3[%swap3A_147, %swap3A_148, %swap3A_149], %swap3A_152 {strides = array<i32>} : memref<2x128x4096xf32, #tpu.memory_space<vmem>>, vector<1x1x4096xf32>,
    %get3A_153 = arith.constant 108 : index
    %get3A_154 = vector.load %arg1[%get3A_153] : memref<5120xf32, #tpu.memory_space<vmem>>, vector<4096xf32>
    %swap3A_155 = arith.index_cast %rem3A_0 : i32 to index
    %swap3A_156 = arith.constant 19 : index
    %swap3A_157 = arith.constant 0 : index
    %swap3A_158 = vector.load %arg3[%swap3A_155, %swap3A_156, %swap3A_157] : memref<2x128x4096xf32, #tpu.memory_space<vmem>>, vector<1x1x4096xf32>
    %swap3A_159 = vector.shape_cast %swap3A_158 : vector<1x1x4096xf32> to vector<4096xf32>
    %swap3A_160 = vector.shape_cast %get3A_154 : vector<4096xf32> to vector<1x1x4096xf32>
    tpu.vector_store %arg3[%swap3A_155, %swap3A_156, %swap3A_157], %swap3A_160 {strides = array<i32>} : memref<2x128x4096xf32, #tpu.memory_space<vmem>>, vector<1x1x4096xf32>,
    %get3A_161 = arith.constant 107 : index
    %get3A_162 = vector.load %arg1[%get3A_161] : memref<5120xf32, #tpu.memory_space<vmem>>, vector<4096xf32>
    %swap3A_163 = arith.index_cast %rem3A_0 : i32 to index
    %swap3A_164 = arith.constant 20 : index
    %swap3A_165 = arith.constant 0 : index
    %swap3A_166 = vector.load %arg3[%swap3A_163, %swap3A_164, %swap3A_165] : memref<2x128x4096xf32, #tpu.memory_space<vmem>>, vector<1x1x4096xf32>
    %swap3A_167 = vector.shape_cast %swap3A_166 : vector<1x1x4096xf32> to vector<4096xf32>
    %swap3A_168 = vector.shape_cast %get3A_162 : vector<4096xf32> to vector<1x1x4096xf32>
    tpu.vector_store %arg3[%swap3A_163, %swap3A_164, %swap3A_165], %swap3A_168 {strides = array<i32>} : memref<2x128x4096xf32, #tpu.memory_space<vmem>>, vector<1x1x4096xf32>,
    %get3A_169 = arith.constant 106 : index
    %get3A_170 = vector.load %arg1[%get3A_169] : memref<5120xf32, #tpu.memory_space<vmem>>, vector<4096xf32>
    %swap3A_171 = arith.index_cast %rem3A_0 : i32 to index
    %swap3A_172 = arith.constant 21 : index
    %swap3A_173 = arith.constant 0 : index
    %swap3A_174 = vector.load %arg3[%swap3A_171, %swap3A_172, %swap3A_173] : memref<2x128x4096xf32, #tpu.memory_space<vmem>>, vector<1x1x4096xf32>
    %swap3A_175 = vector.shape_cast %swap3A_174 : vector<1x1x4096xf32> to vector<4096xf32>
    %swap3A_176 = vector.shape_cast %get3A_170 : vector<4096xf32> to vector<1x1x4096xf32>
    tpu.vector_store %arg3[%swap3A_171, %swap3A_172, %swap3A_173], %swap3A_176 {strides = array<i32>} : memref<2x128x4096xf32, #tpu.memory_space<vmem>>, vector<1x1x4096xf32>,
    %get3A_177 = arith.constant 105 : index
    %get3A_178 = vector.load %arg1[%get3A_177] : memref<5120xf32, #tpu.memory_space<vmem>>, vector<4096xf32>
    %swap3A_179 = arith.index_cast %rem3A_0 : i32 to index
    %swap3A_180 = arith.constant 22 : index
    %swap3A_181 = arith.constant 0 : index
    %swap3A_182 = vector.load %arg3[%swap3A_179, %swap3A_180, %swap3A_181] : memref<2x128x4096xf32, #tpu.memory_space<vmem>>, vector<1x1x4096xf32>
    %swap3A_183 = vector.shape_cast %swap3A_182 : vector<1x1x4096xf32> to vector<4096xf32>
    %swap3A_184 = vector.shape_cast %get3A_178 : vector<4096xf32> to vector<1x1x4096xf32>
    tpu.vector_store %arg3[%swap3A_179, %swap3A_180, %swap3A_181], %swap3A_184 {strides = array<i32>} : memref<2x128x4096xf32, #tpu.memory_space<vmem>>, vector<1x1x4096xf32>,
    %get3A_185 = arith.constant 104 : index
    %get3A_186 = vector.load %arg1[%get3A_185] : memref<5120xf32, #tpu.memory_space<vmem>>, vector<4096xf32>
    %swap3A_187 = arith.index_cast %rem3A_0 : i32 to index
    %swap3A_188 = arith.constant 23 : index
    %swap3A_189 = arith.constant 0 : index
    %swap3A_190 = vector.load %arg3[%swap3A_187, %swap3A_188, %swap3A_189] : memref<2x128x4096xf32, #tpu.memory_space<vmem>>, vector<1x1x4096xf32>
    %swap3A_191 = vector.shape_cast %swap3A_190 : vector<1x1x4096xf32> to vector<4096xf32>
    %swap3A_192 = vector.shape_cast %get3A_186 : vector<4096xf32> to vector<1x1x4096xf32>
    tpu.vector_store %arg3[%swap3A_187, %swap3A_188, %swap3A_189], %swap3A_192 {strides = array<i32>} : memref<2x128x4096xf32, #tpu.memory_space<vmem>>, vector<1x1x4096xf32>,
    %get3A_193 = arith.constant 103 : index
    %get3A_194 = vector.load %arg1[%get3A_193] : memref<5120xf32, #tpu.memory_space<vmem>>, vector<4096xf32>
    %swap3A_195 = arith.index_cast %rem3A_0 : i32 to index
    %swap3A_196 = arith.constant 24 : index
    %swap3A_197 = arith.constant 0 : index
    %swap3A_198 = vector.load %arg3[%swap3A_195, %swap3A_196, %swap3A_197] : memref<2x128x4096xf32, #tpu.memory_space<vmem>>, vector<1x1x4096xf32>
    %swap3A_199 = vector.shape_cast %swap3A_198 : vector<1x1x4096xf32> to vector<4096xf32>
    %swap3A_200 = vector.shape_cast %get3A_194 : vector<4096xf32> to vector<1x1x4096xf32>
    tpu.vector_store %arg3[%swap3A_195, %swap3A_196, %swap3A_197], %swap3A_200 {strides = array<i32>} : memref<2x128x4096xf32, #tpu.memory_space<vmem>>, vector<1x1x4096xf32>,
    %get3A_201 = arith.constant 102 : index
    %get3A_202 = vector.load %arg1[%get3A_201] : memref<5120xf32, #tpu.memory_space<vmem>>, vector<4096xf32>
    %swap3A_203 = arith.index_cast %rem3A_0 : i32 to index
    %swap3A_204 = arith.constant 25 : index
    %swap3A_205 = arith.constant 0 : index
    %swap3A_206 = vector.load %arg3[%swap3A_203, %swap3A_204, %swap3A_205] : memref<2x128x4096xf32, #tpu.memory_space<vmem>>, vector<1x1x4096xf32>
    %swap3A_207 = vector.shape_cast %swap3A_206 : vector<1x1x4096xf32> to vector<4096xf32>
    %swap3A_208 = vector.shape_cast %get3A_202 : vector<4096xf32> to vector<1x1x4096xf32>
    tpu.vector_store %arg3[%swap3A_203, %swap3A_204, %swap3A_205], %swap3A_208 {strides = array<i32>} : memref<2x128x4096xf32, #tpu.memory_space<vmem>>, vector<1x1x4096xf32>,
    %get3A_209 = arith.constant 101 : index
    %get3A_210 = vector.load %arg1[%get3A_209] : memref<5120xf32, #tpu.memory_space<vmem>>, vector<4096xf32>
    %swap3A_211 = arith.index_cast %rem3A_0 : i32 to index
    %swap3A_212 = arith.constant 26 : index
    %swap3A_213 = arith.constant 0 : index
    %swap3A_214 = vector.load %arg3[%swap3A_211, %swap3A_212, %swap3A_213] : memref<2x128x4096xf32, #tpu.memory_space<vmem>>, vector<1x1x4096xf32>
    %swap3A_215 = vector.shape_cast %swap3A_214 : vector<1x1x4096xf32> to vector<4096xf32>
    %swap3A_216 = vector.shape_cast %get3A_210 : vector<4096xf32> to vector<1x1x4096xf32>
    tpu.vector_store %arg3[%swap3A_211, %swap3A_212, %swap3A_213], %swap3A_216 {strides = array<i32>} : memref<2x128x4096xf32, #tpu.memory_space<vmem>>, vector<1x1x4096xf32>,
    %get3A_217 = arith.constant 100 : index
    %get3A_218 = vector.load %arg1[%get3A_217] : memref<5120xf32, #tpu.memory_space<vmem>>, vector<4096xf32>
    %swap3A_219 = arith.index_cast %rem3A_0 : i32 to index
    %swap3A_220 = arith.constant 27 : index
    %swap3A_221 = arith.constant 0 : index
    %swap3A_222 = vector.load %arg3[%swap3A_219, %swap3A_220, %swap3A_221] : memref<2x128x4096xf32, #tpu.memory_space<vmem>>, vector<1x1x4096xf32>
    %swap3A_223 = vector.shape_cast %swap3A_222 : vector<1x1x4096xf32> to vector<4096xf32>
    %swap3A_224 = vector.shape_cast %get3A_218 : vector<4096xf32> to vector<1x1x4096xf32>
    tpu.vector_store %arg3[%swap3A_219, %swap3A_220, %swap3A_221], %swap3A_224 {strides = array<i32>} : memref<2x128x4096xf32, #tpu.memory_space<vmem>>, vector<1x1x4096xf32>,
    %get3A_225 = arith.constant 99 : index
    %get3A_226 = vector.load %arg1[%get3A_225] : memref<5120xf32, #tpu.memory_space<vmem>>, vector<4096xf32>
    %swap3A_227 = arith.index_cast %rem3A_0 : i32 to index
    %swap3A_228 = arith.constant 28 : index
    %swap3A_229 = arith.constant 0 : index
    %swap3A_230 = vector.load %arg3[%swap3A_227, %swap3A_228, %swap3A_229] : memref<2x128x4096xf32, #tpu.memory_space<vmem>>, vector<1x1x4096xf32>
    %swap3A_231 = vector.shape_cast %swap3A_230 : vector<1x1x4096xf32> to vector<4096xf32>
    %swap3A_232 = vector.shape_cast %get3A_226 : vector<4096xf32> to vector<1x1x4096xf32>
    tpu.vector_store %arg3[%swap3A_227, %swap3A_228, %swap3A_229], %swap3A_232 {strides = array<i32>} : memref<2x128x4096xf32, #tpu.memory_space<vmem>>, vector<1x1x4096xf32>,
    %get3A_233 = arith.constant 98 : index
    %get3A_234 = vector.load %arg1[%get3A_233] : memref<5120xf32, #tpu.memory_space<vmem>>, vector<4096xf32>
    %swap3A_235 = arith.index_cast %rem3A_0 : i32 to index
    %swap3A_236 = arith.constant 29 : index
    %swap3A_237 = arith.constant 0 : index
    %swap3A_238 = vector.load %arg3[%swap3A_235, %swap3A_236, %swap3A_237] : memref<2x128x4096xf32, #tpu.memory_space<vmem>>, vector<1x1x4096xf32>
    %swap3A_239 = vector.shape_cast %swap3A_238 : vector<1x1x4096xf32> to vector<4096xf32>
    %swap3A_240 = vector.shape_cast %get3A_234 : vector<4096xf32> to vector<1x1x4096xf32>
    tpu.vector_store %arg3[%swap3A_235, %swap3A_236, %swap3A_237], %swap3A_240 {strides = array<i32>} : memref<2x128x4096xf32, #tpu.memory_space<vmem>>, vector<1x1x4096xf32>,
    %get3A_241 = arith.constant 97 : index
    %get3A_242 = vector.load %arg1[%get3A_241] : memref<5120xf32, #tpu.memory_space<vmem>>, vector<4096xf32>
    %swap3A_243 = arith.index_cast %rem3A_0 : i32 to index
    %swap3A_244 = arith.constant 30 : index
    %swap3A_245 = arith.constant 0 : index
    %swap3A_246 = vector.load %arg3[%swap3A_243, %swap3A_244, %swap3A_245] : memref<2x128x4096xf32, #tpu.memory_space<vmem>>, vector<1x1x4096xf32>
    %swap3A_247 = vector.shape_cast %swap3A_246 : vector<1x1x4096xf32> to vector<4096xf32>
    %swap3A_248 = vector.shape_cast %get3A_242 : vector<4096xf32> to vector<1x1x4096xf32>
    tpu.vector_store %arg3[%swap3A_243, %swap3A_244, %swap3A_245], %swap3A_248 {strides = array<i32>} : memref<2x128x4096xf32, #tpu.memory_space<vmem>>, vector<1x1x4096xf32>,
    %get3A_249 = arith.constant 96 : index
    %get3A_250 = vector.load %arg1[%get3A_249] : memref<5120xf32, #tpu.memory_space<vmem>>, vector<4096xf32>
    %swap3A_251 = arith.index_cast %rem3A_0 : i32 to index
    %swap3A_252 = arith.constant 31 : index
    %swap3A_253 = arith.constant 0 : index
    %swap3A_254 = vector.load %arg3[%swap3A_251, %swap3A_252, %swap3A_253] : memref<2x128x4096xf32, #tpu.memory_space<vmem>>, vector<1x1x4096xf32>
    %swap3A_255 = vector.shape_cast %swap3A_254 : vector<1x1x4096xf32> to vector<4096xf32>
    %swap3A_256 = vector.shape_cast %get3A_250 : vector<4096xf32> to vector<1x1x4096xf32>
    tpu.vector_store %arg3[%swap3A_251, %swap3A_252, %swap3A_253], %swap3A_256 {strides = array<i32>} : memref<2x128x4096xf32, #tpu.memory_space<vmem>>, vector<1x1x4096xf32>,
    %get3A_257 = arith.constant 95 : index
    %get3A_258 = vector.load %arg1[%get3A_257] : memref<5120xf32, #tpu.memory_space<vmem>>, vector<4096xf32>
    %swap3A_259 = arith.index_cast %rem3A_0 : i32 to index
    %swap3A_260 = arith.constant 32 : index
    %swap3A_261 = arith.constant 0 : index
    %swap3A_262 = vector.load %arg3[%swap3A_259, %swap3A_260, %swap3A_261] : memref<2x128x4096xf32, #tpu.memory_space<vmem>>, vector<1x1x4096xf32>
    %swap3A_263 = vector.shape_cast %swap3A_262 : vector<1x1x4096xf32> to vector<4096xf32>
    %swap3A_264 = vector.shape_cast %get3A_258 : vector<4096xf32> to vector<1x1x4096xf32>
    tpu.vector_store %arg3[%swap3A_259, %swap3A_260, %swap3A_261], %swap3A_264 {strides = array<i32>} : memref<2x128x4096xf32, #tpu.memory_space<vmem>>, vector<1x1x4096xf32>,
    %get3A_265 = arith.constant 94 : index
    %get3A_266 = vector.load %arg1[%get3A_265] : memref<5120xf32, #tpu.memory_space<vmem>>, vector<4096xf32>
    %swap3A_267 = arith.index_cast %rem3A_0 : i32 to index
    %swap3A_268 = arith.constant 33 : index
    %swap3A_269 = arith.constant 0 : index
    %swap3A_270 = vector.load %arg3[%swap3A_267, %swap3A_268, %swap3A_269] : memref<2x128x4096xf32, #tpu.memory_space<vmem>>, vector<1x1x4096xf32>
    %swap3A_271 = vector.shape_cast %swap3A_270 : vector<1x1x4096xf32> to vector<4096xf32>
    %swap3A_272 = vector.shape_cast %get3A_266 : vector<4096xf32> to vector<1x1x4096xf32>
    tpu.vector_store %arg3[%swap3A_267, %swap3A_268, %swap3A_269], %swap3A_272 {strides = array<i32>} : memref<2x128x4096xf32, #tpu.memory_space<vmem>>, vector<1x1x4096xf32>,
    %get3A_273 = arith.constant 93 : index
    %get3A_274 = vector.load %arg1[%get3A_273] : memref<5120xf32, #tpu.memory_space<vmem>>, vector<4096xf32>
    %swap3A_275 = arith.index_cast %rem3A_0 : i32 to index
    %swap3A_276 = arith.constant 34 : index
    %swap3A_277 = arith.constant 0 : index
    %swap3A_278 = vector.load %arg3[%swap3A_275, %swap3A_276, %swap3A_277] : memref<2x128x4096xf32, #tpu.memory_space<vmem>>, vector<1x1x4096xf32>
    %swap3A_279 = vector.shape_cast %swap3A_278 : vector<1x1x4096xf32> to vector<4096xf32>
    %swap3A_280 = vector.shape_cast %get3A_274 : vector<4096xf32> to vector<1x1x4096xf32>
    tpu.vector_store %arg3[%swap3A_275, %swap3A_276, %swap3A_277], %swap3A_280 {strides = array<i32>} : memref<2x128x4096xf32, #tpu.memory_space<vmem>>, vector<1x1x4096xf32>,
    %get3A_281 = arith.constant 92 : index
    %get3A_282 = vector.load %arg1[%get3A_281] : memref<5120xf32, #tpu.memory_space<vmem>>, vector<4096xf32>
    %swap3A_283 = arith.index_cast %rem3A_0 : i32 to index
    %swap3A_284 = arith.constant 35 : index
    %swap3A_285 = arith.constant 0 : index
    %swap3A_286 = vector.load %arg3[%swap3A_283, %swap3A_284, %swap3A_285] : memref<2x128x4096xf32, #tpu.memory_space<vmem>>, vector<1x1x4096xf32>
    %swap3A_287 = vector.shape_cast %swap3A_286 : vector<1x1x4096xf32> to vector<4096xf32>
    %swap3A_288 = vector.shape_cast %get3A_282 : vector<4096xf32> to vector<1x1x4096xf32>
    tpu.vector_store %arg3[%swap3A_283, %swap3A_284, %swap3A_285], %swap3A_288 {strides = array<i32>} : memref<2x128x4096xf32, #tpu.memory_space<vmem>>, vector<1x1x4096xf32>,
    %get3A_289 = arith.constant 91 : index
    %get3A_290 = vector.load %arg1[%get3A_289] : memref<5120xf32, #tpu.memory_space<vmem>>, vector<4096xf32>
    %swap3A_291 = arith.index_cast %rem3A_0 : i32 to index
    %swap3A_292 = arith.constant 36 : index
    %swap3A_293 = arith.constant 0 : index
    %swap3A_294 = vector.load %arg3[%swap3A_291, %swap3A_292, %swap3A_293] : memref<2x128x4096xf32, #tpu.memory_space<vmem>>, vector<1x1x4096xf32>
    %swap3A_295 = vector.shape_cast %swap3A_294 : vector<1x1x4096xf32> to vector<4096xf32>
    %swap3A_296 = vector.shape_cast %get3A_290 : vector<4096xf32> to vector<1x1x4096xf32>
    tpu.vector_store %arg3[%swap3A_291, %swap3A_292, %swap3A_293], %swap3A_296 {strides = array<i32>} : memref<2x128x4096xf32, #tpu.memory_space<vmem>>, vector<1x1x4096xf32>,
    %get3A_297 = arith.constant 90 : index
    %get3A_298 = vector.load %arg1[%get3A_297] : memref<5120xf32, #tpu.memory_space<vmem>>, vector<4096xf32>
    %swap3A_299 = arith.index_cast %rem3A_0 : i32 to index
    %swap3A_300 = arith.constant 37 : index
    %swap3A_301 = arith.constant 0 : index
    %swap3A_302 = vector.load %arg3[%swap3A_299, %swap3A_300, %swap3A_301] : memref<2x128x4096xf32, #tpu.memory_space<vmem>>, vector<1x1x4096xf32>
    %swap3A_303 = vector.shape_cast %swap3A_302 : vector<1x1x4096xf32> to vector<4096xf32>
    %swap3A_304 = vector.shape_cast %get3A_298 : vector<4096xf32> to vector<1x1x4096xf32>
    tpu.vector_store %arg3[%swap3A_299, %swap3A_300, %swap3A_301], %swap3A_304 {strides = array<i32>} : memref<2x128x4096xf32, #tpu.memory_space<vmem>>, vector<1x1x4096xf32>,
    %get3A_305 = arith.constant 89 : index
    %get3A_306 = vector.load %arg1[%get3A_305] : memref<5120xf32, #tpu.memory_space<vmem>>, vector<4096xf32>
    %swap3A_307 = arith.index_cast %rem3A_0 : i32 to index
    %swap3A_308 = arith.constant 38 : index
    %swap3A_309 = arith.constant 0 : index
    %swap3A_310 = vector.load %arg3[%swap3A_307, %swap3A_308, %swap3A_309] : memref<2x128x4096xf32, #tpu.memory_space<vmem>>, vector<1x1x4096xf32>
    %swap3A_311 = vector.shape_cast %swap3A_310 : vector<1x1x4096xf32> to vector<4096xf32>
    %swap3A_312 = vector.shape_cast %get3A_306 : vector<4096xf32> to vector<1x1x4096xf32>
    tpu.vector_store %arg3[%swap3A_307, %swap3A_308, %swap3A_309], %swap3A_312 {strides = array<i32>} : memref<2x128x4096xf32, #tpu.memory_space<vmem>>, vector<1x1x4096xf32>,
    %get3A_313 = arith.constant 88 : index
    %get3A_314 = vector.load %arg1[%get3A_313] : memref<5120xf32, #tpu.memory_space<vmem>>, vector<4096xf32>
    %swap3A_315 = arith.index_cast %rem3A_0 : i32 to index
    %swap3A_316 = arith.constant 39 : index
    %swap3A_317 = arith.constant 0 : index
    %swap3A_318 = vector.load %arg3[%swap3A_315, %swap3A_316, %swap3A_317] : memref<2x128x4096xf32, #tpu.memory_space<vmem>>, vector<1x1x4096xf32>
    %swap3A_319 = vector.shape_cast %swap3A_318 : vector<1x1x4096xf32> to vector<4096xf32>
    %swap3A_320 = vector.shape_cast %get3A_314 : vector<4096xf32> to vector<1x1x4096xf32>
    tpu.vector_store %arg3[%swap3A_315, %swap3A_316, %swap3A_317], %swap3A_320 {strides = array<i32>} : memref<2x128x4096xf32, #tpu.memory_space<vmem>>, vector<1x1x4096xf32>,
    %get3A_321 = arith.constant 87 : index
    %get3A_322 = vector.load %arg1[%get3A_321] : memref<5120xf32, #tpu.memory_space<vmem>>, vector<4096xf32>
    %swap3A_323 = arith.index_cast %rem3A_0 : i32 to index
    %swap3A_324 = arith.constant 40 : index
    %swap3A_325 = arith.constant 0 : index
    %swap3A_326 = vector.load %arg3[%swap3A_323, %swap3A_324, %swap3A_325] : memref<2x128x4096xf32, #tpu.memory_space<vmem>>, vector<1x1x4096xf32>
    %swap3A_327 = vector.shape_cast %swap3A_326 : vector<1x1x4096xf32> to vector<4096xf32>
    %swap3A_328 = vector.shape_cast %get3A_322 : vector<4096xf32> to vector<1x1x4096xf32>
    tpu.vector_store %arg3[%swap3A_323, %swap3A_324, %swap3A_325], %swap3A_328 {strides = array<i32>} : memref<2x128x4096xf32, #tpu.memory_space<vmem>>, vector<1x1x4096xf32>,
    %get3A_329 = arith.constant 86 : index
    %get3A_330 = vector.load %arg1[%get3A_329] : memref<5120xf32, #tpu.memory_space<vmem>>, vector<4096xf32>
    %swap3A_331 = arith.index_cast %rem3A_0 : i32 to index
    %swap3A_332 = arith.constant 41 : index
    %swap3A_333 = arith.constant 0 : index
    %swap3A_334 = vector.load %arg3[%swap3A_331, %swap3A_332, %swap3A_333] : memref<2x128x4096xf32, #tpu.memory_space<vmem>>, vector<1x1x4096xf32>
    %swap3A_335 = vector.shape_cast %swap3A_334 : vector<1x1x4096xf32> to vector<4096xf32>
    %swap3A_336 = vector.shape_cast %get3A_330 : vector<4096xf32> to vector<1x1x4096xf32>
    tpu.vector_store %arg3[%swap3A_331, %swap3A_332, %swap3A_333], %swap3A_336 {strides = array<i32>} : memref<2x128x4096xf32, #tpu.memory_space<vmem>>, vector<1x1x4096xf32>,
    %get3A_337 = arith.constant 85 : index
    %get3A_338 = vector.load %arg1[%get3A_337] : memref<5120xf32, #tpu.memory_space<vmem>>, vector<4096xf32>
    %swap3A_339 = arith.index_cast %rem3A_0 : i32 to index
    %swap3A_340 = arith.constant 42 : index
    %swap3A_341 = arith.constant 0 : index
    %swap3A_342 = vector.load %arg3[%swap3A_339, %swap3A_340, %swap3A_341] : memref<2x128x4096xf32, #tpu.memory_space<vmem>>, vector<1x1x4096xf32>
    %swap3A_343 = vector.shape_cast %swap3A_342 : vector<1x1x4096xf32> to vector<4096xf32>
    %swap3A_344 = vector.shape_cast %get3A_338 : vector<4096xf32> to vector<1x1x4096xf32>
    tpu.vector_store %arg3[%swap3A_339, %swap3A_340, %swap3A_341], %swap3A_344 {strides = array<i32>} : memref<2x128x4096xf32, #tpu.memory_space<vmem>>, vector<1x1x4096xf32>,
    %get3A_345 = arith.constant 84 : index
    %get3A_346 = vector.load %arg1[%get3A_345] : memref<5120xf32, #tpu.memory_space<vmem>>, vector<4096xf32>
    %swap3A_347 = arith.index_cast %rem3A_0 : i32 to index
    %swap3A_348 = arith.constant 43 : index
    %swap3A_349 = arith.constant 0 : index
    %swap3A_350 = vector.load %arg3[%swap3A_347, %swap3A_348, %swap3A_349] : memref<2x128x4096xf32, #tpu.memory_space<vmem>>, vector<1x1x4096xf32>
    %swap3A_351 = vector.shape_cast %swap3A_350 : vector<1x1x4096xf32> to vector<4096xf32>
    %swap3A_352 = vector.shape_cast %get3A_346 : vector<4096xf32> to vector<1x1x4096xf32>
    tpu.vector_store %arg3[%swap3A_347, %swap3A_348, %swap3A_349], %swap3A_352 {strides = array<i32>} : memref<2x128x4096xf32, #tpu.memory_space<vmem>>, vector<1x1x4096xf32>,
    %get3A_353 = arith.constant 83 : index
    %get3A_354 = vector.load %arg1[%get3A_353] : memref<5120xf32, #tpu.memory_space<vmem>>, vector<4096xf32>
    %swap3A_355 = arith.index_cast %rem3A_0 : i32 to index
    %swap3A_356 = arith.constant 44 : index
    %swap3A_357 = arith.constant 0 : index
    %swap3A_358 = vector.load %arg3[%swap3A_355, %swap3A_356, %swap3A_357] : memref<2x128x4096xf32, #tpu.memory_space<vmem>>, vector<1x1x4096xf32>
    %swap3A_359 = vector.shape_cast %swap3A_358 : vector<1x1x4096xf32> to vector<4096xf32>
    %swap3A_360 = vector.shape_cast %get3A_354 : vector<4096xf32> to vector<1x1x4096xf32>
    tpu.vector_store %arg3[%swap3A_355, %swap3A_356, %swap3A_357], %swap3A_360 {strides = array<i32>} : memref<2x128x4096xf32, #tpu.memory_space<vmem>>, vector<1x1x4096xf32>,
    %get3A_361 = arith.constant 82 : index
    %get3A_362 = vector.load %arg1[%get3A_361] : memref<5120xf32, #tpu.memory_space<vmem>>, vector<4096xf32>
    %swap3A_363 = arith.index_cast %rem3A_0 : i32 to index
    %swap3A_364 = arith.constant 45 : index
    %swap3A_365 = arith.constant 0 : index
    %swap3A_366 = vector.load %arg3[%swap3A_363, %swap3A_364, %swap3A_365] : memref<2x128x4096xf32, #tpu.memory_space<vmem>>, vector<1x1x4096xf32>
    %swap3A_367 = vector.shape_cast %swap3A_366 : vector<1x1x4096xf32> to vector<4096xf32>
    %swap3A_368 = vector.shape_cast %get3A_362 : vector<4096xf32> to vector<1x1x4096xf32>
    tpu.vector_store %arg3[%swap3A_363, %swap3A_364, %swap3A_365], %swap3A_368 {strides = array<i32>} : memref<2x128x4096xf32, #tpu.memory_space<vmem>>, vector<1x1x4096xf32>,
    %get3A_369 = arith.constant 81 : index
    %get3A_370 = vector.load %arg1[%get3A_369] : memref<5120xf32, #tpu.memory_space<vmem>>, vector<4096xf32>
    %swap3A_371 = arith.index_cast %rem3A_0 : i32 to index
    %swap3A_372 = arith.constant 46 : index
    %swap3A_373 = arith.constant 0 : index
    %swap3A_374 = vector.load %arg3[%swap3A_371, %swap3A_372, %swap3A_373] : memref<2x128x4096xf32, #tpu.memory_space<vmem>>, vector<1x1x4096xf32>
    %swap3A_375 = vector.shape_cast %swap3A_374 : vector<1x1x4096xf32> to vector<4096xf32>
    %swap3A_376 = vector.shape_cast %get3A_370 : vector<4096xf32> to vector<1x1x4096xf32>
    tpu.vector_store %arg3[%swap3A_371, %swap3A_372, %swap3A_373], %swap3A_376 {strides = array<i32>} : memref<2x128x4096xf32, #tpu.memory_space<vmem>>, vector<1x1x4096xf32>,
    %get3A_377 = arith.constant 80 : index
    %get3A_378 = vector.load %arg1[%get3A_377] : memref<5120xf32, #tpu.memory_space<vmem>>, vector<4096xf32>
    %swap3A_379 = arith.index_cast %rem3A_0 : i32 to index
    %swap3A_380 = arith.constant 47 : index
    %swap3A_381 = arith.constant 0 : index
    %swap3A_382 = vector.load %arg3[%swap3A_379, %swap3A_380, %swap3A_381] : memref<2x128x4096xf32, #tpu.memory_space<vmem>>, vector<1x1x4096xf32>
    %swap3A_383 = vector.shape_cast %swap3A_382 : vector<1x1x4096xf32> to vector<4096xf32>
    %swap3A_384 = vector.shape_cast %get3A_378 : vector<4096xf32> to vector<1x1x4096xf32>
    tpu.vector_store %arg3[%swap3A_379, %swap3A_380, %swap3A_381], %swap3A_384 {strides = array<i32>} : memref<2x128x4096xf32, #tpu.memory_space<vmem>>, vector<1x1x4096xf32>,
    %get3A_385 = arith.constant 79 : index
    %get3A_386 = vector.load %arg1[%get3A_385] : memref<5120xf32, #tpu.memory_space<vmem>>, vector<4096xf32>
    %swap3A_387 = arith.index_cast %rem3A_0 : i32 to index
    %swap3A_388 = arith.constant 48 : index
    %swap3A_389 = arith.constant 0 : index
    %swap3A_390 = vector.load %arg3[%swap3A_387, %swap3A_388, %swap3A_389] : memref<2x128x4096xf32, #tpu.memory_space<vmem>>, vector<1x1x4096xf32>
    %swap3A_391 = vector.shape_cast %swap3A_390 : vector<1x1x4096xf32> to vector<4096xf32>
    %swap3A_392 = vector.shape_cast %get3A_386 : vector<4096xf32> to vector<1x1x4096xf32>
    tpu.vector_store %arg3[%swap3A_387, %swap3A_388, %swap3A_389], %swap3A_392 {strides = array<i32>} : memref<2x128x4096xf32, #tpu.memory_space<vmem>>, vector<1x1x4096xf32>,
    %get3A_393 = arith.constant 78 : index
    %get3A_394 = vector.load %arg1[%get3A_393] : memref<5120xf32, #tpu.memory_space<vmem>>, vector<4096xf32>
    %swap3A_395 = arith.index_cast %rem3A_0 : i32 to index
    %swap3A_396 = arith.constant 49 : index
    %swap3A_397 = arith.constant 0 : index
    %swap3A_398 = vector.load %arg3[%swap3A_395, %swap3A_396, %swap3A_397] : memref<2x128x4096xf32, #tpu.memory_space<vmem>>, vector<1x1x4096xf32>
    %swap3A_399 = vector.shape_cast %swap3A_398 : vector<1x1x4096xf32> to vector<4096xf32>
    %swap3A_400 = vector.shape_cast %get3A_394 : vector<4096xf32> to vector<1x1x4096xf32>
    tpu.vector_store %arg3[%swap3A_395, %swap3A_396, %swap3A_397], %swap3A_400 {strides = array<i32>} : memref<2x128x4096xf32, #tpu.memory_space<vmem>>, vector<1x1x4096xf32>,
    %get3A_401 = arith.constant 77 : index
    %get3A_402 = vector.load %arg1[%get3A_401] : memref<5120xf32, #tpu.memory_space<vmem>>, vector<4096xf32>
    %swap3A_403 = arith.index_cast %rem3A_0 : i32 to index
    %swap3A_404 = arith.constant 50 : index
    %swap3A_405 = arith.constant 0 : index
    %swap3A_406 = vector.load %arg3[%swap3A_403, %swap3A_404, %swap3A_405] : memref<2x128x4096xf32, #tpu.memory_space<vmem>>, vector<1x1x4096xf32>
    %swap3A_407 = vector.shape_cast %swap3A_406 : vector<1x1x4096xf32> to vector<4096xf32>
    %swap3A_408 = vector.shape_cast %get3A_402 : vector<4096xf32> to vector<1x1x4096xf32>
    tpu.vector_store %arg3[%swap3A_403, %swap3A_404, %swap3A_405], %swap3A_408 {strides = array<i32>} : memref<2x128x4096xf32, #tpu.memory_space<vmem>>, vector<1x1x4096xf32>,
    %get3A_409 = arith.constant 76 : index
    %get3A_410 = vector.load %arg1[%get3A_409] : memref<5120xf32, #tpu.memory_space<vmem>>, vector<4096xf32>
    %swap3A_411 = arith.index_cast %rem3A_0 : i32 to index
    %swap3A_412 = arith.constant 51 : index
    %swap3A_413 = arith.constant 0 : index
    %swap3A_414 = vector.load %arg3[%swap3A_411, %swap3A_412, %swap3A_413] : memref<2x128x4096xf32, #tpu.memory_space<vmem>>, vector<1x1x4096xf32>
    %swap3A_415 = vector.shape_cast %swap3A_414 : vector<1x1x4096xf32> to vector<4096xf32>
    %swap3A_416 = vector.shape_cast %get3A_410 : vector<4096xf32> to vector<1x1x4096xf32>
    tpu.vector_store %arg3[%swap3A_411, %swap3A_412, %swap3A_413], %swap3A_416 {strides = array<i32>} : memref<2x128x4096xf32, #tpu.memory_space<vmem>>, vector<1x1x4096xf32>,
    %get3A_417 = arith.constant 75 : index
    %get3A_418 = vector.load %arg1[%get3A_417] : memref<5120xf32, #tpu.memory_space<vmem>>, vector<4096xf32>
    %swap3A_419 = arith.index_cast %rem3A_0 : i32 to index
    %swap3A_420 = arith.constant 52 : index
    %swap3A_421 = arith.constant 0 : index
    %swap3A_422 = vector.load %arg3[%swap3A_419, %swap3A_420, %swap3A_421] : memref<2x128x4096xf32, #tpu.memory_space<vmem>>, vector<1x1x4096xf32>
    %swap3A_423 = vector.shape_cast %swap3A_422 : vector<1x1x4096xf32> to vector<4096xf32>
    %swap3A_424 = vector.shape_cast %get3A_418 : vector<4096xf32> to vector<1x1x4096xf32>
    tpu.vector_store %arg3[%swap3A_419, %swap3A_420, %swap3A_421], %swap3A_424 {strides = array<i32>} : memref<2x128x4096xf32, #tpu.memory_space<vmem>>, vector<1x1x4096xf32>,
    %get3A_425 = arith.constant 74 : index
    %get3A_426 = vector.load %arg1[%get3A_425] : memref<5120xf32, #tpu.memory_space<vmem>>, vector<4096xf32>
    %swap3A_427 = arith.index_cast %rem3A_0 : i32 to index
    %swap3A_428 = arith.constant 53 : index
    %swap3A_429 = arith.constant 0 : index
    %swap3A_430 = vector.load %arg3[%swap3A_427, %swap3A_428, %swap3A_429] : memref<2x128x4096xf32, #tpu.memory_space<vmem>>, vector<1x1x4096xf32>
    %swap3A_431 = vector.shape_cast %swap3A_430 : vector<1x1x4096xf32> to vector<4096xf32>
    %swap3A_432 = vector.shape_cast %get3A_426 : vector<4096xf32> to vector<1x1x4096xf32>
    tpu.vector_store %arg3[%swap3A_427, %swap3A_428, %swap3A_429], %swap3A_432 {strides = array<i32>} : memref<2x128x4096xf32, #tpu.memory_space<vmem>>, vector<1x1x4096xf32>,
    %get3A_433 = arith.constant 73 : index
    %get3A_434 = vector.load %arg1[%get3A_433] : memref<5120xf32, #tpu.memory_space<vmem>>, vector<4096xf32>
    %swap3A_435 = arith.index_cast %rem3A_0 : i32 to index
    %swap3A_436 = arith.constant 54 : index
    %swap3A_437 = arith.constant 0 : index
    %swap3A_438 = vector.load %arg3[%swap3A_435, %swap3A_436, %swap3A_437] : memref<2x128x4096xf32, #tpu.memory_space<vmem>>, vector<1x1x4096xf32>
    %swap3A_439 = vector.shape_cast %swap3A_438 : vector<1x1x4096xf32> to vector<4096xf32>
    %swap3A_440 = vector.shape_cast %get3A_434 : vector<4096xf32> to vector<1x1x4096xf32>
    tpu.vector_store %arg3[%swap3A_435, %swap3A_436, %swap3A_437], %swap3A_440 {strides = array<i32>} : memref<2x128x4096xf32, #tpu.memory_space<vmem>>, vector<1x1x4096xf32>,
    %get3A_441 = arith.constant 72 : index
    %get3A_442 = vector.load %arg1[%get3A_441] : memref<5120xf32, #tpu.memory_space<vmem>>, vector<4096xf32>
    %swap3A_443 = arith.index_cast %rem3A_0 : i32 to index
    %swap3A_444 = arith.constant 55 : index
    %swap3A_445 = arith.constant 0 : index
    %swap3A_446 = vector.load %arg3[%swap3A_443, %swap3A_444, %swap3A_445] : memref<2x128x4096xf32, #tpu.memory_space<vmem>>, vector<1x1x4096xf32>
    %swap3A_447 = vector.shape_cast %swap3A_446 : vector<1x1x4096xf32> to vector<4096xf32>
    %swap3A_448 = vector.shape_cast %get3A_442 : vector<4096xf32> to vector<1x1x4096xf32>
    tpu.vector_store %arg3[%swap3A_443, %swap3A_444, %swap3A_445], %swap3A_448 {strides = array<i32>} : memref<2x128x4096xf32, #tpu.memory_space<vmem>>, vector<1x1x4096xf32>,
    %get3A_449 = arith.constant 71 : index
    %get3A_450 = vector.load %arg1[%get3A_449] : memref<5120xf32, #tpu.memory_space<vmem>>, vector<4096xf32>
    %swap3A_451 = arith.index_cast %rem3A_0 : i32 to index
    %swap3A_452 = arith.constant 56 : index
    %swap3A_453 = arith.constant 0 : index
    %swap3A_454 = vector.load %arg3[%swap3A_451, %swap3A_452, %swap3A_453] : memref<2x128x4096xf32, #tpu.memory_space<vmem>>, vector<1x1x4096xf32>
    %swap3A_455 = vector.shape_cast %swap3A_454 : vector<1x1x4096xf32> to vector<4096xf32>
    %swap3A_456 = vector.shape_cast %get3A_450 : vector<4096xf32> to vector<1x1x4096xf32>
    tpu.vector_store %arg3[%swap3A_451, %swap3A_452, %swap3A_453], %swap3A_456 {strides = array<i32>} : memref<2x128x4096xf32, #tpu.memory_space<vmem>>, vector<1x1x4096xf32>,
    %get3A_457 = arith.constant 70 : index
    %get3A_458 = vector.load %arg1[%get3A_457] : memref<5120xf32, #tpu.memory_space<vmem>>, vector<4096xf32>
    %swap3A_459 = arith.index_cast %rem3A_0 : i32 to index
    %swap3A_460 = arith.constant 57 : index
    %swap3A_461 = arith.constant 0 : index
    %swap3A_462 = vector.load %arg3[%swap3A_459, %swap3A_460, %swap3A_461] : memref<2x128x4096xf32, #tpu.memory_space<vmem>>, vector<1x1x4096xf32>
    %swap3A_463 = vector.shape_cast %swap3A_462 : vector<1x1x4096xf32> to vector<4096xf32>
    %swap3A_464 = vector.shape_cast %get3A_458 : vector<4096xf32> to vector<1x1x4096xf32>
    tpu.vector_store %arg3[%swap3A_459, %swap3A_460, %swap3A_461], %swap3A_464 {strides = array<i32>} : memref<2x128x4096xf32, #tpu.memory_space<vmem>>, vector<1x1x4096xf32>,
    %get3A_465 = arith.constant 69 : index
    %get3A_466 = vector.load %arg1[%get3A_465] : memref<5120xf32, #tpu.memory_space<vmem>>, vector<4096xf32>
    %swap3A_467 = arith.index_cast %rem3A_0 : i32 to index
    %swap3A_468 = arith.constant 58 : index
    %swap3A_469 = arith.constant 0 : index
    %swap3A_470 = vector.load %arg3[%swap3A_467, %swap3A_468, %swap3A_469] : memref<2x128x4096xf32, #tpu.memory_space<vmem>>, vector<1x1x4096xf32>
    %swap3A_471 = vector.shape_cast %swap3A_470 : vector<1x1x4096xf32> to vector<4096xf32>
    %swap3A_472 = vector.shape_cast %get3A_466 : vector<4096xf32> to vector<1x1x4096xf32>
    tpu.vector_store %arg3[%swap3A_467, %swap3A_468, %swap3A_469], %swap3A_472 {strides = array<i32>} : memref<2x128x4096xf32, #tpu.memory_space<vmem>>, vector<1x1x4096xf32>,
    %get3A_473 = arith.constant 68 : index
    %get3A_474 = vector.load %arg1[%get3A_473] : memref<5120xf32, #tpu.memory_space<vmem>>, vector<4096xf32>
    %swap3A_475 = arith.index_cast %rem3A_0 : i32 to index
    %swap3A_476 = arith.constant 59 : index
    %swap3A_477 = arith.constant 0 : index
    %swap3A_478 = vector.load %arg3[%swap3A_475, %swap3A_476, %swap3A_477] : memref<2x128x4096xf32, #tpu.memory_space<vmem>>, vector<1x1x4096xf32>
    %swap3A_479 = vector.shape_cast %swap3A_478 : vector<1x1x4096xf32> to vector<4096xf32>
    %swap3A_480 = vector.shape_cast %get3A_474 : vector<4096xf32> to vector<1x1x4096xf32>
    tpu.vector_store %arg3[%swap3A_475, %swap3A_476, %swap3A_477], %swap3A_480 {strides = array<i32>} : memref<2x128x4096xf32, #tpu.memory_space<vmem>>, vector<1x1x4096xf32>,
    %get3A_481 = arith.constant 67 : index
    %get3A_482 = vector.load %arg1[%get3A_481] : memref<5120xf32, #tpu.memory_space<vmem>>, vector<4096xf32>
    %swap3A_483 = arith.index_cast %rem3A_0 : i32 to index
    %swap3A_484 = arith.constant 60 : index
    %swap3A_485 = arith.constant 0 : index
    %swap3A_486 = vector.load %arg3[%swap3A_483, %swap3A_484, %swap3A_485] : memref<2x128x4096xf32, #tpu.memory_space<vmem>>, vector<1x1x4096xf32>
    %swap3A_487 = vector.shape_cast %swap3A_486 : vector<1x1x4096xf32> to vector<4096xf32>
    %swap3A_488 = vector.shape_cast %get3A_482 : vector<4096xf32> to vector<1x1x4096xf32>
    tpu.vector_store %arg3[%swap3A_483, %swap3A_484, %swap3A_485], %swap3A_488 {strides = array<i32>} : memref<2x128x4096xf32, #tpu.memory_space<vmem>>, vector<1x1x4096xf32>,
    %get3A_489 = arith.constant 66 : index
    %get3A_490 = vector.load %arg1[%get3A_489] : memref<5120xf32, #tpu.memory_space<vmem>>, vector<4096xf32>
    %swap3A_491 = arith.index_cast %rem3A_0 : i32 to index
    %swap3A_492 = arith.constant 61 : index
    %swap3A_493 = arith.constant 0 : index
    %swap3A_494 = vector.load %arg3[%swap3A_491, %swap3A_492, %swap3A_493] : memref<2x128x4096xf32, #tpu.memory_space<vmem>>, vector<1x1x4096xf32>
    %swap3A_495 = vector.shape_cast %swap3A_494 : vector<1x1x4096xf32> to vector<4096xf32>
    %swap3A_496 = vector.shape_cast %get3A_490 : vector<4096xf32> to vector<1x1x4096xf32>
    tpu.vector_store %arg3[%swap3A_491, %swap3A_492, %swap3A_493], %swap3A_496 {strides = array<i32>} : memref<2x128x4096xf32, #tpu.memory_space<vmem>>, vector<1x1x4096xf32>,
    %get3A_497 = arith.constant 65 : index
    %get3A_498 = vector.load %arg1[%get3A_497] : memref<5120xf32, #tpu.memory_space<vmem>>, vector<4096xf32>
    %swap3A_499 = arith.index_cast %rem3A_0 : i32 to index
    %swap3A_500 = arith.constant 62 : index
    %swap3A_501 = arith.constant 0 : index
    %swap3A_502 = vector.load %arg3[%swap3A_499, %swap3A_500, %swap3A_501] : memref<2x128x4096xf32, #tpu.memory_space<vmem>>, vector<1x1x4096xf32>
    %swap3A_503 = vector.shape_cast %swap3A_502 : vector<1x1x4096xf32> to vector<4096xf32>
    %swap3A_504 = vector.shape_cast %get3A_498 : vector<4096xf32> to vector<1x1x4096xf32>
    tpu.vector_store %arg3[%swap3A_499, %swap3A_500, %swap3A_501], %swap3A_504 {strides = array<i32>} : memref<2x128x4096xf32, #tpu.memory_space<vmem>>, vector<1x1x4096xf32>,
    %get3A_505 = arith.constant 64 : index
    %get3A_506 = vector.load %arg1[%get3A_505] : memref<5120xf32, #tpu.memory_space<vmem>>, vector<4096xf32>
    %swap3A_507 = arith.index_cast %rem3A_0 : i32 to index
    %swap3A_508 = arith.constant 63 : index
    %swap3A_509 = arith.constant 0 : index
    %swap3A_510 = vector.load %arg3[%swap3A_507, %swap3A_508, %swap3A_509] : memref<2x128x4096xf32, #tpu.memory_space<vmem>>, vector<1x1x4096xf32>
    %swap3A_511 = vector.shape_cast %swap3A_510 : vector<1x1x4096xf32> to vector<4096xf32>
    %swap3A_512 = vector.shape_cast %get3A_506 : vector<4096xf32> to vector<1x1x4096xf32>
    tpu.vector_store %arg3[%swap3A_507, %swap3A_508, %swap3A_509], %swap3A_512 {strides = array<i32>} : memref<2x128x4096xf32, #tpu.memory_space<vmem>>, vector<1x1x4096xf32>,
    %get3A_513 = arith.constant 63 : index
    %get3A_514 = vector.load %arg1[%get3A_513] : memref<5120xf32, #tpu.memory_space<vmem>>, vector<4096xf32>
    %swap3A_515 = arith.index_cast %rem3A_0 : i32 to index
    %swap3A_516 = arith.constant 64 : index
    %swap3A_517 = arith.constant 0 : index
    %swap3A_518 = vector.load %arg3[%swap3A_515, %swap3A_516, %swap3A_517] : memref<2x128x4096xf32, #tpu.memory_space<vmem>>, vector<1x1x4096xf32>
    %swap3A_519 = vector.shape_cast %swap3A_518 : vector<1x1x4096xf32> to vector<4096xf32>
    %swap3A_520 = vector.shape_cast %get3A_514 : vector<4096xf32> to vector<1x1x4096xf32>
    tpu.vector_store %arg3[%swap3A_515, %swap3A_516, %swap3A_517], %swap3A_520 {strides = array<i32>} : memref<2x128x4096xf32, #tpu.memory_space<vmem>>, vector<1x1x4096xf32>,
    %get3A_521 = arith.constant 62 : index
    %get3A_522 = vector.load %arg1[%get3A_521] : memref<5120xf32, #tpu.memory_space<vmem>>, vector<4096xf32>
    %swap3A_523 = arith.index_cast %rem3A_0 : i32 to index
    %swap3A_524 = arith.constant 65 : index
    %swap3A_525 = arith.constant 0 : index
    %swap3A_526 = vector.load %arg3[%swap3A_523, %swap3A_524, %swap3A_525] : memref<2x128x4096xf32, #tpu.memory_space<vmem>>, vector<1x1x4096xf32>
    %swap3A_527 = vector.shape_cast %swap3A_526 : vector<1x1x4096xf32> to vector<4096xf32>
    %swap3A_528 = vector.shape_cast %get3A_522 : vector<4096xf32> to vector<1x1x4096xf32>
    tpu.vector_store %arg3[%swap3A_523, %swap3A_524, %swap3A_525], %swap3A_528 {strides = array<i32>} : memref<2x128x4096xf32, #tpu.memory_space<vmem>>, vector<1x1x4096xf32>,
    %get3A_529 = arith.constant 61 : index
    %get3A_530 = vector.load %arg1[%get3A_529] : memref<5120xf32, #tpu.memory_space<vmem>>, vector<4096xf32>
    %swap3A_531 = arith.index_cast %rem3A_0 : i32 to index
    %swap3A_532 = arith.constant 66 : index
    %swap3A_533 = arith.constant 0 : index
    %swap3A_534 = vector.load %arg3[%swap3A_531, %swap3A_532, %swap3A_533] : memref<2x128x4096xf32, #tpu.memory_space<vmem>>, vector<1x1x4096xf32>
    %swap3A_535 = vector.shape_cast %swap3A_534 : vector<1x1x4096xf32> to vector<4096xf32>
    %swap3A_536 = vector.shape_cast %get3A_530 : vector<4096xf32> to vector<1x1x4096xf32>
    tpu.vector_store %arg3[%swap3A_531, %swap3A_532, %swap3A_533], %swap3A_536 {strides = array<i32>} : memref<2x128x4096xf32, #tpu.memory_space<vmem>>, vector<1x1x4096xf32>,
    %get3A_537 = arith.constant 60 : index
    %get3A_538 = vector.load %arg1[%get3A_537] : memref<5120xf32, #tpu.memory_space<vmem>>, vector<4096xf32>
    %swap3A_539 = arith.index_cast %rem3A_0 : i32 to index
    %swap3A_540 = arith.constant 67 : index
    %swap3A_541 = arith.constant 0 : index
    %swap3A_542 = vector.load %arg3[%swap3A_539, %swap3A_540, %swap3A_541] : memref<2x128x4096xf32, #tpu.memory_space<vmem>>, vector<1x1x4096xf32>
    %swap3A_543 = vector.shape_cast %swap3A_542 : vector<1x1x4096xf32> to vector<4096xf32>
    %swap3A_544 = vector.shape_cast %get3A_538 : vector<4096xf32> to vector<1x1x4096xf32>
    tpu.vector_store %arg3[%swap3A_539, %swap3A_540, %swap3A_541], %swap3A_544 {strides = array<i32>} : memref<2x128x4096xf32, #tpu.memory_space<vmem>>, vector<1x1x4096xf32>,
    %get3A_545 = arith.constant 59 : index
    %get3A_546 = vector.load %arg1[%get3A_545] : memref<5120xf32, #tpu.memory_space<vmem>>, vector<4096xf32>
    %swap3A_547 = arith.index_cast %rem3A_0 : i32 to index
    %swap3A_548 = arith.constant 68 : index
    %swap3A_549 = arith.constant 0 : index
    %swap3A_550 = vector.load %arg3[%swap3A_547, %swap3A_548, %swap3A_549] : memref<2x128x4096xf32, #tpu.memory_space<vmem>>, vector<1x1x4096xf32>
    %swap3A_551 = vector.shape_cast %swap3A_550 : vector<1x1x4096xf32> to vector<4096xf32>
    %swap3A_552 = vector.shape_cast %get3A_546 : vector<4096xf32> to vector<1x1x4096xf32>
    tpu.vector_store %arg3[%swap3A_547, %swap3A_548, %swap3A_549], %swap3A_552 {strides = array<i32>} : memref<2x128x4096xf32, #tpu.memory_space<vmem>>, vector<1x1x4096xf32>,
    %get3A_553 = arith.constant 58 : index
    %get3A_554 = vector.load %arg1[%get3A_553] : memref<5120xf32, #tpu.memory_space<vmem>>, vector<4096xf32>
    %swap3A_555 = arith.index_cast %rem3A_0 : i32 to index
    %swap3A_556 = arith.constant 69 : index
    %swap3A_557 = arith.constant 0 : index
    %swap3A_558 = vector.load %arg3[%swap3A_555, %swap3A_556, %swap3A_557] : memref<2x128x4096xf32, #tpu.memory_space<vmem>>, vector<1x1x4096xf32>
    %swap3A_559 = vector.shape_cast %swap3A_558 : vector<1x1x4096xf32> to vector<4096xf32>
    %swap3A_560 = vector.shape_cast %get3A_554 : vector<4096xf32> to vector<1x1x4096xf32>
    tpu.vector_store %arg3[%swap3A_555, %swap3A_556, %swap3A_557], %swap3A_560 {strides = array<i32>} : memref<2x128x4096xf32, #tpu.memory_space<vmem>>, vector<1x1x4096xf32>,
    %get3A_561 = arith.constant 57 : index
    %get3A_562 = vector.load %arg1[%get3A_561] : memref<5120xf32, #tpu.memory_space<vmem>>, vector<4096xf32>
    %swap3A_563 = arith.index_cast %rem3A_0 : i32 to index
    %swap3A_564 = arith.constant 70 : index
    %swap3A_565 = arith.constant 0 : index
    %swap3A_566 = vector.load %arg3[%swap3A_563, %swap3A_564, %swap3A_565] : memref<2x128x4096xf32, #tpu.memory_space<vmem>>, vector<1x1x4096xf32>
    %swap3A_567 = vector.shape_cast %swap3A_566 : vector<1x1x4096xf32> to vector<4096xf32>
    %swap3A_568 = vector.shape_cast %get3A_562 : vector<4096xf32> to vector<1x1x4096xf32>
    tpu.vector_store %arg3[%swap3A_563, %swap3A_564, %swap3A_565], %swap3A_568 {strides = array<i32>} : memref<2x128x4096xf32, #tpu.memory_space<vmem>>, vector<1x1x4096xf32>,
    %get3A_569 = arith.constant 56 : index
    %get3A_570 = vector.load %arg1[%get3A_569] : memref<5120xf32, #tpu.memory_space<vmem>>, vector<4096xf32>
    %swap3A_571 = arith.index_cast %rem3A_0 : i32 to index
    %swap3A_572 = arith.constant 71 : index
    %swap3A_573 = arith.constant 0 : index
    %swap3A_574 = vector.load %arg3[%swap3A_571, %swap3A_572, %swap3A_573] : memref<2x128x4096xf32, #tpu.memory_space<vmem>>, vector<1x1x4096xf32>
    %swap3A_575 = vector.shape_cast %swap3A_574 : vector<1x1x4096xf32> to vector<4096xf32>
    %swap3A_576 = vector.shape_cast %get3A_570 : vector<4096xf32> to vector<1x1x4096xf32>
    tpu.vector_store %arg3[%swap3A_571, %swap3A_572, %swap3A_573], %swap3A_576 {strides = array<i32>} : memref<2x128x4096xf32, #tpu.memory_space<vmem>>, vector<1x1x4096xf32>,
    %get3A_577 = arith.constant 55 : index
    %get3A_578 = vector.load %arg1[%get3A_577] : memref<5120xf32, #tpu.memory_space<vmem>>, vector<4096xf32>
    %swap3A_579 = arith.index_cast %rem3A_0 : i32 to index
    %swap3A_580 = arith.constant 72 : index
    %swap3A_581 = arith.constant 0 : index
    %swap3A_582 = vector.load %arg3[%swap3A_579, %swap3A_580, %swap3A_581] : memref<2x128x4096xf32, #tpu.memory_space<vmem>>, vector<1x1x4096xf32>
    %swap3A_583 = vector.shape_cast %swap3A_582 : vector<1x1x4096xf32> to vector<4096xf32>
    %swap3A_584 = vector.shape_cast %get3A_578 : vector<4096xf32> to vector<1x1x4096xf32>
    tpu.vector_store %arg3[%swap3A_579, %swap3A_580, %swap3A_581], %swap3A_584 {strides = array<i32>} : memref<2x128x4096xf32, #tpu.memory_space<vmem>>, vector<1x1x4096xf32>,
    %get3A_585 = arith.constant 54 : index
    %get3A_586 = vector.load %arg1[%get3A_585] : memref<5120xf32, #tpu.memory_space<vmem>>, vector<4096xf32>
    %swap3A_587 = arith.index_cast %rem3A_0 : i32 to index
    %swap3A_588 = arith.constant 73 : index
    %swap3A_589 = arith.constant 0 : index
    %swap3A_590 = vector.load %arg3[%swap3A_587, %swap3A_588, %swap3A_589] : memref<2x128x4096xf32, #tpu.memory_space<vmem>>, vector<1x1x4096xf32>
    %swap3A_591 = vector.shape_cast %swap3A_590 : vector<1x1x4096xf32> to vector<4096xf32>
    %swap3A_592 = vector.shape_cast %get3A_586 : vector<4096xf32> to vector<1x1x4096xf32>
    tpu.vector_store %arg3[%swap3A_587, %swap3A_588, %swap3A_589], %swap3A_592 {strides = array<i32>} : memref<2x128x4096xf32, #tpu.memory_space<vmem>>, vector<1x1x4096xf32>,
    %get3A_593 = arith.constant 53 : index
    %get3A_594 = vector.load %arg1[%get3A_593] : memref<5120xf32, #tpu.memory_space<vmem>>, vector<4096xf32>
    %swap3A_595 = arith.index_cast %rem3A_0 : i32 to index
    %swap3A_596 = arith.constant 74 : index
    %swap3A_597 = arith.constant 0 : index
    %swap3A_598 = vector.load %arg3[%swap3A_595, %swap3A_596, %swap3A_597] : memref<2x128x4096xf32, #tpu.memory_space<vmem>>, vector<1x1x4096xf32>
    %swap3A_599 = vector.shape_cast %swap3A_598 : vector<1x1x4096xf32> to vector<4096xf32>
    %swap3A_600 = vector.shape_cast %get3A_594 : vector<4096xf32> to vector<1x1x4096xf32>
    tpu.vector_store %arg3[%swap3A_595, %swap3A_596, %swap3A_597], %swap3A_600 {strides = array<i32>} : memref<2x128x4096xf32, #tpu.memory_space<vmem>>, vector<1x1x4096xf32>,
    %get3A_601 = arith.constant 52 : index
    %get3A_602 = vector.load %arg1[%get3A_601] : memref<5120xf32, #tpu.memory_space<vmem>>, vector<4096xf32>
    %swap3A_603 = arith.index_cast %rem3A_0 : i32 to index
    %swap3A_604 = arith.constant 75 : index
    %swap3A_605 = arith.constant 0 : index
    %swap3A_606 = vector.load %arg3[%swap3A_603, %swap3A_604, %swap3A_605] : memref<2x128x4096xf32, #tpu.memory_space<vmem>>, vector<1x1x4096xf32>
    %swap3A_607 = vector.shape_cast %swap3A_606 : vector<1x1x4096xf32> to vector<4096xf32>
    %swap3A_608 = vector.shape_cast %get3A_602 : vector<4096xf32> to vector<1x1x4096xf32>
    tpu.vector_store %arg3[%swap3A_603, %swap3A_604, %swap3A_605], %swap3A_608 {strides = array<i32>} : memref<2x128x4096xf32, #tpu.memory_space<vmem>>, vector<1x1x4096xf32>,
    %get3A_609 = arith.constant 51 : index
    %get3A_610 = vector.load %arg1[%get3A_609] : memref<5120xf32, #tpu.memory_space<vmem>>, vector<4096xf32>
    %swap3A_611 = arith.index_cast %rem3A_0 : i32 to index
    %swap3A_612 = arith.constant 76 : index
    %swap3A_613 = arith.constant 0 : index
    %swap3A_614 = vector.load %arg3[%swap3A_611, %swap3A_612, %swap3A_613] : memref<2x128x4096xf32, #tpu.memory_space<vmem>>, vector<1x1x4096xf32>
    %swap3A_615 = vector.shape_cast %swap3A_614 : vector<1x1x4096xf32> to vector<4096xf32>
    %swap3A_616 = vector.shape_cast %get3A_610 : vector<4096xf32> to vector<1x1x4096xf32>
    tpu.vector_store %arg3[%swap3A_611, %swap3A_612, %swap3A_613], %swap3A_616 {strides = array<i32>} : memref<2x128x4096xf32, #tpu.memory_space<vmem>>, vector<1x1x4096xf32>,
    %get3A_617 = arith.constant 50 : index
    %get3A_618 = vector.load %arg1[%get3A_617] : memref<5120xf32, #tpu.memory_space<vmem>>, vector<4096xf32>
    %swap3A_619 = arith.index_cast %rem3A_0 : i32 to index
    %swap3A_620 = arith.constant 77 : index
    %swap3A_621 = arith.constant 0 : index
    %swap3A_622 = vector.load %arg3[%swap3A_619, %swap3A_620, %swap3A_621] : memref<2x128x4096xf32, #tpu.memory_space<vmem>>, vector<1x1x4096xf32>
    %swap3A_623 = vector.shape_cast %swap3A_622 : vector<1x1x4096xf32> to vector<4096xf32>
    %swap3A_624 = vector.shape_cast %get3A_618 : vector<4096xf32> to vector<1x1x4096xf32>
    tpu.vector_store %arg3[%swap3A_619, %swap3A_620, %swap3A_621], %swap3A_624 {strides = array<i32>} : memref<2x128x4096xf32, #tpu.memory_space<vmem>>, vector<1x1x4096xf32>,
    %get3A_625 = arith.constant 49 : index
    %get3A_626 = vector.load %arg1[%get3A_625] : memref<5120xf32, #tpu.memory_space<vmem>>, vector<4096xf32>
    %swap3A_627 = arith.index_cast %rem3A_0 : i32 to index
    %swap3A_628 = arith.constant 78 : index
    %swap3A_629 = arith.constant 0 : index
    %swap3A_630 = vector.load %arg3[%swap3A_627, %swap3A_628, %swap3A_629] : memref<2x128x4096xf32, #tpu.memory_space<vmem>>, vector<1x1x4096xf32>
    %swap3A_631 = vector.shape_cast %swap3A_630 : vector<1x1x4096xf32> to vector<4096xf32>
    %swap3A_632 = vector.shape_cast %get3A_626 : vector<4096xf32> to vector<1x1x4096xf32>
    tpu.vector_store %arg3[%swap3A_627, %swap3A_628, %swap3A_629], %swap3A_632 {strides = array<i32>} : memref<2x128x4096xf32, #tpu.memory_space<vmem>>, vector<1x1x4096xf32>,
    %get3A_633 = arith.constant 48 : index
    %get3A_634 = vector.load %arg1[%get3A_633] : memref<5120xf32, #tpu.memory_space<vmem>>, vector<4096xf32>
    %swap3A_635 = arith.index_cast %rem3A_0 : i32 to index
    %swap3A_636 = arith.constant 79 : index
    %swap3A_637 = arith.constant 0 : index
    %swap3A_638 = vector.load %arg3[%swap3A_635, %swap3A_636, %swap3A_637] : memref<2x128x4096xf32, #tpu.memory_space<vmem>>, vector<1x1x4096xf32>
    %swap3A_639 = vector.shape_cast %swap3A_638 : vector<1x1x4096xf32> to vector<4096xf32>
    %swap3A_640 = vector.shape_cast %get3A_634 : vector<4096xf32> to vector<1x1x4096xf32>
    tpu.vector_store %arg3[%swap3A_635, %swap3A_636, %swap3A_637], %swap3A_640 {strides = array<i32>} : memref<2x128x4096xf32, #tpu.memory_space<vmem>>, vector<1x1x4096xf32>,
    %get3A_641 = arith.constant 47 : index
    %get3A_642 = vector.load %arg1[%get3A_641] : memref<5120xf32, #tpu.memory_space<vmem>>, vector<4096xf32>
    %swap3A_643 = arith.index_cast %rem3A_0 : i32 to index
    %swap3A_644 = arith.constant 80 : index
    %swap3A_645 = arith.constant 0 : index
    %swap3A_646 = vector.load %arg3[%swap3A_643, %swap3A_644, %swap3A_645] : memref<2x128x4096xf32, #tpu.memory_space<vmem>>, vector<1x1x4096xf32>
    %swap3A_647 = vector.shape_cast %swap3A_646 : vector<1x1x4096xf32> to vector<4096xf32>
    %swap3A_648 = vector.shape_cast %get3A_642 : vector<4096xf32> to vector<1x1x4096xf32>
    tpu.vector_store %arg3[%swap3A_643, %swap3A_644, %swap3A_645], %swap3A_648 {strides = array<i32>} : memref<2x128x4096xf32, #tpu.memory_space<vmem>>, vector<1x1x4096xf32>,
    %get3A_649 = arith.constant 46 : index
    %get3A_650 = vector.load %arg1[%get3A_649] : memref<5120xf32, #tpu.memory_space<vmem>>, vector<4096xf32>
    %swap3A_651 = arith.index_cast %rem3A_0 : i32 to index
    %swap3A_652 = arith.constant 81 : index
    %swap3A_653 = arith.constant 0 : index
    %swap3A_654 = vector.load %arg3[%swap3A_651, %swap3A_652, %swap3A_653] : memref<2x128x4096xf32, #tpu.memory_space<vmem>>, vector<1x1x4096xf32>
    %swap3A_655 = vector.shape_cast %swap3A_654 : vector<1x1x4096xf32> to vector<4096xf32>
    %swap3A_656 = vector.shape_cast %get3A_650 : vector<4096xf32> to vector<1x1x4096xf32>
    tpu.vector_store %arg3[%swap3A_651, %swap3A_652, %swap3A_653], %swap3A_656 {strides = array<i32>} : memref<2x128x4096xf32, #tpu.memory_space<vmem>>, vector<1x1x4096xf32>,
    %get3A_657 = arith.constant 45 : index
    %get3A_658 = vector.load %arg1[%get3A_657] : memref<5120xf32, #tpu.memory_space<vmem>>, vector<4096xf32>
    %swap3A_659 = arith.index_cast %rem3A_0 : i32 to index
    %swap3A_660 = arith.constant 82 : index
    %swap3A_661 = arith.constant 0 : index
    %swap3A_662 = vector.load %arg3[%swap3A_659, %swap3A_660, %swap3A_661] : memref<2x128x4096xf32, #tpu.memory_space<vmem>>, vector<1x1x4096xf32>
    %swap3A_663 = vector.shape_cast %swap3A_662 : vector<1x1x4096xf32> to vector<4096xf32>
    %swap3A_664 = vector.shape_cast %get3A_658 : vector<4096xf32> to vector<1x1x4096xf32>
    tpu.vector_store %arg3[%swap3A_659, %swap3A_660, %swap3A_661], %swap3A_664 {strides = array<i32>} : memref<2x128x4096xf32, #tpu.memory_space<vmem>>, vector<1x1x4096xf32>,
    %get3A_665 = arith.constant 44 : index
    %get3A_666 = vector.load %arg1[%get3A_665] : memref<5120xf32, #tpu.memory_space<vmem>>, vector<4096xf32>
    %swap3A_667 = arith.index_cast %rem3A_0 : i32 to index
    %swap3A_668 = arith.constant 83 : index
    %swap3A_669 = arith.constant 0 : index
    %swap3A_670 = vector.load %arg3[%swap3A_667, %swap3A_668, %swap3A_669] : memref<2x128x4096xf32, #tpu.memory_space<vmem>>, vector<1x1x4096xf32>
    %swap3A_671 = vector.shape_cast %swap3A_670 : vector<1x1x4096xf32> to vector<4096xf32>
    %swap3A_672 = vector.shape_cast %get3A_666 : vector<4096xf32> to vector<1x1x4096xf32>
    tpu.vector_store %arg3[%swap3A_667, %swap3A_668, %swap3A_669], %swap3A_672 {strides = array<i32>} : memref<2x128x4096xf32, #tpu.memory_space<vmem>>, vector<1x1x4096xf32>,
    %get3A_673 = arith.constant 43 : index
    %get3A_674 = vector.load %arg1[%get3A_673] : memref<5120xf32, #tpu.memory_space<vmem>>, vector<4096xf32>
    %swap3A_675 = arith.index_cast %rem3A_0 : i32 to index
    %swap3A_676 = arith.constant 84 : index
    %swap3A_677 = arith.constant 0 : index
    %swap3A_678 = vector.load %arg3[%swap3A_675, %swap3A_676, %swap3A_677] : memref<2x128x4096xf32, #tpu.memory_space<vmem>>, vector<1x1x4096xf32>
    %swap3A_679 = vector.shape_cast %swap3A_678 : vector<1x1x4096xf32> to vector<4096xf32>
    %swap3A_680 = vector.shape_cast %get3A_674 : vector<4096xf32> to vector<1x1x4096xf32>
    tpu.vector_store %arg3[%swap3A_675, %swap3A_676, %swap3A_677], %swap3A_680 {strides = array<i32>} : memref<2x128x4096xf32, #tpu.memory_space<vmem>>, vector<1x1x4096xf32>,
    %get3A_681 = arith.constant 42 : index
    %get3A_682 = vector.load %arg1[%get3A_681] : memref<5120xf32, #tpu.memory_space<vmem>>, vector<4096xf32>
    %swap3A_683 = arith.index_cast %rem3A_0 : i32 to index
    %swap3A_684 = arith.constant 85 : index
    %swap3A_685 = arith.constant 0 : index
    %swap3A_686 = vector.load %arg3[%swap3A_683, %swap3A_684, %swap3A_685] : memref<2x128x4096xf32, #tpu.memory_space<vmem>>, vector<1x1x4096xf32>
    %swap3A_687 = vector.shape_cast %swap3A_686 : vector<1x1x4096xf32> to vector<4096xf32>
    %swap3A_688 = vector.shape_cast %get3A_682 : vector<4096xf32> to vector<1x1x4096xf32>
    tpu.vector_store %arg3[%swap3A_683, %swap3A_684, %swap3A_685], %swap3A_688 {strides = array<i32>} : memref<2x128x4096xf32, #tpu.memory_space<vmem>>, vector<1x1x4096xf32>,
    %get3A_689 = arith.constant 41 : index
    %get3A_690 = vector.load %arg1[%get3A_689] : memref<5120xf32, #tpu.memory_space<vmem>>, vector<4096xf32>
    %swap3A_691 = arith.index_cast %rem3A_0 : i32 to index
    %swap3A_692 = arith.constant 86 : index
    %swap3A_693 = arith.constant 0 : index
    %swap3A_694 = vector.load %arg3[%swap3A_691, %swap3A_692, %swap3A_693] : memref<2x128x4096xf32, #tpu.memory_space<vmem>>, vector<1x1x4096xf32>
    %swap3A_695 = vector.shape_cast %swap3A_694 : vector<1x1x4096xf32> to vector<4096xf32>
    %swap3A_696 = vector.shape_cast %get3A_690 : vector<4096xf32> to vector<1x1x4096xf32>
    tpu.vector_store %arg3[%swap3A_691, %swap3A_692, %swap3A_693], %swap3A_696 {strides = array<i32>} : memref<2x128x4096xf32, #tpu.memory_space<vmem>>, vector<1x1x4096xf32>,
    %get3A_697 = arith.constant 40 : index
    %get3A_698 = vector.load %arg1[%get3A_697] : memref<5120xf32, #tpu.memory_space<vmem>>, vector<4096xf32>
    %swap3A_699 = arith.index_cast %rem3A_0 : i32 to index
    %swap3A_700 = arith.constant 87 : index
    %swap3A_701 = arith.constant 0 : index
    %swap3A_702 = vector.load %arg3[%swap3A_699, %swap3A_700, %swap3A_701] : memref<2x128x4096xf32, #tpu.memory_space<vmem>>, vector<1x1x4096xf32>
    %swap3A_703 = vector.shape_cast %swap3A_702 : vector<1x1x4096xf32> to vector<4096xf32>
    %swap3A_704 = vector.shape_cast %get3A_698 : vector<4096xf32> to vector<1x1x4096xf32>
    tpu.vector_store %arg3[%swap3A_699, %swap3A_700, %swap3A_701], %swap3A_704 {strides = array<i32>} : memref<2x128x4096xf32, #tpu.memory_space<vmem>>, vector<1x1x4096xf32>,
    %get3A_705 = arith.constant 39 : index
    %get3A_706 = vector.load %arg1[%get3A_705] : memref<5120xf32, #tpu.memory_space<vmem>>, vector<4096xf32>
    %swap3A_707 = arith.index_cast %rem3A_0 : i32 to index
    %swap3A_708 = arith.constant 88 : index
    %swap3A_709 = arith.constant 0 : index
    %swap3A_710 = vector.load %arg3[%swap3A_707, %swap3A_708, %swap3A_709] : memref<2x128x4096xf32, #tpu.memory_space<vmem>>, vector<1x1x4096xf32>
    %swap3A_711 = vector.shape_cast %swap3A_710 : vector<1x1x4096xf32> to vector<4096xf32>
    %swap3A_712 = vector.shape_cast %get3A_706 : vector<4096xf32> to vector<1x1x4096xf32>
    tpu.vector_store %arg3[%swap3A_707, %swap3A_708, %swap3A_709], %swap3A_712 {strides = array<i32>} : memref<2x128x4096xf32, #tpu.memory_space<vmem>>, vector<1x1x4096xf32>,
    %get3A_713 = arith.constant 38 : index
    %get3A_714 = vector.load %arg1[%get3A_713] : memref<5120xf32, #tpu.memory_space<vmem>>, vector<4096xf32>
    %swap3A_715 = arith.index_cast %rem3A_0 : i32 to index
    %swap3A_716 = arith.constant 89 : index
    %swap3A_717 = arith.constant 0 : index
    %swap3A_718 = vector.load %arg3[%swap3A_715, %swap3A_716, %swap3A_717] : memref<2x128x4096xf32, #tpu.memory_space<vmem>>, vector<1x1x4096xf32>
    %swap3A_719 = vector.shape_cast %swap3A_718 : vector<1x1x4096xf32> to vector<4096xf32>
    %swap3A_720 = vector.shape_cast %get3A_714 : vector<4096xf32> to vector<1x1x4096xf32>
    tpu.vector_store %arg3[%swap3A_715, %swap3A_716, %swap3A_717], %swap3A_720 {strides = array<i32>} : memref<2x128x4096xf32, #tpu.memory_space<vmem>>, vector<1x1x4096xf32>,
    %get3A_721 = arith.constant 37 : index
    %get3A_722 = vector.load %arg1[%get3A_721] : memref<5120xf32, #tpu.memory_space<vmem>>, vector<4096xf32>
    %swap3A_723 = arith.index_cast %rem3A_0 : i32 to index
    %swap3A_724 = arith.constant 90 : index
    %swap3A_725 = arith.constant 0 : index
    %swap3A_726 = vector.load %arg3[%swap3A_723, %swap3A_724, %swap3A_725] : memref<2x128x4096xf32, #tpu.memory_space<vmem>>, vector<1x1x4096xf32>
    %swap3A_727 = vector.shape_cast %swap3A_726 : vector<1x1x4096xf32> to vector<4096xf32>
    %swap3A_728 = vector.shape_cast %get3A_722 : vector<4096xf32> to vector<1x1x4096xf32>
    tpu.vector_store %arg3[%swap3A_723, %swap3A_724, %swap3A_725], %swap3A_728 {strides = array<i32>} : memref<2x128x4096xf32, #tpu.memory_space<vmem>>, vector<1x1x4096xf32>,
    %get3A_729 = arith.constant 36 : index
    %get3A_730 = vector.load %arg1[%get3A_729] : memref<5120xf32, #tpu.memory_space<vmem>>, vector<4096xf32>
    %swap3A_731 = arith.index_cast %rem3A_0 : i32 to index
    %swap3A_732 = arith.constant 91 : index
    %swap3A_733 = arith.constant 0 : index
    %swap3A_734 = vector.load %arg3[%swap3A_731, %swap3A_732, %swap3A_733] : memref<2x128x4096xf32, #tpu.memory_space<vmem>>, vector<1x1x4096xf32>
    %swap3A_735 = vector.shape_cast %swap3A_734 : vector<1x1x4096xf32> to vector<4096xf32>
    %swap3A_736 = vector.shape_cast %get3A_730 : vector<4096xf32> to vector<1x1x4096xf32>
    tpu.vector_store %arg3[%swap3A_731, %swap3A_732, %swap3A_733], %swap3A_736 {strides = array<i32>} : memref<2x128x4096xf32, #tpu.memory_space<vmem>>, vector<1x1x4096xf32>,
    %get3A_737 = arith.constant 35 : index
    %get3A_738 = vector.load %arg1[%get3A_737] : memref<5120xf32, #tpu.memory_space<vmem>>, vector<4096xf32>
    %swap3A_739 = arith.index_cast %rem3A_0 : i32 to index
    %swap3A_740 = arith.constant 92 : index
    %swap3A_741 = arith.constant 0 : index
    %swap3A_742 = vector.load %arg3[%swap3A_739, %swap3A_740, %swap3A_741] : memref<2x128x4096xf32, #tpu.memory_space<vmem>>, vector<1x1x4096xf32>
    %swap3A_743 = vector.shape_cast %swap3A_742 : vector<1x1x4096xf32> to vector<4096xf32>
    %swap3A_744 = vector.shape_cast %get3A_738 : vector<4096xf32> to vector<1x1x4096xf32>
    tpu.vector_store %arg3[%swap3A_739, %swap3A_740, %swap3A_741], %swap3A_744 {strides = array<i32>} : memref<2x128x4096xf32, #tpu.memory_space<vmem>>, vector<1x1x4096xf32>,
    %get3A_745 = arith.constant 34 : index
    %get3A_746 = vector.load %arg1[%get3A_745] : memref<5120xf32, #tpu.memory_space<vmem>>, vector<4096xf32>
    %swap3A_747 = arith.index_cast %rem3A_0 : i32 to index
    %swap3A_748 = arith.constant 93 : index
    %swap3A_749 = arith.constant 0 : index
    %swap3A_750 = vector.load %arg3[%swap3A_747, %swap3A_748, %swap3A_749] : memref<2x128x4096xf32, #tpu.memory_space<vmem>>, vector<1x1x4096xf32>
    %swap3A_751 = vector.shape_cast %swap3A_750 : vector<1x1x4096xf32> to vector<4096xf32>
    %swap3A_752 = vector.shape_cast %get3A_746 : vector<4096xf32> to vector<1x1x4096xf32>
    tpu.vector_store %arg3[%swap3A_747, %swap3A_748, %swap3A_749], %swap3A_752 {strides = array<i32>} : memref<2x128x4096xf32, #tpu.memory_space<vmem>>, vector<1x1x4096xf32>,
    %get3A_753 = arith.constant 33 : index
    %get3A_754 = vector.load %arg1[%get3A_753] : memref<5120xf32, #tpu.memory_space<vmem>>, vector<4096xf32>
    %swap3A_755 = arith.index_cast %rem3A_0 : i32 to index
    %swap3A_756 = arith.constant 94 : index
    %swap3A_757 = arith.constant 0 : index
    %swap3A_758 = vector.load %arg3[%swap3A_755, %swap3A_756, %swap3A_757] : memref<2x128x4096xf32, #tpu.memory_space<vmem>>, vector<1x1x4096xf32>
    %swap3A_759 = vector.shape_cast %swap3A_758 : vector<1x1x4096xf32> to vector<4096xf32>
    %swap3A_760 = vector.shape_cast %get3A_754 : vector<4096xf32> to vector<1x1x4096xf32>
    tpu.vector_store %arg3[%swap3A_755, %swap3A_756, %swap3A_757], %swap3A_760 {strides = array<i32>} : memref<2x128x4096xf32, #tpu.memory_space<vmem>>, vector<1x1x4096xf32>,
    %get3A_761 = arith.constant 32 : index
    %get3A_762 = vector.load %arg1[%get3A_761] : memref<5120xf32, #tpu.memory_space<vmem>>, vector<4096xf32>
    %swap3A_763 = arith.index_cast %rem3A_0 : i32 to index
    %swap3A_764 = arith.constant 95 : index
    %swap3A_765 = arith.constant 0 : index
    %swap3A_766 = vector.load %arg3[%swap3A_763, %swap3A_764, %swap3A_765] : memref<2x128x4096xf32, #tpu.memory_space<vmem>>, vector<1x1x4096xf32>
    %swap3A_767 = vector.shape_cast %swap3A_766 : vector<1x1x4096xf32> to vector<4096xf32>
    %swap3A_768 = vector.shape_cast %get3A_762 : vector<4096xf32> to vector<1x1x4096xf32>
    tpu.vector_store %arg3[%swap3A_763, %swap3A_764, %swap3A_765], %swap3A_768 {strides = array<i32>} : memref<2x128x4096xf32, #tpu.memory_space<vmem>>, vector<1x1x4096xf32>,
    %get3A_769 = arith.constant 31 : index
    %get3A_770 = vector.load %arg1[%get3A_769] : memref<5120xf32, #tpu.memory_space<vmem>>, vector<4096xf32>
    %swap3A_771 = arith.index_cast %rem3A_0 : i32 to index
    %swap3A_772 = arith.constant 96 : index
    %swap3A_773 = arith.constant 0 : index
    %swap3A_774 = vector.load %arg3[%swap3A_771, %swap3A_772, %swap3A_773] : memref<2x128x4096xf32, #tpu.memory_space<vmem>>, vector<1x1x4096xf32>
    %swap3A_775 = vector.shape_cast %swap3A_774 : vector<1x1x4096xf32> to vector<4096xf32>
    %swap3A_776 = vector.shape_cast %get3A_770 : vector<4096xf32> to vector<1x1x4096xf32>
    tpu.vector_store %arg3[%swap3A_771, %swap3A_772, %swap3A_773], %swap3A_776 {strides = array<i32>} : memref<2x128x4096xf32, #tpu.memory_space<vmem>>, vector<1x1x4096xf32>,
    %get3A_777 = arith.constant 30 : index
    %get3A_778 = vector.load %arg1[%get3A_777] : memref<5120xf32, #tpu.memory_space<vmem>>, vector<4096xf32>
    %swap3A_779 = arith.index_cast %rem3A_0 : i32 to index
    %swap3A_780 = arith.constant 97 : index
    %swap3A_781 = arith.constant 0 : index
    %swap3A_782 = vector.load %arg3[%swap3A_779, %swap3A_780, %swap3A_781] : memref<2x128x4096xf32, #tpu.memory_space<vmem>>, vector<1x1x4096xf32>
    %swap3A_783 = vector.shape_cast %swap3A_782 : vector<1x1x4096xf32> to vector<4096xf32>
    %swap3A_784 = vector.shape_cast %get3A_778 : vector<4096xf32> to vector<1x1x4096xf32>
    tpu.vector_store %arg3[%swap3A_779, %swap3A_780, %swap3A_781], %swap3A_784 {strides = array<i32>} : memref<2x128x4096xf32, #tpu.memory_space<vmem>>, vector<1x1x4096xf32>,
    %get3A_785 = arith.constant 29 : index
    %get3A_786 = vector.load %arg1[%get3A_785] : memref<5120xf32, #tpu.memory_space<vmem>>, vector<4096xf32>
    %swap3A_787 = arith.index_cast %rem3A_0 : i32 to index
    %swap3A_788 = arith.constant 98 : index
    %swap3A_789 = arith.constant 0 : index
    %swap3A_790 = vector.load %arg3[%swap3A_787, %swap3A_788, %swap3A_789] : memref<2x128x4096xf32, #tpu.memory_space<vmem>>, vector<1x1x4096xf32>
    %swap3A_791 = vector.shape_cast %swap3A_790 : vector<1x1x4096xf32> to vector<4096xf32>
    %swap3A_792 = vector.shape_cast %get3A_786 : vector<4096xf32> to vector<1x1x4096xf32>
    tpu.vector_store %arg3[%swap3A_787, %swap3A_788, %swap3A_789], %swap3A_792 {strides = array<i32>} : memref<2x128x4096xf32, #tpu.memory_space<vmem>>, vector<1x1x4096xf32>,
    %get3A_793 = arith.constant 28 : index
    %get3A_794 = vector.load %arg1[%get3A_793] : memref<5120xf32, #tpu.memory_space<vmem>>, vector<4096xf32>
    %swap3A_795 = arith.index_cast %rem3A_0 : i32 to index
    %swap3A_796 = arith.constant 99 : index
    %swap3A_797 = arith.constant 0 : index
    %swap3A_798 = vector.load %arg3[%swap3A_795, %swap3A_796, %swap3A_797] : memref<2x128x4096xf32, #tpu.memory_space<vmem>>, vector<1x1x4096xf32>
    %swap3A_799 = vector.shape_cast %swap3A_798 : vector<1x1x4096xf32> to vector<4096xf32>
    %swap3A_800 = vector.shape_cast %get3A_794 : vector<4096xf32> to vector<1x1x4096xf32>
    tpu.vector_store %arg3[%swap3A_795, %swap3A_796, %swap3A_797], %swap3A_800 {strides = array<i32>} : memref<2x128x4096xf32, #tpu.memory_space<vmem>>, vector<1x1x4096xf32>,
    %get3A_801 = arith.constant 27 : index
    %get3A_802 = vector.load %arg1[%get3A_801] : memref<5120xf32, #tpu.memory_space<vmem>>, vector<4096xf32>
    %swap3A_803 = arith.index_cast %rem3A_0 : i32 to index
    %swap3A_804 = arith.constant 100 : index
    %swap3A_805 = arith.constant 0 : index
    %swap3A_806 = vector.load %arg3[%swap3A_803, %swap3A_804, %swap3A_805] : memref<2x128x4096xf32, #tpu.memory_space<vmem>>, vector<1x1x4096xf32>
    %swap3A_807 = vector.shape_cast %swap3A_806 : vector<1x1x4096xf32> to vector<4096xf32>
    %swap3A_808 = vector.shape_cast %get3A_802 : vector<4096xf32> to vector<1x1x4096xf32>
    tpu.vector_store %arg3[%swap3A_803, %swap3A_804, %swap3A_805], %swap3A_808 {strides = array<i32>} : memref<2x128x4096xf32, #tpu.memory_space<vmem>>, vector<1x1x4096xf32>,
    %get3A_809 = arith.constant 26 : index
    %get3A_810 = vector.load %arg1[%get3A_809] : memref<5120xf32, #tpu.memory_space<vmem>>, vector<4096xf32>
    %swap3A_811 = arith.index_cast %rem3A_0 : i32 to index
    %swap3A_812 = arith.constant 101 : index
    %swap3A_813 = arith.constant 0 : index
    %swap3A_814 = vector.load %arg3[%swap3A_811, %swap3A_812, %swap3A_813] : memref<2x128x4096xf32, #tpu.memory_space<vmem>>, vector<1x1x4096xf32>
    %swap3A_815 = vector.shape_cast %swap3A_814 : vector<1x1x4096xf32> to vector<4096xf32>
    %swap3A_816 = vector.shape_cast %get3A_810 : vector<4096xf32> to vector<1x1x4096xf32>
    tpu.vector_store %arg3[%swap3A_811, %swap3A_812, %swap3A_813], %swap3A_816 {strides = array<i32>} : memref<2x128x4096xf32, #tpu.memory_space<vmem>>, vector<1x1x4096xf32>,
    %get3A_817 = arith.constant 25 : index
    %get3A_818 = vector.load %arg1[%get3A_817] : memref<5120xf32, #tpu.memory_space<vmem>>, vector<4096xf32>
    %swap3A_819 = arith.index_cast %rem3A_0 : i32 to index
    %swap3A_820 = arith.constant 102 : index
    %swap3A_821 = arith.constant 0 : index
    %swap3A_822 = vector.load %arg3[%swap3A_819, %swap3A_820, %swap3A_821] : memref<2x128x4096xf32, #tpu.memory_space<vmem>>, vector<1x1x4096xf32>
    %swap3A_823 = vector.shape_cast %swap3A_822 : vector<1x1x4096xf32> to vector<4096xf32>
    %swap3A_824 = vector.shape_cast %get3A_818 : vector<4096xf32> to vector<1x1x4096xf32>
    tpu.vector_store %arg3[%swap3A_819, %swap3A_820, %swap3A_821], %swap3A_824 {strides = array<i32>} : memref<2x128x4096xf32, #tpu.memory_space<vmem>>, vector<1x1x4096xf32>,
    %get3A_825 = arith.constant 24 : index
    %get3A_826 = vector.load %arg1[%get3A_825] : memref<5120xf32, #tpu.memory_space<vmem>>, vector<4096xf32>
    %swap3A_827 = arith.index_cast %rem3A_0 : i32 to index
    %swap3A_828 = arith.constant 103 : index
    %swap3A_829 = arith.constant 0 : index
    %swap3A_830 = vector.load %arg3[%swap3A_827, %swap3A_828, %swap3A_829] : memref<2x128x4096xf32, #tpu.memory_space<vmem>>, vector<1x1x4096xf32>
    %swap3A_831 = vector.shape_cast %swap3A_830 : vector<1x1x4096xf32> to vector<4096xf32>
    %swap3A_832 = vector.shape_cast %get3A_826 : vector<4096xf32> to vector<1x1x4096xf32>
    tpu.vector_store %arg3[%swap3A_827, %swap3A_828, %swap3A_829], %swap3A_832 {strides = array<i32>} : memref<2x128x4096xf32, #tpu.memory_space<vmem>>, vector<1x1x4096xf32>,
    %get3A_833 = arith.constant 23 : index
    %get3A_834 = vector.load %arg1[%get3A_833] : memref<5120xf32, #tpu.memory_space<vmem>>, vector<4096xf32>
    %swap3A_835 = arith.index_cast %rem3A_0 : i32 to index
    %swap3A_836 = arith.constant 104 : index
    %swap3A_837 = arith.constant 0 : index
    %swap3A_838 = vector.load %arg3[%swap3A_835, %swap3A_836, %swap3A_837] : memref<2x128x4096xf32, #tpu.memory_space<vmem>>, vector<1x1x4096xf32>
    %swap3A_839 = vector.shape_cast %swap3A_838 : vector<1x1x4096xf32> to vector<4096xf32>
    %swap3A_840 = vector.shape_cast %get3A_834 : vector<4096xf32> to vector<1x1x4096xf32>
    tpu.vector_store %arg3[%swap3A_835, %swap3A_836, %swap3A_837], %swap3A_840 {strides = array<i32>} : memref<2x128x4096xf32, #tpu.memory_space<vmem>>, vector<1x1x4096xf32>,
    %get3A_841 = arith.constant 22 : index
    %get3A_842 = vector.load %arg1[%get3A_841] : memref<5120xf32, #tpu.memory_space<vmem>>, vector<4096xf32>
    %swap3A_843 = arith.index_cast %rem3A_0 : i32 to index
    %swap3A_844 = arith.constant 105 : index
    %swap3A_845 = arith.constant 0 : index
    %swap3A_846 = vector.load %arg3[%swap3A_843, %swap3A_844, %swap3A_845] : memref<2x128x4096xf32, #tpu.memory_space<vmem>>, vector<1x1x4096xf32>
    %swap3A_847 = vector.shape_cast %swap3A_846 : vector<1x1x4096xf32> to vector<4096xf32>
    %swap3A_848 = vector.shape_cast %get3A_842 : vector<4096xf32> to vector<1x1x4096xf32>
    tpu.vector_store %arg3[%swap3A_843, %swap3A_844, %swap3A_845], %swap3A_848 {strides = array<i32>} : memref<2x128x4096xf32, #tpu.memory_space<vmem>>, vector<1x1x4096xf32>,
    %get3A_849 = arith.constant 21 : index
    %get3A_850 = vector.load %arg1[%get3A_849] : memref<5120xf32, #tpu.memory_space<vmem>>, vector<4096xf32>
    %swap3A_851 = arith.index_cast %rem3A_0 : i32 to index
    %swap3A_852 = arith.constant 106 : index
    %swap3A_853 = arith.constant 0 : index
    %swap3A_854 = vector.load %arg3[%swap3A_851, %swap3A_852, %swap3A_853] : memref<2x128x4096xf32, #tpu.memory_space<vmem>>, vector<1x1x4096xf32>
    %swap3A_855 = vector.shape_cast %swap3A_854 : vector<1x1x4096xf32> to vector<4096xf32>
    %swap3A_856 = vector.shape_cast %get3A_850 : vector<4096xf32> to vector<1x1x4096xf32>
    tpu.vector_store %arg3[%swap3A_851, %swap3A_852, %swap3A_853], %swap3A_856 {strides = array<i32>} : memref<2x128x4096xf32, #tpu.memory_space<vmem>>, vector<1x1x4096xf32>,
    %get3A_857 = arith.constant 20 : index
    %get3A_858 = vector.load %arg1[%get3A_857] : memref<5120xf32, #tpu.memory_space<vmem>>, vector<4096xf32>
    %swap3A_859 = arith.index_cast %rem3A_0 : i32 to index
    %swap3A_860 = arith.constant 107 : index
    %swap3A_861 = arith.constant 0 : index
    %swap3A_862 = vector.load %arg3[%swap3A_859, %swap3A_860, %swap3A_861] : memref<2x128x4096xf32, #tpu.memory_space<vmem>>, vector<1x1x4096xf32>
    %swap3A_863 = vector.shape_cast %swap3A_862 : vector<1x1x4096xf32> to vector<4096xf32>
    %swap3A_864 = vector.shape_cast %get3A_858 : vector<4096xf32> to vector<1x1x4096xf32>
    tpu.vector_store %arg3[%swap3A_859, %swap3A_860, %swap3A_861], %swap3A_864 {strides = array<i32>} : memref<2x128x4096xf32, #tpu.memory_space<vmem>>, vector<1x1x4096xf32>,
    %get3A_865 = arith.constant 19 : index
    %get3A_866 = vector.load %arg1[%get3A_865] : memref<5120xf32, #tpu.memory_space<vmem>>, vector<4096xf32>
    %swap3A_867 = arith.index_cast %rem3A_0 : i32 to index
    %swap3A_868 = arith.constant 108 : index
    %swap3A_869 = arith.constant 0 : index
    %swap3A_870 = vector.load %arg3[%swap3A_867, %swap3A_868, %swap3A_869] : memref<2x128x4096xf32, #tpu.memory_space<vmem>>, vector<1x1x4096xf32>
    %swap3A_871 = vector.shape_cast %swap3A_870 : vector<1x1x4096xf32> to vector<4096xf32>
    %swap3A_872 = vector.shape_cast %get3A_866 : vector<4096xf32> to vector<1x1x4096xf32>
    tpu.vector_store %arg3[%swap3A_867, %swap3A_868, %swap3A_869], %swap3A_872 {strides = array<i32>} : memref<2x128x4096xf32, #tpu.memory_space<vmem>>, vector<1x1x4096xf32>,
    %get3A_873 = arith.constant 18 : index
    %get3A_874 = vector.load %arg1[%get3A_873] : memref<5120xf32, #tpu.memory_space<vmem>>, vector<4096xf32>
    %swap3A_875 = arith.index_cast %rem3A_0 : i32 to index
    %swap3A_876 = arith.constant 109 : index
    %swap3A_877 = arith.constant 0 : index
    %swap3A_878 = vector.load %arg3[%swap3A_875, %swap3A_876, %swap3A_877] : memref<2x128x4096xf32, #tpu.memory_space<vmem>>, vector<1x1x4096xf32>
    %swap3A_879 = vector.shape_cast %swap3A_878 : vector<1x1x4096xf32> to vector<4096xf32>
    %swap3A_880 = vector.shape_cast %get3A_874 : vector<4096xf32> to vector<1x1x4096xf32>
    tpu.vector_store %arg3[%swap3A_875, %swap3A_876, %swap3A_877], %swap3A_880 {strides = array<i32>} : memref<2x128x4096xf32, #tpu.memory_space<vmem>>, vector<1x1x4096xf32>,
    %get3A_881 = arith.constant 17 : index
    %get3A_882 = vector.load %arg1[%get3A_881] : memref<5120xf32, #tpu.memory_space<vmem>>, vector<4096xf32>
    %swap3A_883 = arith.index_cast %rem3A_0 : i32 to index
    %swap3A_884 = arith.constant 110 : index
    %swap3A_885 = arith.constant 0 : index
    %swap3A_886 = vector.load %arg3[%swap3A_883, %swap3A_884, %swap3A_885] : memref<2x128x4096xf32, #tpu.memory_space<vmem>>, vector<1x1x4096xf32>
    %swap3A_887 = vector.shape_cast %swap3A_886 : vector<1x1x4096xf32> to vector<4096xf32>
    %swap3A_888 = vector.shape_cast %get3A_882 : vector<4096xf32> to vector<1x1x4096xf32>
    tpu.vector_store %arg3[%swap3A_883, %swap3A_884, %swap3A_885], %swap3A_888 {strides = array<i32>} : memref<2x128x4096xf32, #tpu.memory_space<vmem>>, vector<1x1x4096xf32>,
    %get3A_889 = arith.constant 16 : index
    %get3A_890 = vector.load %arg1[%get3A_889] : memref<5120xf32, #tpu.memory_space<vmem>>, vector<4096xf32>
    %swap3A_891 = arith.index_cast %rem3A_0 : i32 to index
    %swap3A_892 = arith.constant 111 : index
    %swap3A_893 = arith.constant 0 : index
    %swap3A_894 = vector.load %arg3[%swap3A_891, %swap3A_892, %swap3A_893] : memref<2x128x4096xf32, #tpu.memory_space<vmem>>, vector<1x1x4096xf32>
    %swap3A_895 = vector.shape_cast %swap3A_894 : vector<1x1x4096xf32> to vector<4096xf32>
    %swap3A_896 = vector.shape_cast %get3A_890 : vector<4096xf32> to vector<1x1x4096xf32>
    tpu.vector_store %arg3[%swap3A_891, %swap3A_892, %swap3A_893], %swap3A_896 {strides = array<i32>} : memref<2x128x4096xf32, #tpu.memory_space<vmem>>, vector<1x1x4096xf32>,
    %get3A_897 = arith.constant 15 : index
    %get3A_898 = vector.load %arg1[%get3A_897] : memref<5120xf32, #tpu.memory_space<vmem>>, vector<4096xf32>
    %swap3A_899 = arith.index_cast %rem3A_0 : i32 to index
    %swap3A_900 = arith.constant 112 : index
    %swap3A_901 = arith.constant 0 : index
    %swap3A_902 = vector.load %arg3[%swap3A_899, %swap3A_900, %swap3A_901] : memref<2x128x4096xf32, #tpu.memory_space<vmem>>, vector<1x1x4096xf32>
    %swap3A_903 = vector.shape_cast %swap3A_902 : vector<1x1x4096xf32> to vector<4096xf32>
    %swap3A_904 = vector.shape_cast %get3A_898 : vector<4096xf32> to vector<1x1x4096xf32>
    tpu.vector_store %arg3[%swap3A_899, %swap3A_900, %swap3A_901], %swap3A_904 {strides = array<i32>} : memref<2x128x4096xf32, #tpu.memory_space<vmem>>, vector<1x1x4096xf32>,
    %get3A_905 = arith.constant 14 : index
    %get3A_906 = vector.load %arg1[%get3A_905] : memref<5120xf32, #tpu.memory_space<vmem>>, vector<4096xf32>
    %swap3A_907 = arith.index_cast %rem3A_0 : i32 to index
    %swap3A_908 = arith.constant 113 : index
    %swap3A_909 = arith.constant 0 : index
    %swap3A_910 = vector.load %arg3[%swap3A_907, %swap3A_908, %swap3A_909] : memref<2x128x4096xf32, #tpu.memory_space<vmem>>, vector<1x1x4096xf32>
    %swap3A_911 = vector.shape_cast %swap3A_910 : vector<1x1x4096xf32> to vector<4096xf32>
    %swap3A_912 = vector.shape_cast %get3A_906 : vector<4096xf32> to vector<1x1x4096xf32>
    tpu.vector_store %arg3[%swap3A_907, %swap3A_908, %swap3A_909], %swap3A_912 {strides = array<i32>} : memref<2x128x4096xf32, #tpu.memory_space<vmem>>, vector<1x1x4096xf32>,
    %get3A_913 = arith.constant 13 : index
    %get3A_914 = vector.load %arg1[%get3A_913] : memref<5120xf32, #tpu.memory_space<vmem>>, vector<4096xf32>
    %swap3A_915 = arith.index_cast %rem3A_0 : i32 to index
    %swap3A_916 = arith.constant 114 : index
    %swap3A_917 = arith.constant 0 : index
    %swap3A_918 = vector.load %arg3[%swap3A_915, %swap3A_916, %swap3A_917] : memref<2x128x4096xf32, #tpu.memory_space<vmem>>, vector<1x1x4096xf32>
    %swap3A_919 = vector.shape_cast %swap3A_918 : vector<1x1x4096xf32> to vector<4096xf32>
    %swap3A_920 = vector.shape_cast %get3A_914 : vector<4096xf32> to vector<1x1x4096xf32>
    tpu.vector_store %arg3[%swap3A_915, %swap3A_916, %swap3A_917], %swap3A_920 {strides = array<i32>} : memref<2x128x4096xf32, #tpu.memory_space<vmem>>, vector<1x1x4096xf32>,
    %get3A_921 = arith.constant 12 : index
    %get3A_922 = vector.load %arg1[%get3A_921] : memref<5120xf32, #tpu.memory_space<vmem>>, vector<4096xf32>
    %swap3A_923 = arith.index_cast %rem3A_0 : i32 to index
    %swap3A_924 = arith.constant 115 : index
    %swap3A_925 = arith.constant 0 : index
    %swap3A_926 = vector.load %arg3[%swap3A_923, %swap3A_924, %swap3A_925] : memref<2x128x4096xf32, #tpu.memory_space<vmem>>, vector<1x1x4096xf32>
    %swap3A_927 = vector.shape_cast %swap3A_926 : vector<1x1x4096xf32> to vector<4096xf32>
    %swap3A_928 = vector.shape_cast %get3A_922 : vector<4096xf32> to vector<1x1x4096xf32>
    tpu.vector_store %arg3[%swap3A_923, %swap3A_924, %swap3A_925], %swap3A_928 {strides = array<i32>} : memref<2x128x4096xf32, #tpu.memory_space<vmem>>, vector<1x1x4096xf32>,
    %get3A_929 = arith.constant 11 : index
    %get3A_930 = vector.load %arg1[%get3A_929] : memref<5120xf32, #tpu.memory_space<vmem>>, vector<4096xf32>
    %swap3A_931 = arith.index_cast %rem3A_0 : i32 to index
    %swap3A_932 = arith.constant 116 : index
    %swap3A_933 = arith.constant 0 : index
    %swap3A_934 = vector.load %arg3[%swap3A_931, %swap3A_932, %swap3A_933] : memref<2x128x4096xf32, #tpu.memory_space<vmem>>, vector<1x1x4096xf32>
    %swap3A_935 = vector.shape_cast %swap3A_934 : vector<1x1x4096xf32> to vector<4096xf32>
    %swap3A_936 = vector.shape_cast %get3A_930 : vector<4096xf32> to vector<1x1x4096xf32>
    tpu.vector_store %arg3[%swap3A_931, %swap3A_932, %swap3A_933], %swap3A_936 {strides = array<i32>} : memref<2x128x4096xf32, #tpu.memory_space<vmem>>, vector<1x1x4096xf32>,
    %get3A_937 = arith.constant 10 : index
    %get3A_938 = vector.load %arg1[%get3A_937] : memref<5120xf32, #tpu.memory_space<vmem>>, vector<4096xf32>
    %swap3A_939 = arith.index_cast %rem3A_0 : i32 to index
    %swap3A_940 = arith.constant 117 : index
    %swap3A_941 = arith.constant 0 : index
    %swap3A_942 = vector.load %arg3[%swap3A_939, %swap3A_940, %swap3A_941] : memref<2x128x4096xf32, #tpu.memory_space<vmem>>, vector<1x1x4096xf32>
    %swap3A_943 = vector.shape_cast %swap3A_942 : vector<1x1x4096xf32> to vector<4096xf32>
    %swap3A_944 = vector.shape_cast %get3A_938 : vector<4096xf32> to vector<1x1x4096xf32>
    tpu.vector_store %arg3[%swap3A_939, %swap3A_940, %swap3A_941], %swap3A_944 {strides = array<i32>} : memref<2x128x4096xf32, #tpu.memory_space<vmem>>, vector<1x1x4096xf32>,
    %get3A_945 = arith.constant 9 : index
    %get3A_946 = vector.load %arg1[%get3A_945] : memref<5120xf32, #tpu.memory_space<vmem>>, vector<4096xf32>
    %swap3A_947 = arith.index_cast %rem3A_0 : i32 to index
    %swap3A_948 = arith.constant 118 : index
    %swap3A_949 = arith.constant 0 : index
    %swap3A_950 = vector.load %arg3[%swap3A_947, %swap3A_948, %swap3A_949] : memref<2x128x4096xf32, #tpu.memory_space<vmem>>, vector<1x1x4096xf32>
    %swap3A_951 = vector.shape_cast %swap3A_950 : vector<1x1x4096xf32> to vector<4096xf32>
    %swap3A_952 = vector.shape_cast %get3A_946 : vector<4096xf32> to vector<1x1x4096xf32>
    tpu.vector_store %arg3[%swap3A_947, %swap3A_948, %swap3A_949], %swap3A_952 {strides = array<i32>} : memref<2x128x4096xf32, #tpu.memory_space<vmem>>, vector<1x1x4096xf32>,
    %get3A_953 = arith.constant 8 : index
    %get3A_954 = vector.load %arg1[%get3A_953] : memref<5120xf32, #tpu.memory_space<vmem>>, vector<4096xf32>
    %swap3A_955 = arith.index_cast %rem3A_0 : i32 to index
    %swap3A_956 = arith.constant 119 : index
    %swap3A_957 = arith.constant 0 : index
    %swap3A_958 = vector.load %arg3[%swap3A_955, %swap3A_956, %swap3A_957] : memref<2x128x4096xf32, #tpu.memory_space<vmem>>, vector<1x1x4096xf32>
    %swap3A_959 = vector.shape_cast %swap3A_958 : vector<1x1x4096xf32> to vector<4096xf32>
    %swap3A_960 = vector.shape_cast %get3A_954 : vector<4096xf32> to vector<1x1x4096xf32>
    tpu.vector_store %arg3[%swap3A_955, %swap3A_956, %swap3A_957], %swap3A_960 {strides = array<i32>} : memref<2x128x4096xf32, #tpu.memory_space<vmem>>, vector<1x1x4096xf32>,
    %get3A_961 = arith.constant 7 : index
    %get3A_962 = vector.load %arg1[%get3A_961] : memref<5120xf32, #tpu.memory_space<vmem>>, vector<4096xf32>
    %swap3A_963 = arith.index_cast %rem3A_0 : i32 to index
    %swap3A_964 = arith.constant 120 : index
    %swap3A_965 = arith.constant 0 : index
    %swap3A_966 = vector.load %arg3[%swap3A_963, %swap3A_964, %swap3A_965] : memref<2x128x4096xf32, #tpu.memory_space<vmem>>, vector<1x1x4096xf32>
    %swap3A_967 = vector.shape_cast %swap3A_966 : vector<1x1x4096xf32> to vector<4096xf32>
    %swap3A_968 = vector.shape_cast %get3A_962 : vector<4096xf32> to vector<1x1x4096xf32>
    tpu.vector_store %arg3[%swap3A_963, %swap3A_964, %swap3A_965], %swap3A_968 {strides = array<i32>} : memref<2x128x4096xf32, #tpu.memory_space<vmem>>, vector<1x1x4096xf32>,
    %get3A_969 = arith.constant 6 : index
    %get3A_970 = vector.load %arg1[%get3A_969] : memref<5120xf32, #tpu.memory_space<vmem>>, vector<4096xf32>
    %swap3A_971 = arith.index_cast %rem3A_0 : i32 to index
    %swap3A_972 = arith.constant 121 : index
    %swap3A_973 = arith.constant 0 : index
    %swap3A_974 = vector.load %arg3[%swap3A_971, %swap3A_972, %swap3A_973] : memref<2x128x4096xf32, #tpu.memory_space<vmem>>, vector<1x1x4096xf32>
    %swap3A_975 = vector.shape_cast %swap3A_974 : vector<1x1x4096xf32> to vector<4096xf32>
    %swap3A_976 = vector.shape_cast %get3A_970 : vector<4096xf32> to vector<1x1x4096xf32>
    tpu.vector_store %arg3[%swap3A_971, %swap3A_972, %swap3A_973], %swap3A_976 {strides = array<i32>} : memref<2x128x4096xf32, #tpu.memory_space<vmem>>, vector<1x1x4096xf32>,
    %get3A_977 = arith.constant 5 : index
    %get3A_978 = vector.load %arg1[%get3A_977] : memref<5120xf32, #tpu.memory_space<vmem>>, vector<4096xf32>
    %swap3A_979 = arith.index_cast %rem3A_0 : i32 to index
    %swap3A_980 = arith.constant 122 : index
    %swap3A_981 = arith.constant 0 : index
    %swap3A_982 = vector.load %arg3[%swap3A_979, %swap3A_980, %swap3A_981] : memref<2x128x4096xf32, #tpu.memory_space<vmem>>, vector<1x1x4096xf32>
    %swap3A_983 = vector.shape_cast %swap3A_982 : vector<1x1x4096xf32> to vector<4096xf32>
    %swap3A_984 = vector.shape_cast %get3A_978 : vector<4096xf32> to vector<1x1x4096xf32>
    tpu.vector_store %arg3[%swap3A_979, %swap3A_980, %swap3A_981], %swap3A_984 {strides = array<i32>} : memref<2x128x4096xf32, #tpu.memory_space<vmem>>, vector<1x1x4096xf32>,
    %get3A_985 = arith.constant 4 : index
    %get3A_986 = vector.load %arg1[%get3A_985] : memref<5120xf32, #tpu.memory_space<vmem>>, vector<4096xf32>
    %swap3A_987 = arith.index_cast %rem3A_0 : i32 to index
    %swap3A_988 = arith.constant 123 : index
    %swap3A_989 = arith.constant 0 : index
    %swap3A_990 = vector.load %arg3[%swap3A_987, %swap3A_988, %swap3A_989] : memref<2x128x4096xf32, #tpu.memory_space<vmem>>, vector<1x1x4096xf32>
    %swap3A_991 = vector.shape_cast %swap3A_990 : vector<1x1x4096xf32> to vector<4096xf32>
    %swap3A_992 = vector.shape_cast %get3A_986 : vector<4096xf32> to vector<1x1x4096xf32>
    tpu.vector_store %arg3[%swap3A_987, %swap3A_988, %swap3A_989], %swap3A_992 {strides = array<i32>} : memref<2x128x4096xf32, #tpu.memory_space<vmem>>, vector<1x1x4096xf32>,
    %get3A_993 = arith.constant 3 : index
    %get3A_994 = vector.load %arg1[%get3A_993] : memref<5120xf32, #tpu.memory_space<vmem>>, vector<4096xf32>
    %swap3A_995 = arith.index_cast %rem3A_0 : i32 to index
    %swap3A_996 = arith.constant 124 : index
    %swap3A_997 = arith.constant 0 : index
    %swap3A_998 = vector.load %arg3[%swap3A_995, %swap3A_996, %swap3A_997] : memref<2x128x4096xf32, #tpu.memory_space<vmem>>, vector<1x1x4096xf32>
    %swap3A_999 = vector.shape_cast %swap3A_998 : vector<1x1x4096xf32> to vector<4096xf32>
    %swap3A_1000 = vector.shape_cast %get3A_994 : vector<4096xf32> to vector<1x1x4096xf32>
    tpu.vector_store %arg3[%swap3A_995, %swap3A_996, %swap3A_997], %swap3A_1000 {strides = array<i32>} : memref<2x128x4096xf32, #tpu.memory_space<vmem>>, vector<1x1x4096xf32>,
    %get3A_1001 = arith.constant 2 : index
    %get3A_1002 = vector.load %arg1[%get3A_1001] : memref<5120xf32, #tpu.memory_space<vmem>>, vector<4096xf32>
    %swap3A_1003 = arith.index_cast %rem3A_0 : i32 to index
    %swap3A_1004 = arith.constant 125 : index
    %swap3A_1005 = arith.constant 0 : index
    %swap3A_1006 = vector.load %arg3[%swap3A_1003, %swap3A_1004, %swap3A_1005] : memref<2x128x4096xf32, #tpu.memory_space<vmem>>, vector<1x1x4096xf32>
    %swap3A_1007 = vector.shape_cast %swap3A_1006 : vector<1x1x4096xf32> to vector<4096xf32>
    %swap3A_1008 = vector.shape_cast %get3A_1002 : vector<4096xf32> to vector<1x1x4096xf32>
    tpu.vector_store %arg3[%swap3A_1003, %swap3A_1004, %swap3A_1005], %swap3A_1008 {strides = array<i32>} : memref<2x128x4096xf32, #tpu.memory_space<vmem>>, vector<1x1x4096xf32>,
    %get3A_1009 = arith.constant 1 : index
    %get3A_1010 = vector.load %arg1[%get3A_1009] : memref<5120xf32, #tpu.memory_space<vmem>>, vector<4096xf32>
    %swap3A_1011 = arith.index_cast %rem3A_0 : i32 to index
    %swap3A_1012 = arith.constant 126 : index
    %swap3A_1013 = arith.constant 0 : index
    %swap3A_1014 = vector.load %arg3[%swap3A_1011, %swap3A_1012, %swap3A_1013] : memref<2x128x4096xf32, #tpu.memory_space<vmem>>, vector<1x1x4096xf32>
    %swap3A_1015 = vector.shape_cast %swap3A_1014 : vector<1x1x4096xf32> to vector<4096xf32>
    %swap3A_1016 = vector.shape_cast %get3A_1010 : vector<4096xf32> to vector<1x1x4096xf32>
    tpu.vector_store %arg3[%swap3A_1011, %swap3A_1012, %swap3A_1013], %swap3A_1016 {strides = array<i32>} : memref<2x128x4096xf32, #tpu.memory_space<vmem>>, vector<1x1x4096xf32>,
    %get3A_1017 = arith.constant 0 : index
    %get3A_1018 = vector.load %arg1[%get3A_1017] : memref<5120xf32, #tpu.memory_space<vmem>>, vector<4096xf32>
    %swap3A_1019 = arith.index_cast %rem3A_0 : i32 to index
    %swap3A_1020 = arith.constant 127 : index
    %swap3A_1021 = arith.constant 0 : index
    %swap3A_1022 = vector.load %arg3[%swap3A_1019, %swap3A_1020, %swap3A_1021] : memref<2x128x4096xf32, #tpu.memory_space<vmem>>, vector<1x1x4096xf32>
    %swap3A_1023 = vector.shape_cast %swap3A_1022 : vector<1x1x4096xf32> to vector<4096xf32>
    %swap3A_1024 = vector.shape_cast %get3A_1018 : vector<4096xf32> to vector<1x1x4096xf32>
    tpu.vector_store %arg3[%swap3A_1019, %swap3A_1020, %swap3A_1021], %swap3A_1024 {strides = array<i32>} : memref<2x128x4096xf32, #tpu.memory_space<vmem>>, vector<1x1x4096xf32>,
    %dma_start3A = arith.constant 0 : i32
    %dma_start3A_1025 = tpu.memref_slice %arg4[%rem3A_0] : memref<2x!tpu.dma_semaphore, #tpu.memory_space<semaphore_mem>> -> memref<1x!tpu.dma_semaphore, #tpu.memory_space<semaphore_mem>>
    %dma_start3A_1026 = tpu.memref_squeeze %dma_start3A_1025 : memref<1x!tpu.dma_semaphore, #tpu.memory_space<semaphore_mem>> -> memref<!tpu.dma_semaphore, #tpu.memory_space<semaphore_mem>>
    %dma_start3A_1027 = arith.constant 0 : i32
    %dma_start3A_1028 = arith.constant 0 : i32
    %dma_start3A_1029 = tpu.memref_slice %arg2[%dma_start3A, %arg0, %dma_start3A_1027, %dma_start3A_1028] : memref<1x12x2048x2048xf32, #tpu.memory_space<any>> -> memref<1x1x128x2048xf32, #tpu.memory_space<any>>
    %dma_start3A_1030 = tpu.memref_squeeze %dma_start3A_1029 : memref<1x1x128x2048xf32, #tpu.memory_space<any>> -> memref<128x2048xf32, #tpu.memory_space<any>>
    %dma_start3A_1031 = arith.constant 0 : i32
    %dma_start3A_1032 = arith.constant 1920 : i32
    %dma_start3A_1033 = tpu.memref_slice %arg3[%rem3A_0, %dma_start3A_1031, %dma_start3A_1032] : memref<2x128x4096xf32, #tpu.memory_space<vmem>> -> memref<1x128x2048xf32, #tpu.memory_space<vmem>>
    %dma_start3A_1034 = tpu.memref_squeeze %dma_start3A_1033 : memref<1x128x2048xf32, #tpu.memory_space<vmem>> -> memref<128x2048xf32, #tpu.memory_space<vmem>>
    tpu.enqueue_dma source(%dma_start3A_1034 : memref<128x2048xf32, #tpu.memory_space<vmem>>) target(%dma_start3A_1030 : memref<128x2048xf32, #tpu.memory_space<any>>) target_semaphore(%dma_start3A_1026 : memref<!tpu.dma_semaphore, #tpu.memory_space<semaphore_mem>>)
    %dma_start3A_1035 = arith.constant 0 : i32
    %dma_start3A_1036 = tpu.memref_slice %arg4[%rem3A_0] : memref<2x!tpu.dma_semaphore, #tpu.memory_space<semaphore_mem>> -> memref<1x!tpu.dma_semaphore, #tpu.memory_space<semaphore_mem>>
    %dma_start3A_1037 = tpu.memref_squeeze %dma_start3A_1036 : memref<1x!tpu.dma_semaphore, #tpu.memory_space<semaphore_mem>> -> memref<!tpu.dma_semaphore, #tpu.memory_space<semaphore_mem>>
    %dma_start3A_1038 = arith.constant 128 : i32
    %dma_start3A_1039 = arith.constant 0 : i32
    %dma_start3A_1040 = tpu.memref_slice %arg2[%dma_start3A_1035, %arg0, %dma_start3A_1038, %dma_start3A_1039] : memref<1x12x2048x2048xf32, #tpu.memory_space<any>> -> memref<1x1x128x2048xf32, #tpu.memory_space<any>>
    %dma_start3A_1041 = tpu.memref_squeeze %dma_start3A_1040 : memref<1x1x128x2048xf32, #tpu.memory_space<any>> -> memref<128x2048xf32, #tpu.memory_space<any>>
    %dma_start3A_1042 = arith.constant 0 : i32
    %dma_start3A_1043 = arith.constant 1792 : i32
    %dma_start3A_1044 = tpu.memref_slice %arg3[%rem3A_0, %dma_start3A_1042, %dma_start3A_1043] : memref<2x128x4096xf32, #tpu.memory_space<vmem>> -> memref<1x128x2048xf32, #tpu.memory_space<vmem>>
    %dma_start3A_1045 = tpu.memref_squeeze %dma_start3A_1044 : memref<1x128x2048xf32, #tpu.memory_space<vmem>> -> memref<128x2048xf32, #tpu.memory_space<vmem>>
    tpu.enqueue_dma source(%dma_start3A_1045 : memref<128x2048xf32, #tpu.memory_space<vmem>>) target(%dma_start3A_1041 : memref<128x2048xf32, #tpu.memory_space<any>>) target_semaphore(%dma_start3A_1037 : memref<!tpu.dma_semaphore, #tpu.memory_space<semaphore_mem>>)
    %dma_start3A_1046 = arith.constant 0 : i32
    %dma_start3A_1047 = tpu.memref_slice %arg4[%rem3A_0] : memref<2x!tpu.dma_semaphore, #tpu.memory_space<semaphore_mem>> -> memref<1x!tpu.dma_semaphore, #tpu.memory_space<semaphore_mem>>
    %dma_start3A_1048 = tpu.memref_squeeze %dma_start3A_1047 : memref<1x!tpu.dma_semaphore, #tpu.memory_space<semaphore_mem>> -> memref<!tpu.dma_semaphore, #tpu.memory_space<semaphore_mem>>
    %dma_start3A_1049 = arith.constant 256 : i32
    %dma_start3A_1050 = arith.constant 0 : i32
    %dma_start3A_1051 = tpu.memref_slice %arg2[%dma_start3A_1046, %arg0, %dma_start3A_1049, %dma_start3A_1050] : memref<1x12x2048x2048xf32, #tpu.memory_space<any>> -> memref<1x1x128x2048xf32, #tpu.memory_space<any>>
    %dma_start3A_1052 = tpu.memref_squeeze %dma_start3A_1051 : memref<1x1x128x2048xf32, #tpu.memory_space<any>> -> memref<128x2048xf32, #tpu.memory_space<any>>
    %dma_start3A_1053 = arith.constant 0 : i32
    %dma_start3A_1054 = arith.constant 1664 : i32
    %dma_start3A_1055 = tpu.memref_slice %arg3[%rem3A_0, %dma_start3A_1053, %dma_start3A_1054] : memref<2x128x4096xf32, #tpu.memory_space<vmem>> -> memref<1x128x2048xf32, #tpu.memory_space<vmem>>
    %dma_start3A_1056 = tpu.memref_squeeze %dma_start3A_1055 : memref<1x128x2048xf32, #tpu.memory_space<vmem>> -> memref<128x2048xf32, #tpu.memory_space<vmem>>
    tpu.enqueue_dma source(%dma_start3A_1056 : memref<128x2048xf32, #tpu.memory_space<vmem>>) target(%dma_start3A_1052 : memref<128x2048xf32, #tpu.memory_space<any>>) target_semaphore(%dma_start3A_1048 : memref<!tpu.dma_semaphore, #tpu.memory_space<semaphore_mem>>)
    %dma_start3A_1057 = arith.constant 0 : i32
    %dma_start3A_1058 = tpu.memref_slice %arg4[%rem3A_0] : memref<2x!tpu.dma_semaphore, #tpu.memory_space<semaphore_mem>> -> memref<1x!tpu.dma_semaphore, #tpu.memory_space<semaphore_mem>>
    %dma_start3A_1059 = tpu.memref_squeeze %dma_start3A_1058 : memref<1x!tpu.dma_semaphore, #tpu.memory_space<semaphore_mem>> -> memref<!tpu.dma_semaphore, #tpu.memory_space<semaphore_mem>>
    %dma_start3A_1060 = arith.constant 384 : i32
    %dma_start3A_1061 = arith.constant 0 : i32
    %dma_start3A_1062 = tpu.memref_slice %arg2[%dma_start3A_1057, %arg0, %dma_start3A_1060, %dma_start3A_1061] : memref<1x12x2048x2048xf32, #tpu.memory_space<any>> -> memref<1x1x128x2048xf32, #tpu.memory_space<any>>
    %dma_start3A_1063 = tpu.memref_squeeze %dma_start3A_1062 : memref<1x1x128x2048xf32, #tpu.memory_space<any>> -> memref<128x2048xf32, #tpu.memory_space<any>>
    %dma_start3A_1064 = arith.constant 0 : i32
    %dma_start3A_1065 = arith.constant 1536 : i32
    %dma_start3A_1066 = tpu.memref_slice %arg3[%rem3A_0, %dma_start3A_1064, %dma_start3A_1065] : memref<2x128x4096xf32, #tpu.memory_space<vmem>> -> memref<1x128x2048xf32, #tpu.memory_space<vmem>>
    %dma_start3A_1067 = tpu.memref_squeeze %dma_start3A_1066 : memref<1x128x2048xf32, #tpu.memory_space<vmem>> -> memref<128x2048xf32, #tpu.memory_space<vmem>>
    tpu.enqueue_dma source(%dma_start3A_1067 : memref<128x2048xf32, #tpu.memory_space<vmem>>) target(%dma_start3A_1063 : memref<128x2048xf32, #tpu.memory_space<any>>) target_semaphore(%dma_start3A_1059 : memref<!tpu.dma_semaphore, #tpu.memory_space<semaphore_mem>>)
    %dma_start3A_1068 = arith.constant 0 : i32
    %dma_start3A_1069 = tpu.memref_slice %arg4[%rem3A_0] : memref<2x!tpu.dma_semaphore, #tpu.memory_space<semaphore_mem>> -> memref<1x!tpu.dma_semaphore, #tpu.memory_space<semaphore_mem>>
    %dma_start3A_1070 = tpu.memref_squeeze %dma_start3A_1069 : memref<1x!tpu.dma_semaphore, #tpu.memory_space<semaphore_mem>> -> memref<!tpu.dma_semaphore, #tpu.memory_space<semaphore_mem>>
    %dma_start3A_1071 = arith.constant 512 : i32
    %dma_start3A_1072 = arith.constant 0 : i32
    %dma_start3A_1073 = tpu.memref_slice %arg2[%dma_start3A_1068, %arg0, %dma_start3A_1071, %dma_start3A_1072] : memref<1x12x2048x2048xf32, #tpu.memory_space<any>> -> memref<1x1x128x2048xf32, #tpu.memory_space<any>>
    %dma_start3A_1074 = tpu.memref_squeeze %dma_start3A_1073 : memref<1x1x128x2048xf32, #tpu.memory_space<any>> -> memref<128x2048xf32, #tpu.memory_space<any>>
    %dma_start3A_1075 = arith.constant 0 : i32
    %dma_start3A_1076 = arith.constant 1408 : i32
    %dma_start3A_1077 = tpu.memref_slice %arg3[%rem3A_0, %dma_start3A_1075, %dma_start3A_1076] : memref<2x128x4096xf32, #tpu.memory_space<vmem>> -> memref<1x128x2048xf32, #tpu.memory_space<vmem>>
    %dma_start3A_1078 = tpu.memref_squeeze %dma_start3A_1077 : memref<1x128x2048xf32, #tpu.memory_space<vmem>> -> memref<128x2048xf32, #tpu.memory_space<vmem>>
    tpu.enqueue_dma source(%dma_start3A_1078 : memref<128x2048xf32, #tpu.memory_space<vmem>>) target(%dma_start3A_1074 : memref<128x2048xf32, #tpu.memory_space<any>>) target_semaphore(%dma_start3A_1070 : memref<!tpu.dma_semaphore, #tpu.memory_space<semaphore_mem>>)
    %dma_start3A_1079 = arith.constant 0 : i32
    %dma_start3A_1080 = tpu.memref_slice %arg4[%rem3A_0] : memref<2x!tpu.dma_semaphore, #tpu.memory_space<semaphore_mem>> -> memref<1x!tpu.dma_semaphore, #tpu.memory_space<semaphore_mem>>
    %dma_start3A_1081 = tpu.memref_squeeze %dma_start3A_1080 : memref<1x!tpu.dma_semaphore, #tpu.memory_space<semaphore_mem>> -> memref<!tpu.dma_semaphore, #tpu.memory_space<semaphore_mem>>
    %dma_start3A_1082 = arith.constant 640 : i32
    %dma_start3A_1083 = arith.constant 0 : i32
    %dma_start3A_1084 = tpu.memref_slice %arg2[%dma_start3A_1079, %arg0, %dma_start3A_1082, %dma_start3A_1083] : memref<1x12x2048x2048xf32, #tpu.memory_space<any>> -> memref<1x1x128x2048xf32, #tpu.memory_space<any>>
    %dma_start3A_1085 = tpu.memref_squeeze %dma_start3A_1084 : memref<1x1x128x2048xf32, #tpu.memory_space<any>> -> memref<128x2048xf32, #tpu.memory_space<any>>
    %dma_start3A_1086 = arith.constant 0 : i32
    %dma_start3A_1087 = arith.constant 1280 : i32
    %dma_start3A_1088 = tpu.memref_slice %arg3[%rem3A_0, %dma_start3A_1086, %dma_start3A_1087] : memref<2x128x4096xf32, #tpu.memory_space<vmem>> -> memref<1x128x2048xf32, #tpu.memory_space<vmem>>
    %dma_start3A_1089 = tpu.memref_squeeze %dma_start3A_1088 : memref<1x128x2048xf32, #tpu.memory_space<vmem>> -> memref<128x2048xf32, #tpu.memory_space<vmem>>
    tpu.enqueue_dma source(%dma_start3A_1089 : memref<128x2048xf32, #tpu.memory_space<vmem>>) target(%dma_start3A_1085 : memref<128x2048xf32, #tpu.memory_space<any>>) target_semaphore(%dma_start3A_1081 : memref<!tpu.dma_semaphore, #tpu.memory_space<semaphore_mem>>)
    %dma_start3A_1090 = arith.constant 0 : i32
    %dma_start3A_1091 = tpu.memref_slice %arg4[%rem3A_0] : memref<2x!tpu.dma_semaphore, #tpu.memory_space<semaphore_mem>> -> memref<1x!tpu.dma_semaphore, #tpu.memory_space<semaphore_mem>>
    %dma_start3A_1092 = tpu.memref_squeeze %dma_start3A_1091 : memref<1x!tpu.dma_semaphore, #tpu.memory_space<semaphore_mem>> -> memref<!tpu.dma_semaphore, #tpu.memory_space<semaphore_mem>>
    %dma_start3A_1093 = arith.constant 768 : i32
    %dma_start3A_1094 = arith.constant 0 : i32
    %dma_start3A_1095 = tpu.memref_slice %arg2[%dma_start3A_1090, %arg0, %dma_start3A_1093, %dma_start3A_1094] : memref<1x12x2048x2048xf32, #tpu.memory_space<any>> -> memref<1x1x128x2048xf32, #tpu.memory_space<any>>
    %dma_start3A_1096 = tpu.memref_squeeze %dma_start3A_1095 : memref<1x1x128x2048xf32, #tpu.memory_space<any>> -> memref<128x2048xf32, #tpu.memory_space<any>>
    %dma_start3A_1097 = arith.constant 0 : i32
    %dma_start3A_1098 = arith.constant 1152 : i32
    %dma_start3A_1099 = tpu.memref_slice %arg3[%rem3A_0, %dma_start3A_1097, %dma_start3A_1098] : memref<2x128x4096xf32, #tpu.memory_space<vmem>> -> memref<1x128x2048xf32, #tpu.memory_space<vmem>>
    %dma_start3A_1100 = tpu.memref_squeeze %dma_start3A_1099 : memref<1x128x2048xf32, #tpu.memory_space<vmem>> -> memref<128x2048xf32, #tpu.memory_space<vmem>>
    tpu.enqueue_dma source(%dma_start3A_1100 : memref<128x2048xf32, #tpu.memory_space<vmem>>) target(%dma_start3A_1096 : memref<128x2048xf32, #tpu.memory_space<any>>) target_semaphore(%dma_start3A_1092 : memref<!tpu.dma_semaphore, #tpu.memory_space<semaphore_mem>>)
    %dma_start3A_1101 = arith.constant 0 : i32
    %dma_start3A_1102 = tpu.memref_slice %arg4[%rem3A_0] : memref<2x!tpu.dma_semaphore, #tpu.memory_space<semaphore_mem>> -> memref<1x!tpu.dma_semaphore, #tpu.memory_space<semaphore_mem>>
    %dma_start3A_1103 = tpu.memref_squeeze %dma_start3A_1102 : memref<1x!tpu.dma_semaphore, #tpu.memory_space<semaphore_mem>> -> memref<!tpu.dma_semaphore, #tpu.memory_space<semaphore_mem>>
    %dma_start3A_1104 = arith.constant 896 : i32
    %dma_start3A_1105 = arith.constant 0 : i32
    %dma_start3A_1106 = tpu.memref_slice %arg2[%dma_start3A_1101, %arg0, %dma_start3A_1104, %dma_start3A_1105] : memref<1x12x2048x2048xf32, #tpu.memory_space<any>> -> memref<1x1x128x2048xf32, #tpu.memory_space<any>>
    %dma_start3A_1107 = tpu.memref_squeeze %dma_start3A_1106 : memref<1x1x128x2048xf32, #tpu.memory_space<any>> -> memref<128x2048xf32, #tpu.memory_space<any>>
    %dma_start3A_1108 = arith.constant 0 : i32
    %dma_start3A_1109 = arith.constant 1024 : i32
    %dma_start3A_1110 = tpu.memref_slice %arg3[%rem3A_0, %dma_start3A_1108, %dma_start3A_1109] : memref<2x128x4096xf32, #tpu.memory_space<vmem>> -> memref<1x128x2048xf32, #tpu.memory_space<vmem>>
    %dma_start3A_1111 = tpu.memref_squeeze %dma_start3A_1110 : memref<1x128x2048xf32, #tpu.memory_space<vmem>> -> memref<128x2048xf32, #tpu.memory_space<vmem>>
    tpu.enqueue_dma source(%dma_start3A_1111 : memref<128x2048xf32, #tpu.memory_space<vmem>>) target(%dma_start3A_1107 : memref<128x2048xf32, #tpu.memory_space<any>>) target_semaphore(%dma_start3A_1103 : memref<!tpu.dma_semaphore, #tpu.memory_space<semaphore_mem>>)
    %dma_start3A_1112 = arith.constant 0 : i32
    %dma_start3A_1113 = tpu.memref_slice %arg4[%rem3A_0] : memref<2x!tpu.dma_semaphore, #tpu.memory_space<semaphore_mem>> -> memref<1x!tpu.dma_semaphore, #tpu.memory_space<semaphore_mem>>
    %dma_start3A_1114 = tpu.memref_squeeze %dma_start3A_1113 : memref<1x!tpu.dma_semaphore, #tpu.memory_space<semaphore_mem>> -> memref<!tpu.dma_semaphore, #tpu.memory_space<semaphore_mem>>
    %dma_start3A_1115 = arith.constant 1024 : i32
    %dma_start3A_1116 = arith.constant 0 : i32
    %dma_start3A_1117 = tpu.memref_slice %arg2[%dma_start3A_1112, %arg0, %dma_start3A_1115, %dma_start3A_1116] : memref<1x12x2048x2048xf32, #tpu.memory_space<any>> -> memref<1x1x128x2048xf32, #tpu.memory_space<any>>
    %dma_start3A_1118 = tpu.memref_squeeze %dma_start3A_1117 : memref<1x1x128x2048xf32, #tpu.memory_space<any>> -> memref<128x2048xf32, #tpu.memory_space<any>>
    %dma_start3A_1119 = arith.constant 0 : i32
    %dma_start3A_1120 = arith.constant 896 : i32
    %dma_start3A_1121 = tpu.memref_slice %arg3[%rem3A_0, %dma_start3A_1119, %dma_start3A_1120] : memref<2x128x4096xf32, #tpu.memory_space<vmem>> -> memref<1x128x2048xf32, #tpu.memory_space<vmem>>
    %dma_start3A_1122 = tpu.memref_squeeze %dma_start3A_1121 : memref<1x128x2048xf32, #tpu.memory_space<vmem>> -> memref<128x2048xf32, #tpu.memory_space<vmem>>
    tpu.enqueue_dma source(%dma_start3A_1122 : memref<128x2048xf32, #tpu.memory_space<vmem>>) target(%dma_start3A_1118 : memref<128x2048xf32, #tpu.memory_space<any>>) target_semaphore(%dma_start3A_1114 : memref<!tpu.dma_semaphore, #tpu.memory_space<semaphore_mem>>)
    %dma_start3A_1123 = arith.constant 0 : i32
    %dma_start3A_1124 = tpu.memref_slice %arg4[%rem3A_0] : memref<2x!tpu.dma_semaphore, #tpu.memory_space<semaphore_mem>> -> memref<1x!tpu.dma_semaphore, #tpu.memory_space<semaphore_mem>>
    %dma_start3A_1125 = tpu.memref_squeeze %dma_start3A_1124 : memref<1x!tpu.dma_semaphore, #tpu.memory_space<semaphore_mem>> -> memref<!tpu.dma_semaphore, #tpu.memory_space<semaphore_mem>>
    %dma_start3A_1126 = arith.constant 1152 : i32
    %dma_start3A_1127 = arith.constant 0 : i32
    %dma_start3A_1128 = tpu.memref_slice %arg2[%dma_start3A_1123, %arg0, %dma_start3A_1126, %dma_start3A_1127] : memref<1x12x2048x2048xf32, #tpu.memory_space<any>> -> memref<1x1x128x2048xf32, #tpu.memory_space<any>>
    %dma_start3A_1129 = tpu.memref_squeeze %dma_start3A_1128 : memref<1x1x128x2048xf32, #tpu.memory_space<any>> -> memref<128x2048xf32, #tpu.memory_space<any>>
    %dma_start3A_1130 = arith.constant 0 : i32
    %dma_start3A_1131 = arith.constant 768 : i32
    %dma_start3A_1132 = tpu.memref_slice %arg3[%rem3A_0, %dma_start3A_1130, %dma_start3A_1131] : memref<2x128x4096xf32, #tpu.memory_space<vmem>> -> memref<1x128x2048xf32, #tpu.memory_space<vmem>>
    %dma_start3A_1133 = tpu.memref_squeeze %dma_start3A_1132 : memref<1x128x2048xf32, #tpu.memory_space<vmem>> -> memref<128x2048xf32, #tpu.memory_space<vmem>>
    tpu.enqueue_dma source(%dma_start3A_1133 : memref<128x2048xf32, #tpu.memory_space<vmem>>) target(%dma_start3A_1129 : memref<128x2048xf32, #tpu.memory_space<any>>) target_semaphore(%dma_start3A_1125 : memref<!tpu.dma_semaphore, #tpu.memory_space<semaphore_mem>>)
    %dma_start3A_1134 = arith.constant 0 : i32
    %dma_start3A_1135 = tpu.memref_slice %arg4[%rem3A_0] : memref<2x!tpu.dma_semaphore, #tpu.memory_space<semaphore_mem>> -> memref<1x!tpu.dma_semaphore, #tpu.memory_space<semaphore_mem>>
    %dma_start3A_1136 = tpu.memref_squeeze %dma_start3A_1135 : memref<1x!tpu.dma_semaphore, #tpu.memory_space<semaphore_mem>> -> memref<!tpu.dma_semaphore, #tpu.memory_space<semaphore_mem>>
    %dma_start3A_1137 = arith.constant 1280 : i32
    %dma_start3A_1138 = arith.constant 0 : i32
    %dma_start3A_1139 = tpu.memref_slice %arg2[%dma_start3A_1134, %arg0, %dma_start3A_1137, %dma_start3A_1138] : memref<1x12x2048x2048xf32, #tpu.memory_space<any>> -> memref<1x1x128x2048xf32, #tpu.memory_space<any>>
    %dma_start3A_1140 = tpu.memref_squeeze %dma_start3A_1139 : memref<1x1x128x2048xf32, #tpu.memory_space<any>> -> memref<128x2048xf32, #tpu.memory_space<any>>
    %dma_start3A_1141 = arith.constant 0 : i32
    %dma_start3A_1142 = arith.constant 640 : i32
    %dma_start3A_1143 = tpu.memref_slice %arg3[%rem3A_0, %dma_start3A_1141, %dma_start3A_1142] : memref<2x128x4096xf32, #tpu.memory_space<vmem>> -> memref<1x128x2048xf32, #tpu.memory_space<vmem>>
    %dma_start3A_1144 = tpu.memref_squeeze %dma_start3A_1143 : memref<1x128x2048xf32, #tpu.memory_space<vmem>> -> memref<128x2048xf32, #tpu.memory_space<vmem>>
    tpu.enqueue_dma source(%dma_start3A_1144 : memref<128x2048xf32, #tpu.memory_space<vmem>>) target(%dma_start3A_1140 : memref<128x2048xf32, #tpu.memory_space<any>>) target_semaphore(%dma_start3A_1136 : memref<!tpu.dma_semaphore, #tpu.memory_space<semaphore_mem>>)
    %dma_start3A_1145 = arith.constant 0 : i32
    %dma_start3A_1146 = tpu.memref_slice %arg4[%rem3A_0] : memref<2x!tpu.dma_semaphore, #tpu.memory_space<semaphore_mem>> -> memref<1x!tpu.dma_semaphore, #tpu.memory_space<semaphore_mem>>
    %dma_start3A_1147 = tpu.memref_squeeze %dma_start3A_1146 : memref<1x!tpu.dma_semaphore, #tpu.memory_space<semaphore_mem>> -> memref<!tpu.dma_semaphore, #tpu.memory_space<semaphore_mem>>
    %dma_start3A_1148 = arith.constant 1408 : i32
    %dma_start3A_1149 = arith.constant 0 : i32
    %dma_start3A_1150 = tpu.memref_slice %arg2[%dma_start3A_1145, %arg0, %dma_start3A_1148, %dma_start3A_1149] : memref<1x12x2048x2048xf32, #tpu.memory_space<any>> -> memref<1x1x128x2048xf32, #tpu.memory_space<any>>
    %dma_start3A_1151 = tpu.memref_squeeze %dma_start3A_1150 : memref<1x1x128x2048xf32, #tpu.memory_space<any>> -> memref<128x2048xf32, #tpu.memory_space<any>>
    %dma_start3A_1152 = arith.constant 0 : i32
    %dma_start3A_1153 = arith.constant 512 : i32
    %dma_start3A_1154 = tpu.memref_slice %arg3[%rem3A_0, %dma_start3A_1152, %dma_start3A_1153] : memref<2x128x4096xf32, #tpu.memory_space<vmem>> -> memref<1x128x2048xf32, #tpu.memory_space<vmem>>
    %dma_start3A_1155 = tpu.memref_squeeze %dma_start3A_1154 : memref<1x128x2048xf32, #tpu.memory_space<vmem>> -> memref<128x2048xf32, #tpu.memory_space<vmem>>
    tpu.enqueue_dma source(%dma_start3A_1155 : memref<128x2048xf32, #tpu.memory_space<vmem>>) target(%dma_start3A_1151 : memref<128x2048xf32, #tpu.memory_space<any>>) target_semaphore(%dma_start3A_1147 : memref<!tpu.dma_semaphore, #tpu.memory_space<semaphore_mem>>)
    %dma_start3A_1156 = arith.constant 0 : i32
    %dma_start3A_1157 = tpu.memref_slice %arg4[%rem3A_0] : memref<2x!tpu.dma_semaphore, #tpu.memory_space<semaphore_mem>> -> memref<1x!tpu.dma_semaphore, #tpu.memory_space<semaphore_mem>>
    %dma_start3A_1158 = tpu.memref_squeeze %dma_start3A_1157 : memref<1x!tpu.dma_semaphore, #tpu.memory_space<semaphore_mem>> -> memref<!tpu.dma_semaphore, #tpu.memory_space<semaphore_mem>>
    %dma_start3A_1159 = arith.constant 1536 : i32
    %dma_start3A_1160 = arith.constant 0 : i32
    %dma_start3A_1161 = tpu.memref_slice %arg2[%dma_start3A_1156, %arg0, %dma_start3A_1159, %dma_start3A_1160] : memref<1x12x2048x2048xf32, #tpu.memory_space<any>> -> memref<1x1x128x2048xf32, #tpu.memory_space<any>>
    %dma_start3A_1162 = tpu.memref_squeeze %dma_start3A_1161 : memref<1x1x128x2048xf32, #tpu.memory_space<any>> -> memref<128x2048xf32, #tpu.memory_space<any>>
    %dma_start3A_1163 = arith.constant 0 : i32
    %dma_start3A_1164 = arith.constant 384 : i32
    %dma_start3A_1165 = tpu.memref_slice %arg3[%rem3A_0, %dma_start3A_1163, %dma_start3A_1164] : memref<2x128x4096xf32, #tpu.memory_space<vmem>> -> memref<1x128x2048xf32, #tpu.memory_space<vmem>>
    %dma_start3A_1166 = tpu.memref_squeeze %dma_start3A_1165 : memref<1x128x2048xf32, #tpu.memory_space<vmem>> -> memref<128x2048xf32, #tpu.memory_space<vmem>>
    tpu.enqueue_dma source(%dma_start3A_1166 : memref<128x2048xf32, #tpu.memory_space<vmem>>) target(%dma_start3A_1162 : memref<128x2048xf32, #tpu.memory_space<any>>) target_semaphore(%dma_start3A_1158 : memref<!tpu.dma_semaphore, #tpu.memory_space<semaphore_mem>>)
    %dma_start3A_1167 = arith.constant 0 : i32
    %dma_start3A_1168 = tpu.memref_slice %arg4[%rem3A_0] : memref<2x!tpu.dma_semaphore, #tpu.memory_space<semaphore_mem>> -> memref<1x!tpu.dma_semaphore, #tpu.memory_space<semaphore_mem>>
    %dma_start3A_1169 = tpu.memref_squeeze %dma_start3A_1168 : memref<1x!tpu.dma_semaphore, #tpu.memory_space<semaphore_mem>> -> memref<!tpu.dma_semaphore, #tpu.memory_space<semaphore_mem>>
    %dma_start3A_1170 = arith.constant 1664 : i32
    %dma_start3A_1171 = arith.constant 0 : i32
    %dma_start3A_1172 = tpu.memref_slice %arg2[%dma_start3A_1167, %arg0, %dma_start3A_1170, %dma_start3A_1171] : memref<1x12x2048x2048xf32, #tpu.memory_space<any>> -> memref<1x1x128x2048xf32, #tpu.memory_space<any>>
    %dma_start3A_1173 = tpu.memref_squeeze %dma_start3A_1172 : memref<1x1x128x2048xf32, #tpu.memory_space<any>> -> memref<128x2048xf32, #tpu.memory_space<any>>
    %dma_start3A_1174 = arith.constant 0 : i32
    %dma_start3A_1175 = arith.constant 256 : i32
    %dma_start3A_1176 = tpu.memref_slice %arg3[%rem3A_0, %dma_start3A_1174, %dma_start3A_1175] : memref<2x128x4096xf32, #tpu.memory_space<vmem>> -> memref<1x128x2048xf32, #tpu.memory_space<vmem>>
    %dma_start3A_1177 = tpu.memref_squeeze %dma_start3A_1176 : memref<1x128x2048xf32, #tpu.memory_space<vmem>> -> memref<128x2048xf32, #tpu.memory_space<vmem>>
    tpu.enqueue_dma source(%dma_start3A_1177 : memref<128x2048xf32, #tpu.memory_space<vmem>>) target(%dma_start3A_1173 : memref<128x2048xf32, #tpu.memory_space<any>>) target_semaphore(%dma_start3A_1169 : memref<!tpu.dma_semaphore, #tpu.memory_space<semaphore_mem>>)
    %dma_start3A_1178 = arith.constant 0 : i32
    %dma_start3A_1179 = tpu.memref_slice %arg4[%rem3A_0] : memref<2x!tpu.dma_semaphore, #tpu.memory_space<semaphore_mem>> -> memref<1x!tpu.dma_semaphore, #tpu.memory_space<semaphore_mem>>
    %dma_start3A_1180 = tpu.memref_squeeze %dma_start3A_1179 : memref<1x!tpu.dma_semaphore, #tpu.memory_space<semaphore_mem>> -> memref<!tpu.dma_semaphore, #tpu.memory_space<semaphore_mem>>
    %dma_start3A_1181 = arith.constant 1792 : i32
    %dma_start3A_1182 = arith.constant 0 : i32
    %dma_start3A_1183 = tpu.memref_slice %arg2[%dma_start3A_1178, %arg0, %dma_start3A_1181, %dma_start3A_1182] : memref<1x12x2048x2048xf32, #tpu.memory_space<any>> -> memref<1x1x128x2048xf32, #tpu.memory_space<any>>
    %dma_start3A_1184 = tpu.memref_squeeze %dma_start3A_1183 : memref<1x1x128x2048xf32, #tpu.memory_space<any>> -> memref<128x2048xf32, #tpu.memory_space<any>>
    %dma_start3A_1185 = arith.constant 0 : i32
    %dma_start3A_1186 = arith.constant 128 : i32
    %dma_start3A_1187 = tpu.memref_slice %arg3[%rem3A_0, %dma_start3A_1185, %dma_start3A_1186] : memref<2x128x4096xf32, #tpu.memory_space<vmem>> -> memref<1x128x2048xf32, #tpu.memory_space<vmem>>
    %dma_start3A_1188 = tpu.memref_squeeze %dma_start3A_1187 : memref<1x128x2048xf32, #tpu.memory_space<vmem>> -> memref<128x2048xf32, #tpu.memory_space<vmem>>
    tpu.enqueue_dma source(%dma_start3A_1188 : memref<128x2048xf32, #tpu.memory_space<vmem>>) target(%dma_start3A_1184 : memref<128x2048xf32, #tpu.memory_space<any>>) target_semaphore(%dma_start3A_1180 : memref<!tpu.dma_semaphore, #tpu.memory_space<semaphore_mem>>)
    %dma_start3A_1189 = arith.constant 0 : i32
    %dma_start3A_1190 = tpu.memref_slice %arg4[%rem3A_0] : memref<2x!tpu.dma_semaphore, #tpu.memory_space<semaphore_mem>> -> memref<1x!tpu.dma_semaphore, #tpu.memory_space<semaphore_mem>>
    %dma_start3A_1191 = tpu.memref_squeeze %dma_start3A_1190 : memref<1x!tpu.dma_semaphore, #tpu.memory_space<semaphore_mem>> -> memref<!tpu.dma_semaphore, #tpu.memory_space<semaphore_mem>>
    %dma_start3A_1192 = arith.constant 1920 : i32
    %dma_start3A_1193 = arith.constant 0 : i32
    %dma_start3A_1194 = tpu.memref_slice %arg2[%dma_start3A_1189, %arg0, %dma_start3A_1192, %dma_start3A_1193] : memref<1x12x2048x2048xf32, #tpu.memory_space<any>> -> memref<1x1x128x2048xf32, #tpu.memory_space<any>>
    %dma_start3A_1195 = tpu.memref_squeeze %dma_start3A_1194 : memref<1x1x128x2048xf32, #tpu.memory_space<any>> -> memref<128x2048xf32, #tpu.memory_space<any>>
    %dma_start3A_1196 = arith.constant 0 : i32
    %dma_start3A_1197 = arith.constant 0 : i32
    %dma_start3A_1198 = tpu.memref_slice %arg3[%rem3A_0, %dma_start3A_1196, %dma_start3A_1197] : memref<2x128x4096xf32, #tpu.memory_space<vmem>> -> memref<1x128x2048xf32, #tpu.memory_space<vmem>>
    %dma_start3A_1199 = tpu.memref_squeeze %dma_start3A_1198 : memref<1x128x2048xf32, #tpu.memory_space<vmem>> -> memref<128x2048xf32, #tpu.memory_space<vmem>>
    tpu.enqueue_dma source(%dma_start3A_1199 : memref<128x2048xf32, #tpu.memory_space<vmem>>) target(%dma_start3A_1195 : memref<128x2048xf32, #tpu.memory_space<any>>) target_semaphore(%dma_start3A_1191 : memref<!tpu.dma_semaphore, #tpu.memory_space<semaphore_mem>>)
    %eq3A = arith.constant 11 : i32
    %eq3A_1200 = arith.cmpi eq, %arg0, %eq3A : i32
    %convert_element_type3A_1201 = arith.extui %eq3A_1200 : i1 to i32
    %cond3A_1202 = arith.constant 0 : i32
    %cond3A_1203 = arith.cmpi ne, %convert_element_type3A_1201, %cond3A_1202 : i32
    scf.if %cond3A_1203 {
      %sub3A = arith.constant 1 : i32
      %sub3A_1204 = arith.subi %arg0, %sub3A : i32
      %sub3A_1205 = arith.constant 1 : i32
      %sub3A_1206 = arith.subi %sub3A_1205, %rem3A_0 : i32
      %dma_wait3A = arith.constant 0 : i32
      %dma_wait3A_1207 = tpu.memref_slice %arg4[%sub3A_1206] : memref<2x!tpu.dma_semaphore, #tpu.memory_space<semaphore_mem>> -> memref<1x!tpu.dma_semaphore, #tpu.memory_space<semaphore_mem>>
      %dma_wait3A_1208 = tpu.memref_squeeze %dma_wait3A_1207 : memref<1x!tpu.dma_semaphore, #tpu.memory_space<semaphore_mem>> -> memref<!tpu.dma_semaphore, #tpu.memory_space<semaphore_mem>>
      %dma_wait3A_1209 = arith.constant 0 : i32
      %dma_wait3A_1210 = arith.constant 0 : i32
      %dma_wait3A_1211 = tpu.memref_slice %arg2[%dma_wait3A, %sub3A_1204, %dma_wait3A_1209, %dma_wait3A_1210] : memref<1x12x2048x2048xf32, #tpu.memory_space<any>> -> memref<1x1x128x2048xf32, #tpu.memory_space<any>>
      %dma_wait3A_1212 = tpu.memref_squeeze %dma_wait3A_1211 : memref<1x1x128x2048xf32, #tpu.memory_space<any>> -> memref<128x2048xf32, #tpu.memory_space<any>>
      %dma_wait3A_1213 = arith.constant 0 : i32
      %dma_wait3A_1214 = arith.constant 1920 : i32
      %dma_wait3A_1215 = tpu.memref_slice %arg3[%sub3A_1206, %dma_wait3A_1213, %dma_wait3A_1214] : memref<2x128x4096xf32, #tpu.memory_space<vmem>> -> memref<1x128x2048xf32, #tpu.memory_space<vmem>>
      %dma_wait3A_1216 = tpu.memref_squeeze %dma_wait3A_1215 : memref<1x128x2048xf32, #tpu.memory_space<vmem>> -> memref<128x2048xf32, #tpu.memory_space<vmem>>
      tpu.wait_dma2 semaphore(%dma_wait3A_1208 : memref<!tpu.dma_semaphore, #tpu.memory_space<semaphore_mem>>) src(%dma_wait3A_1216 : memref<128x2048xf32, #tpu.memory_space<vmem>>) dst(%dma_wait3A_1212 : memref<128x2048xf32, #tpu.memory_space<any>>)
      %dma_wait3A_1217 = arith.constant 0 : i32
      %dma_wait3A_1218 = tpu.memref_slice %arg4[%sub3A_1206] : memref<2x!tpu.dma_semaphore, #tpu.memory_space<semaphore_mem>> -> memref<1x!tpu.dma_semaphore, #tpu.memory_space<semaphore_mem>>
      %dma_wait3A_1219 = tpu.memref_squeeze %dma_wait3A_1218 : memref<1x!tpu.dma_semaphore, #tpu.memory_space<semaphore_mem>> -> memref<!tpu.dma_semaphore, #tpu.memory_space<semaphore_mem>>
      %dma_wait3A_1220 = arith.constant 128 : i32
      %dma_wait3A_1221 = arith.constant 0 : i32
      %dma_wait3A_1222 = tpu.memref_slice %arg2[%dma_wait3A_1217, %sub3A_1204, %dma_wait3A_1220, %dma_wait3A_1221] : memref<1x12x2048x2048xf32, #tpu.memory_space<any>> -> memref<1x1x128x2048xf32, #tpu.memory_space<any>>
      %dma_wait3A_1223 = tpu.memref_squeeze %dma_wait3A_1222 : memref<1x1x128x2048xf32, #tpu.memory_space<any>> -> memref<128x2048xf32, #tpu.memory_space<any>>
      %dma_wait3A_1224 = arith.constant 0 : i32
      %dma_wait3A_1225 = arith.constant 1792 : i32
      %dma_wait3A_1226 = tpu.memref_slice %arg3[%sub3A_1206, %dma_wait3A_1224, %dma_wait3A_1225] : memref<2x128x4096xf32, #tpu.memory_space<vmem>> -> memref<1x128x2048xf32, #tpu.memory_space<vmem>>
      %dma_wait3A_1227 = tpu.memref_squeeze %dma_wait3A_1226 : memref<1x128x2048xf32, #tpu.memory_space<vmem>> -> memref<128x2048xf32, #tpu.memory_space<vmem>>
      tpu.wait_dma2 semaphore(%dma_wait3A_1219 : memref<!tpu.dma_semaphore, #tpu.memory_space<semaphore_mem>>) src(%dma_wait3A_1227 : memref<128x2048xf32, #tpu.memory_space<vmem>>) dst(%dma_wait3A_1223 : memref<128x2048xf32, #tpu.memory_space<any>>)
      %dma_wait3A_1228 = arith.constant 0 : i32
      %dma_wait3A_1229 = tpu.memref_slice %arg4[%sub3A_1206] : memref<2x!tpu.dma_semaphore, #tpu.memory_space<semaphore_mem>> -> memref<1x!tpu.dma_semaphore, #tpu.memory_space<semaphore_mem>>
      %dma_wait3A_1230 = tpu.memref_squeeze %dma_wait3A_1229 : memref<1x!tpu.dma_semaphore, #tpu.memory_space<semaphore_mem>> -> memref<!tpu.dma_semaphore, #tpu.memory_space<semaphore_mem>>
      %dma_wait3A_1231 = arith.constant 256 : i32
      %dma_wait3A_1232 = arith.constant 0 : i32
      %dma_wait3A_1233 = tpu.memref_slice %arg2[%dma_wait3A_1228, %sub3A_1204, %dma_wait3A_1231, %dma_wait3A_1232] : memref<1x12x2048x2048xf32, #tpu.memory_space<any>> -> memref<1x1x128x2048xf32, #tpu.memory_space<any>>
      %dma_wait3A_1234 = tpu.memref_squeeze %dma_wait3A_1233 : memref<1x1x128x2048xf32, #tpu.memory_space<any>> -> memref<128x2048xf32, #tpu.memory_space<any>>
      %dma_wait3A_1235 = arith.constant 0 : i32
      %dma_wait3A_1236 = arith.constant 1664 : i32
      %dma_wait3A_1237 = tpu.memref_slice %arg3[%sub3A_1206, %dma_wait3A_1235, %dma_wait3A_1236] : memref<2x128x4096xf32, #tpu.memory_space<vmem>> -> memref<1x128x2048xf32, #tpu.memory_space<vmem>>
      %dma_wait3A_1238 = tpu.memref_squeeze %dma_wait3A_1237 : memref<1x128x2048xf32, #tpu.memory_space<vmem>> -> memref<128x2048xf32, #tpu.memory_space<vmem>>
      tpu.wait_dma2 semaphore(%dma_wait3A_1230 : memref<!tpu.dma_semaphore, #tpu.memory_space<semaphore_mem>>) src(%dma_wait3A_1238 : memref<128x2048xf32, #tpu.memory_space<vmem>>) dst(%dma_wait3A_1234 : memref<128x2048xf32, #tpu.memory_space<any>>)
      %dma_wait3A_1239 = arith.constant 0 : i32
      %dma_wait3A_1240 = tpu.memref_slice %arg4[%sub3A_1206] : memref<2x!tpu.dma_semaphore, #tpu.memory_space<semaphore_mem>> -> memref<1x!tpu.dma_semaphore, #tpu.memory_space<semaphore_mem>>
      %dma_wait3A_1241 = tpu.memref_squeeze %dma_wait3A_1240 : memref<1x!tpu.dma_semaphore, #tpu.memory_space<semaphore_mem>> -> memref<!tpu.dma_semaphore, #tpu.memory_space<semaphore_mem>>
      %dma_wait3A_1242 = arith.constant 384 : i32
      %dma_wait3A_1243 = arith.constant 0 : i32
      %dma_wait3A_1244 = tpu.memref_slice %arg2[%dma_wait3A_1239, %sub3A_1204, %dma_wait3A_1242, %dma_wait3A_1243] : memref<1x12x2048x2048xf32, #tpu.memory_space<any>> -> memref<1x1x128x2048xf32, #tpu.memory_space<any>>
      %dma_wait3A_1245 = tpu.memref_squeeze %dma_wait3A_1244 : memref<1x1x128x2048xf32, #tpu.memory_space<any>> -> memref<128x2048xf32, #tpu.memory_space<any>>
      %dma_wait3A_1246 = arith.constant 0 : i32
      %dma_wait3A_1247 = arith.constant 1536 : i32
      %dma_wait3A_1248 = tpu.memref_slice %arg3[%sub3A_1206, %dma_wait3A_1246, %dma_wait3A_1247] : memref<2x128x4096xf32, #tpu.memory_space<vmem>> -> memref<1x128x2048xf32, #tpu.memory_space<vmem>>
      %dma_wait3A_1249 = tpu.memref_squeeze %dma_wait3A_1248 : memref<1x128x2048xf32, #tpu.memory_space<vmem>> -> memref<128x2048xf32, #tpu.memory_space<vmem>>
      tpu.wait_dma2 semaphore(%dma_wait3A_1241 : memref<!tpu.dma_semaphore, #tpu.memory_space<semaphore_mem>>) src(%dma_wait3A_1249 : memref<128x2048xf32, #tpu.memory_space<vmem>>) dst(%dma_wait3A_1245 : memref<128x2048xf32, #tpu.memory_space<any>>)
      %dma_wait3A_1250 = arith.constant 0 : i32
      %dma_wait3A_1251 = tpu.memref_slice %arg4[%sub3A_1206] : memref<2x!tpu.dma_semaphore, #tpu.memory_space<semaphore_mem>> -> memref<1x!tpu.dma_semaphore, #tpu.memory_space<semaphore_mem>>
      %dma_wait3A_1252 = tpu.memref_squeeze %dma_wait3A_1251 : memref<1x!tpu.dma_semaphore, #tpu.memory_space<semaphore_mem>> -> memref<!tpu.dma_semaphore, #tpu.memory_space<semaphore_mem>>
      %dma_wait3A_1253 = arith.constant 512 : i32
      %dma_wait3A_1254 = arith.constant 0 : i32
      %dma_wait3A_1255 = tpu.memref_slice %arg2[%dma_wait3A_1250, %sub3A_1204, %dma_wait3A_1253, %dma_wait3A_1254] : memref<1x12x2048x2048xf32, #tpu.memory_space<any>> -> memref<1x1x128x2048xf32, #tpu.memory_space<any>>
      %dma_wait3A_1256 = tpu.memref_squeeze %dma_wait3A_1255 : memref<1x1x128x2048xf32, #tpu.memory_space<any>> -> memref<128x2048xf32, #tpu.memory_space<any>>
      %dma_wait3A_1257 = arith.constant 0 : i32
      %dma_wait3A_1258 = arith.constant 1408 : i32
      %dma_wait3A_1259 = tpu.memref_slice %arg3[%sub3A_1206, %dma_wait3A_1257, %dma_wait3A_1258] : memref<2x128x4096xf32, #tpu.memory_space<vmem>> -> memref<1x128x2048xf32, #tpu.memory_space<vmem>>
      %dma_wait3A_1260 = tpu.memref_squeeze %dma_wait3A_1259 : memref<1x128x2048xf32, #tpu.memory_space<vmem>> -> memref<128x2048xf32, #tpu.memory_space<vmem>>
      tpu.wait_dma2 semaphore(%dma_wait3A_1252 : memref<!tpu.dma_semaphore, #tpu.memory_space<semaphore_mem>>) src(%dma_wait3A_1260 : memref<128x2048xf32, #tpu.memory_space<vmem>>) dst(%dma_wait3A_1256 : memref<128x2048xf32, #tpu.memory_space<any>>)
      %dma_wait3A_1261 = arith.constant 0 : i32
      %dma_wait3A_1262 = tpu.memref_slice %arg4[%sub3A_1206] : memref<2x!tpu.dma_semaphore, #tpu.memory_space<semaphore_mem>> -> memref<1x!tpu.dma_semaphore, #tpu.memory_space<semaphore_mem>>
      %dma_wait3A_1263 = tpu.memref_squeeze %dma_wait3A_1262 : memref<1x!tpu.dma_semaphore, #tpu.memory_space<semaphore_mem>> -> memref<!tpu.dma_semaphore, #tpu.memory_space<semaphore_mem>>
      %dma_wait3A_1264 = arith.constant 640 : i32
      %dma_wait3A_1265 = arith.constant 0 : i32
      %dma_wait3A_1266 = tpu.memref_slice %arg2[%dma_wait3A_1261, %sub3A_1204, %dma_wait3A_1264, %dma_wait3A_1265] : memref<1x12x2048x2048xf32, #tpu.memory_space<any>> -> memref<1x1x128x2048xf32, #tpu.memory_space<any>>
      %dma_wait3A_1267 = tpu.memref_squeeze %dma_wait3A_1266 : memref<1x1x128x2048xf32, #tpu.memory_space<any>> -> memref<128x2048xf32, #tpu.memory_space<any>>
      %dma_wait3A_1268 = arith.constant 0 : i32
      %dma_wait3A_1269 = arith.constant 1280 : i32
      %dma_wait3A_1270 = tpu.memref_slice %arg3[%sub3A_1206, %dma_wait3A_1268, %dma_wait3A_1269] : memref<2x128x4096xf32, #tpu.memory_space<vmem>> -> memref<1x128x2048xf32, #tpu.memory_space<vmem>>
      %dma_wait3A_1271 = tpu.memref_squeeze %dma_wait3A_1270 : memref<1x128x2048xf32, #tpu.memory_space<vmem>> -> memref<128x2048xf32, #tpu.memory_space<vmem>>
      tpu.wait_dma2 semaphore(%dma_wait3A_1263 : memref<!tpu.dma_semaphore, #tpu.memory_space<semaphore_mem>>) src(%dma_wait3A_1271 : memref<128x2048xf32, #tpu.memory_space<vmem>>) dst(%dma_wait3A_1267 : memref<128x2048xf32, #tpu.memory_space<any>>)
      %dma_wait3A_1272 = arith.constant 0 : i32
      %dma_wait3A_1273 = tpu.memref_slice %arg4[%sub3A_1206] : memref<2x!tpu.dma_semaphore, #tpu.memory_space<semaphore_mem>> -> memref<1x!tpu.dma_semaphore, #tpu.memory_space<semaphore_mem>>
      %dma_wait3A_1274 = tpu.memref_squeeze %dma_wait3A_1273 : memref<1x!tpu.dma_semaphore, #tpu.memory_space<semaphore_mem>> -> memref<!tpu.dma_semaphore, #tpu.memory_space<semaphore_mem>>
      %dma_wait3A_1275 = arith.constant 768 : i32
      %dma_wait3A_1276 = arith.constant 0 : i32
      %dma_wait3A_1277 = tpu.memref_slice %arg2[%dma_wait3A_1272, %sub3A_1204, %dma_wait3A_1275, %dma_wait3A_1276] : memref<1x12x2048x2048xf32, #tpu.memory_space<any>> -> memref<1x1x128x2048xf32, #tpu.memory_space<any>>
      %dma_wait3A_1278 = tpu.memref_squeeze %dma_wait3A_1277 : memref<1x1x128x2048xf32, #tpu.memory_space<any>> -> memref<128x2048xf32, #tpu.memory_space<any>>
      %dma_wait3A_1279 = arith.constant 0 : i32
      %dma_wait3A_1280 = arith.constant 1152 : i32
      %dma_wait3A_1281 = tpu.memref_slice %arg3[%sub3A_1206, %dma_wait3A_1279, %dma_wait3A_1280] : memref<2x128x4096xf32, #tpu.memory_space<vmem>> -> memref<1x128x2048xf32, #tpu.memory_space<vmem>>
      %dma_wait3A_1282 = tpu.memref_squeeze %dma_wait3A_1281 : memref<1x128x2048xf32, #tpu.memory_space<vmem>> -> memref<128x2048xf32, #tpu.memory_space<vmem>>
      tpu.wait_dma2 semaphore(%dma_wait3A_1274 : memref<!tpu.dma_semaphore, #tpu.memory_space<semaphore_mem>>) src(%dma_wait3A_1282 : memref<128x2048xf32, #tpu.memory_space<vmem>>) dst(%dma_wait3A_1278 : memref<128x2048xf32, #tpu.memory_space<any>>)
      %dma_wait3A_1283 = arith.constant 0 : i32
      %dma_wait3A_1284 = tpu.memref_slice %arg4[%sub3A_1206] : memref<2x!tpu.dma_semaphore, #tpu.memory_space<semaphore_mem>> -> memref<1x!tpu.dma_semaphore, #tpu.memory_space<semaphore_mem>>
      %dma_wait3A_1285 = tpu.memref_squeeze %dma_wait3A_1284 : memref<1x!tpu.dma_semaphore, #tpu.memory_space<semaphore_mem>> -> memref<!tpu.dma_semaphore, #tpu.memory_space<semaphore_mem>>
      %dma_wait3A_1286 = arith.constant 896 : i32
      %dma_wait3A_1287 = arith.constant 0 : i32
      %dma_wait3A_1288 = tpu.memref_slice %arg2[%dma_wait3A_1283, %sub3A_1204, %dma_wait3A_1286, %dma_wait3A_1287] : memref<1x12x2048x2048xf32, #tpu.memory_space<any>> -> memref<1x1x128x2048xf32, #tpu.memory_space<any>>
      %dma_wait3A_1289 = tpu.memref_squeeze %dma_wait3A_1288 : memref<1x1x128x2048xf32, #tpu.memory_space<any>> -> memref<128x2048xf32, #tpu.memory_space<any>>
      %dma_wait3A_1290 = arith.constant 0 : i32
      %dma_wait3A_1291 = arith.constant 1024 : i32
      %dma_wait3A_1292 = tpu.memref_slice %arg3[%sub3A_1206, %dma_wait3A_1290, %dma_wait3A_1291] : memref<2x128x4096xf32, #tpu.memory_space<vmem>> -> memref<1x128x2048xf32, #tpu.memory_space<vmem>>
      %dma_wait3A_1293 = tpu.memref_squeeze %dma_wait3A_1292 : memref<1x128x2048xf32, #tpu.memory_space<vmem>> -> memref<128x2048xf32, #tpu.memory_space<vmem>>
      tpu.wait_dma2 semaphore(%dma_wait3A_1285 : memref<!tpu.dma_semaphore, #tpu.memory_space<semaphore_mem>>) src(%dma_wait3A_1293 : memref<128x2048xf32, #tpu.memory_space<vmem>>) dst(%dma_wait3A_1289 : memref<128x2048xf32, #tpu.memory_space<any>>)
      %dma_wait3A_1294 = arith.constant 0 : i32
      %dma_wait3A_1295 = tpu.memref_slice %arg4[%sub3A_1206] : memref<2x!tpu.dma_semaphore, #tpu.memory_space<semaphore_mem>> -> memref<1x!tpu.dma_semaphore, #tpu.memory_space<semaphore_mem>>
      %dma_wait3A_1296 = tpu.memref_squeeze %dma_wait3A_1295 : memref<1x!tpu.dma_semaphore, #tpu.memory_space<semaphore_mem>> -> memref<!tpu.dma_semaphore, #tpu.memory_space<semaphore_mem>>
      %dma_wait3A_1297 = arith.constant 1024 : i32
      %dma_wait3A_1298 = arith.constant 0 : i32
      %dma_wait3A_1299 = tpu.memref_slice %arg2[%dma_wait3A_1294, %sub3A_1204, %dma_wait3A_1297, %dma_wait3A_1298] : memref<1x12x2048x2048xf32, #tpu.memory_space<any>> -> memref<1x1x128x2048xf32, #tpu.memory_space<any>>
      %dma_wait3A_1300 = tpu.memref_squeeze %dma_wait3A_1299 : memref<1x1x128x2048xf32, #tpu.memory_space<any>> -> memref<128x2048xf32, #tpu.memory_space<any>>
      %dma_wait3A_1301 = arith.constant 0 : i32
      %dma_wait3A_1302 = arith.constant 896 : i32
      %dma_wait3A_1303 = tpu.memref_slice %arg3[%sub3A_1206, %dma_wait3A_1301, %dma_wait3A_1302] : memref<2x128x4096xf32, #tpu.memory_space<vmem>> -> memref<1x128x2048xf32, #tpu.memory_space<vmem>>
      %dma_wait3A_1304 = tpu.memref_squeeze %dma_wait3A_1303 : memref<1x128x2048xf32, #tpu.memory_space<vmem>> -> memref<128x2048xf32, #tpu.memory_space<vmem>>
      tpu.wait_dma2 semaphore(%dma_wait3A_1296 : memref<!tpu.dma_semaphore, #tpu.memory_space<semaphore_mem>>) src(%dma_wait3A_1304 : memref<128x2048xf32, #tpu.memory_space<vmem>>) dst(%dma_wait3A_1300 : memref<128x2048xf32, #tpu.memory_space<any>>)
      %dma_wait3A_1305 = arith.constant 0 : i32
      %dma_wait3A_1306 = tpu.memref_slice %arg4[%sub3A_1206] : memref<2x!tpu.dma_semaphore, #tpu.memory_space<semaphore_mem>> -> memref<1x!tpu.dma_semaphore, #tpu.memory_space<semaphore_mem>>
      %dma_wait3A_1307 = tpu.memref_squeeze %dma_wait3A_1306 : memref<1x!tpu.dma_semaphore, #tpu.memory_space<semaphore_mem>> -> memref<!tpu.dma_semaphore, #tpu.memory_space<semaphore_mem>>
      %dma_wait3A_1308 = arith.constant 1152 : i32
      %dma_wait3A_1309 = arith.constant 0 : i32
      %dma_wait3A_1310 = tpu.memref_slice %arg2[%dma_wait3A_1305, %sub3A_1204, %dma_wait3A_1308, %dma_wait3A_1309] : memref<1x12x2048x2048xf32, #tpu.memory_space<any>> -> memref<1x1x128x2048xf32, #tpu.memory_space<any>>
      %dma_wait3A_1311 = tpu.memref_squeeze %dma_wait3A_1310 : memref<1x1x128x2048xf32, #tpu.memory_space<any>> -> memref<128x2048xf32, #tpu.memory_space<any>>
      %dma_wait3A_1312 = arith.constant 0 : i32
      %dma_wait3A_1313 = arith.constant 768 : i32
      %dma_wait3A_1314 = tpu.memref_slice %arg3[%sub3A_1206, %dma_wait3A_1312, %dma_wait3A_1313] : memref<2x128x4096xf32, #tpu.memory_space<vmem>> -> memref<1x128x2048xf32, #tpu.memory_space<vmem>>
      %dma_wait3A_1315 = tpu.memref_squeeze %dma_wait3A_1314 : memref<1x128x2048xf32, #tpu.memory_space<vmem>> -> memref<128x2048xf32, #tpu.memory_space<vmem>>
      tpu.wait_dma2 semaphore(%dma_wait3A_1307 : memref<!tpu.dma_semaphore, #tpu.memory_space<semaphore_mem>>) src(%dma_wait3A_1315 : memref<128x2048xf32, #tpu.memory_space<vmem>>) dst(%dma_wait3A_1311 : memref<128x2048xf32, #tpu.memory_space<any>>)
      %dma_wait3A_1316 = arith.constant 0 : i32
      %dma_wait3A_1317 = tpu.memref_slice %arg4[%sub3A_1206] : memref<2x!tpu.dma_semaphore, #tpu.memory_space<semaphore_mem>> -> memref<1x!tpu.dma_semaphore, #tpu.memory_space<semaphore_mem>>
      %dma_wait3A_1318 = tpu.memref_squeeze %dma_wait3A_1317 : memref<1x!tpu.dma_semaphore, #tpu.memory_space<semaphore_mem>> -> memref<!tpu.dma_semaphore, #tpu.memory_space<semaphore_mem>>
      %dma_wait3A_1319 = arith.constant 1280 : i32
      %dma_wait3A_1320 = arith.constant 0 : i32
      %dma_wait3A_1321 = tpu.memref_slice %arg2[%dma_wait3A_1316, %sub3A_1204, %dma_wait3A_1319, %dma_wait3A_1320] : memref<1x12x2048x2048xf32, #tpu.memory_space<any>> -> memref<1x1x128x2048xf32, #tpu.memory_space<any>>
      %dma_wait3A_1322 = tpu.memref_squeeze %dma_wait3A_1321 : memref<1x1x128x2048xf32, #tpu.memory_space<any>> -> memref<128x2048xf32, #tpu.memory_space<any>>
      %dma_wait3A_1323 = arith.constant 0 : i32
      %dma_wait3A_1324 = arith.constant 640 : i32
      %dma_wait3A_1325 = tpu.memref_slice %arg3[%sub3A_1206, %dma_wait3A_1323, %dma_wait3A_1324] : memref<2x128x4096xf32, #tpu.memory_space<vmem>> -> memref<1x128x2048xf32, #tpu.memory_space<vmem>>
      %dma_wait3A_1326 = tpu.memref_squeeze %dma_wait3A_1325 : memref<1x128x2048xf32, #tpu.memory_space<vmem>> -> memref<128x2048xf32, #tpu.memory_space<vmem>>
      tpu.wait_dma2 semaphore(%dma_wait3A_1318 : memref<!tpu.dma_semaphore, #tpu.memory_space<semaphore_mem>>) src(%dma_wait3A_1326 : memref<128x2048xf32, #tpu.memory_space<vmem>>) dst(%dma_wait3A_1322 : memref<128x2048xf32, #tpu.memory_space<any>>)
      %dma_wait3A_1327 = arith.constant 0 : i32
      %dma_wait3A_1328 = tpu.memref_slice %arg4[%sub3A_1206] : memref<2x!tpu.dma_semaphore, #tpu.memory_space<semaphore_mem>> -> memref<1x!tpu.dma_semaphore, #tpu.memory_space<semaphore_mem>>
      %dma_wait3A_1329 = tpu.memref_squeeze %dma_wait3A_1328 : memref<1x!tpu.dma_semaphore, #tpu.memory_space<semaphore_mem>> -> memref<!tpu.dma_semaphore, #tpu.memory_space<semaphore_mem>>
      %dma_wait3A_1330 = arith.constant 1408 : i32
      %dma_wait3A_1331 = arith.constant 0 : i32
      %dma_wait3A_1332 = tpu.memref_slice %arg2[%dma_wait3A_1327, %sub3A_1204, %dma_wait3A_1330, %dma_wait3A_1331] : memref<1x12x2048x2048xf32, #tpu.memory_space<any>> -> memref<1x1x128x2048xf32, #tpu.memory_space<any>>
      %dma_wait3A_1333 = tpu.memref_squeeze %dma_wait3A_1332 : memref<1x1x128x2048xf32, #tpu.memory_space<any>> -> memref<128x2048xf32, #tpu.memory_space<any>>
      %dma_wait3A_1334 = arith.constant 0 : i32
      %dma_wait3A_1335 = arith.constant 512 : i32
      %dma_wait3A_1336 = tpu.memref_slice %arg3[%sub3A_1206, %dma_wait3A_1334, %dma_wait3A_1335] : memref<2x128x4096xf32, #tpu.memory_space<vmem>> -> memref<1x128x2048xf32, #tpu.memory_space<vmem>>
      %dma_wait3A_1337 = tpu.memref_squeeze %dma_wait3A_1336 : memref<1x128x2048xf32, #tpu.memory_space<vmem>> -> memref<128x2048xf32, #tpu.memory_space<vmem>>
      tpu.wait_dma2 semaphore(%dma_wait3A_1329 : memref<!tpu.dma_semaphore, #tpu.memory_space<semaphore_mem>>) src(%dma_wait3A_1337 : memref<128x2048xf32, #tpu.memory_space<vmem>>) dst(%dma_wait3A_1333 : memref<128x2048xf32, #tpu.memory_space<any>>)
      %dma_wait3A_1338 = arith.constant 0 : i32
      %dma_wait3A_1339 = tpu.memref_slice %arg4[%sub3A_1206] : memref<2x!tpu.dma_semaphore, #tpu.memory_space<semaphore_mem>> -> memref<1x!tpu.dma_semaphore, #tpu.memory_space<semaphore_mem>>
      %dma_wait3A_1340 = tpu.memref_squeeze %dma_wait3A_1339 : memref<1x!tpu.dma_semaphore, #tpu.memory_space<semaphore_mem>> -> memref<!tpu.dma_semaphore, #tpu.memory_space<semaphore_mem>>
      %dma_wait3A_1341 = arith.constant 1536 : i32
      %dma_wait3A_1342 = arith.constant 0 : i32
      %dma_wait3A_1343 = tpu.memref_slice %arg2[%dma_wait3A_1338, %sub3A_1204, %dma_wait3A_1341, %dma_wait3A_1342] : memref<1x12x2048x2048xf32, #tpu.memory_space<any>> -> memref<1x1x128x2048xf32, #tpu.memory_space<any>>
      %dma_wait3A_1344 = tpu.memref_squeeze %dma_wait3A_1343 : memref<1x1x128x2048xf32, #tpu.memory_space<any>> -> memref<128x2048xf32, #tpu.memory_space<any>>
      %dma_wait3A_1345 = arith.constant 0 : i32
      %dma_wait3A_1346 = arith.constant 384 : i32
      %dma_wait3A_1347 = tpu.memref_slice %arg3[%sub3A_1206, %dma_wait3A_1345, %dma_wait3A_1346] : memref<2x128x4096xf32, #tpu.memory_space<vmem>> -> memref<1x128x2048xf32, #tpu.memory_space<vmem>>
      %dma_wait3A_1348 = tpu.memref_squeeze %dma_wait3A_1347 : memref<1x128x2048xf32, #tpu.memory_space<vmem>> -> memref<128x2048xf32, #tpu.memory_space<vmem>>
      tpu.wait_dma2 semaphore(%dma_wait3A_1340 : memref<!tpu.dma_semaphore, #tpu.memory_space<semaphore_mem>>) src(%dma_wait3A_1348 : memref<128x2048xf32, #tpu.memory_space<vmem>>) dst(%dma_wait3A_1344 : memref<128x2048xf32, #tpu.memory_space<any>>)
      %dma_wait3A_1349 = arith.constant 0 : i32
      %dma_wait3A_1350 = tpu.memref_slice %arg4[%sub3A_1206] : memref<2x!tpu.dma_semaphore, #tpu.memory_space<semaphore_mem>> -> memref<1x!tpu.dma_semaphore, #tpu.memory_space<semaphore_mem>>
      %dma_wait3A_1351 = tpu.memref_squeeze %dma_wait3A_1350 : memref<1x!tpu.dma_semaphore, #tpu.memory_space<semaphore_mem>> -> memref<!tpu.dma_semaphore, #tpu.memory_space<semaphore_mem>>
      %dma_wait3A_1352 = arith.constant 1664 : i32
      %dma_wait3A_1353 = arith.constant 0 : i32
      %dma_wait3A_1354 = tpu.memref_slice %arg2[%dma_wait3A_1349, %sub3A_1204, %dma_wait3A_1352, %dma_wait3A_1353] : memref<1x12x2048x2048xf32, #tpu.memory_space<any>> -> memref<1x1x128x2048xf32, #tpu.memory_space<any>>
      %dma_wait3A_1355 = tpu.memref_squeeze %dma_wait3A_1354 : memref<1x1x128x2048xf32, #tpu.memory_space<any>> -> memref<128x2048xf32, #tpu.memory_space<any>>
      %dma_wait3A_1356 = arith.constant 0 : i32
      %dma_wait3A_1357 = arith.constant 256 : i32
      %dma_wait3A_1358 = tpu.memref_slice %arg3[%sub3A_1206, %dma_wait3A_1356, %dma_wait3A_1357] : memref<2x128x4096xf32, #tpu.memory_space<vmem>> -> memref<1x128x2048xf32, #tpu.memory_space<vmem>>
      %dma_wait3A_1359 = tpu.memref_squeeze %dma_wait3A_1358 : memref<1x128x2048xf32, #tpu.memory_space<vmem>> -> memref<128x2048xf32, #tpu.memory_space<vmem>>
      tpu.wait_dma2 semaphore(%dma_wait3A_1351 : memref<!tpu.dma_semaphore, #tpu.memory_space<semaphore_mem>>) src(%dma_wait3A_1359 : memref<128x2048xf32, #tpu.memory_space<vmem>>) dst(%dma_wait3A_1355 : memref<128x2048xf32, #tpu.memory_space<any>>)
      %dma_wait3A_1360 = arith.constant 0 : i32
      %dma_wait3A_1361 = tpu.memref_slice %arg4[%sub3A_1206] : memref<2x!tpu.dma_semaphore, #tpu.memory_space<semaphore_mem>> -> memref<1x!tpu.dma_semaphore, #tpu.memory_space<semaphore_mem>>
      %dma_wait3A_1362 = tpu.memref_squeeze %dma_wait3A_1361 : memref<1x!tpu.dma_semaphore, #tpu.memory_space<semaphore_mem>> -> memref<!tpu.dma_semaphore, #tpu.memory_space<semaphore_mem>>
      %dma_wait3A_1363 = arith.constant 1792 : i32
      %dma_wait3A_1364 = arith.constant 0 : i32
      %dma_wait3A_1365 = tpu.memref_slice %arg2[%dma_wait3A_1360, %sub3A_1204, %dma_wait3A_1363, %dma_wait3A_1364] : memref<1x12x2048x2048xf32, #tpu.memory_space<any>> -> memref<1x1x128x2048xf32, #tpu.memory_space<any>>
      %dma_wait3A_1366 = tpu.memref_squeeze %dma_wait3A_1365 : memref<1x1x128x2048xf32, #tpu.memory_space<any>> -> memref<128x2048xf32, #tpu.memory_space<any>>
      %dma_wait3A_1367 = arith.constant 0 : i32
      %dma_wait3A_1368 = arith.constant 128 : i32
      %dma_wait3A_1369 = tpu.memref_slice %arg3[%sub3A_1206, %dma_wait3A_1367, %dma_wait3A_1368] : memref<2x128x4096xf32, #tpu.memory_space<vmem>> -> memref<1x128x2048xf32, #tpu.memory_space<vmem>>
      %dma_wait3A_1370 = tpu.memref_squeeze %dma_wait3A_1369 : memref<1x128x2048xf32, #tpu.memory_space<vmem>> -> memref<128x2048xf32, #tpu.memory_space<vmem>>
      tpu.wait_dma2 semaphore(%dma_wait3A_1362 : memref<!tpu.dma_semaphore, #tpu.memory_space<semaphore_mem>>) src(%dma_wait3A_1370 : memref<128x2048xf32, #tpu.memory_space<vmem>>) dst(%dma_wait3A_1366 : memref<128x2048xf32, #tpu.memory_space<any>>)
      %dma_wait3A_1371 = arith.constant 0 : i32
      %dma_wait3A_1372 = tpu.memref_slice %arg4[%sub3A_1206] : memref<2x!tpu.dma_semaphore, #tpu.memory_space<semaphore_mem>> -> memref<1x!tpu.dma_semaphore, #tpu.memory_space<semaphore_mem>>
      %dma_wait3A_1373 = tpu.memref_squeeze %dma_wait3A_1372 : memref<1x!tpu.dma_semaphore, #tpu.memory_space<semaphore_mem>> -> memref<!tpu.dma_semaphore, #tpu.memory_space<semaphore_mem>>
      %dma_wait3A_1374 = arith.constant 1920 : i32
      %dma_wait3A_1375 = arith.constant 0 : i32
      %dma_wait3A_1376 = tpu.memref_slice %arg2[%dma_wait3A_1371, %sub3A_1204, %dma_wait3A_1374, %dma_wait3A_1375] : memref<1x12x2048x2048xf32, #tpu.memory_space<any>> -> memref<1x1x128x2048xf32, #tpu.memory_space<any>>
      %dma_wait3A_1377 = tpu.memref_squeeze %dma_wait3A_1376 : memref<1x1x128x2048xf32, #tpu.memory_space<any>> -> memref<128x2048xf32, #tpu.memory_space<any>>
      %dma_wait3A_1378 = arith.constant 0 : i32
      %dma_wait3A_1379 = arith.constant 0 : i32
      %dma_wait3A_1380 = tpu.memref_slice %arg3[%sub3A_1206, %dma_wait3A_1378, %dma_wait3A_1379] : memref<2x128x4096xf32, #tpu.memory_space<vmem>> -> memref<1x128x2048xf32, #tpu.memory_space<vmem>>
      %dma_wait3A_1381 = tpu.memref_squeeze %dma_wait3A_1380 : memref<1x128x2048xf32, #tpu.memory_space<vmem>> -> memref<128x2048xf32, #tpu.memory_space<vmem>>
      tpu.wait_dma2 semaphore(%dma_wait3A_1373 : memref<!tpu.dma_semaphore, #tpu.memory_space<semaphore_mem>>) src(%dma_wait3A_1381 : memref<128x2048xf32, #tpu.memory_space<vmem>>) dst(%dma_wait3A_1377 : memref<128x2048xf32, #tpu.memory_space<any>>)
      %dma_wait3A_1382 = arith.constant 0 : i32
      %dma_wait3A_1383 = tpu.memref_slice %arg4[%rem3A_0] : memref<2x!tpu.dma_semaphore, #tpu.memory_space<semaphore_mem>> -> memref<1x!tpu.dma_semaphore, #tpu.memory_space<semaphore_mem>>
      %dma_wait3A_1384 = tpu.memref_squeeze %dma_wait3A_1383 : memref<1x!tpu.dma_semaphore, #tpu.memory_space<semaphore_mem>> -> memref<!tpu.dma_semaphore, #tpu.memory_space<semaphore_mem>>
      %dma_wait3A_1385 = arith.constant 0 : i32
      %dma_wait3A_1386 = arith.constant 0 : i32
      %dma_wait3A_1387 = tpu.memref_slice %arg2[%dma_wait3A_1382, %arg0, %dma_wait3A_1385, %dma_wait3A_1386] : memref<1x12x2048x2048xf32, #tpu.memory_space<any>> -> memref<1x1x128x2048xf32, #tpu.memory_space<any>>
      %dma_wait3A_1388 = tpu.memref_squeeze %dma_wait3A_1387 : memref<1x1x128x2048xf32, #tpu.memory_space<any>> -> memref<128x2048xf32, #tpu.memory_space<any>>
      %dma_wait3A_1389 = arith.constant 0 : i32
      %dma_wait3A_1390 = arith.constant 1920 : i32
      %dma_wait3A_1391 = tpu.memref_slice %arg3[%rem3A_0, %dma_wait3A_1389, %dma_wait3A_1390] : memref<2x128x4096xf32, #tpu.memory_space<vmem>> -> memref<1x128x2048xf32, #tpu.memory_space<vmem>>
      %dma_wait3A_1392 = tpu.memref_squeeze %dma_wait3A_1391 : memref<1x128x2048xf32, #tpu.memory_space<vmem>> -> memref<128x2048xf32, #tpu.memory_space<vmem>>
      tpu.wait_dma2 semaphore(%dma_wait3A_1384 : memref<!tpu.dma_semaphore, #tpu.memory_space<semaphore_mem>>) src(%dma_wait3A_1392 : memref<128x2048xf32, #tpu.memory_space<vmem>>) dst(%dma_wait3A_1388 : memref<128x2048xf32, #tpu.memory_space<any>>)
      %dma_wait3A_1393 = arith.constant 0 : i32
      %dma_wait3A_1394 = tpu.memref_slice %arg4[%rem3A_0] : memref<2x!tpu.dma_semaphore, #tpu.memory_space<semaphore_mem>> -> memref<1x!tpu.dma_semaphore, #tpu.memory_space<semaphore_mem>>
      %dma_wait3A_1395 = tpu.memref_squeeze %dma_wait3A_1394 : memref<1x!tpu.dma_semaphore, #tpu.memory_space<semaphore_mem>> -> memref<!tpu.dma_semaphore, #tpu.memory_space<semaphore_mem>>
      %dma_wait3A_1396 = arith.constant 128 : i32
      %dma_wait3A_1397 = arith.constant 0 : i32
      %dma_wait3A_1398 = tpu.memref_slice %arg2[%dma_wait3A_1393, %arg0, %dma_wait3A_1396, %dma_wait3A_1397] : memref<1x12x2048x2048xf32, #tpu.memory_space<any>> -> memref<1x1x128x2048xf32, #tpu.memory_space<any>>
      %dma_wait3A_1399 = tpu.memref_squeeze %dma_wait3A_1398 : memref<1x1x128x2048xf32, #tpu.memory_space<any>> -> memref<128x2048xf32, #tpu.memory_space<any>>
      %dma_wait3A_1400 = arith.constant 0 : i32
      %dma_wait3A_1401 = arith.constant 1792 : i32
      %dma_wait3A_1402 = tpu.memref_slice %arg3[%rem3A_0, %dma_wait3A_1400, %dma_wait3A_1401] : memref<2x128x4096xf32, #tpu.memory_space<vmem>> -> memref<1x128x2048xf32, #tpu.memory_space<vmem>>
      %dma_wait3A_1403 = tpu.memref_squeeze %dma_wait3A_1402 : memref<1x128x2048xf32, #tpu.memory_space<vmem>> -> memref<128x2048xf32, #tpu.memory_space<vmem>>
      tpu.wait_dma2 semaphore(%dma_wait3A_1395 : memref<!tpu.dma_semaphore, #tpu.memory_space<semaphore_mem>>) src(%dma_wait3A_1403 : memref<128x2048xf32, #tpu.memory_space<vmem>>) dst(%dma_wait3A_1399 : memref<128x2048xf32, #tpu.memory_space<any>>)
      %dma_wait3A_1404 = arith.constant 0 : i32
      %dma_wait3A_1405 = tpu.memref_slice %arg4[%rem3A_0] : memref<2x!tpu.dma_semaphore, #tpu.memory_space<semaphore_mem>> -> memref<1x!tpu.dma_semaphore, #tpu.memory_space<semaphore_mem>>
      %dma_wait3A_1406 = tpu.memref_squeeze %dma_wait3A_1405 : memref<1x!tpu.dma_semaphore, #tpu.memory_space<semaphore_mem>> -> memref<!tpu.dma_semaphore, #tpu.memory_space<semaphore_mem>>
      %dma_wait3A_1407 = arith.constant 256 : i32
      %dma_wait3A_1408 = arith.constant 0 : i32
      %dma_wait3A_1409 = tpu.memref_slice %arg2[%dma_wait3A_1404, %arg0, %dma_wait3A_1407, %dma_wait3A_1408] : memref<1x12x2048x2048xf32, #tpu.memory_space<any>> -> memref<1x1x128x2048xf32, #tpu.memory_space<any>>
      %dma_wait3A_1410 = tpu.memref_squeeze %dma_wait3A_1409 : memref<1x1x128x2048xf32, #tpu.memory_space<any>> -> memref<128x2048xf32, #tpu.memory_space<any>>
      %dma_wait3A_1411 = arith.constant 0 : i32
      %dma_wait3A_1412 = arith.constant 1664 : i32
      %dma_wait3A_1413 = tpu.memref_slice %arg3[%rem3A_0, %dma_wait3A_1411, %dma_wait3A_1412] : memref<2x128x4096xf32, #tpu.memory_space<vmem>> -> memref<1x128x2048xf32, #tpu.memory_space<vmem>>
      %dma_wait3A_1414 = tpu.memref_squeeze %dma_wait3A_1413 : memref<1x128x2048xf32, #tpu.memory_space<vmem>> -> memref<128x2048xf32, #tpu.memory_space<vmem>>
      tpu.wait_dma2 semaphore(%dma_wait3A_1406 : memref<!tpu.dma_semaphore, #tpu.memory_space<semaphore_mem>>) src(%dma_wait3A_1414 : memref<128x2048xf32, #tpu.memory_space<vmem>>) dst(%dma_wait3A_1410 : memref<128x2048xf32, #tpu.memory_space<any>>)
      %dma_wait3A_1415 = arith.constant 0 : i32
      %dma_wait3A_1416 = tpu.memref_slice %arg4[%rem3A_0] : memref<2x!tpu.dma_semaphore, #tpu.memory_space<semaphore_mem>> -> memref<1x!tpu.dma_semaphore, #tpu.memory_space<semaphore_mem>>
      %dma_wait3A_1417 = tpu.memref_squeeze %dma_wait3A_1416 : memref<1x!tpu.dma_semaphore, #tpu.memory_space<semaphore_mem>> -> memref<!tpu.dma_semaphore, #tpu.memory_space<semaphore_mem>>
      %dma_wait3A_1418 = arith.constant 384 : i32
      %dma_wait3A_1419 = arith.constant 0 : i32
      %dma_wait3A_1420 = tpu.memref_slice %arg2[%dma_wait3A_1415, %arg0, %dma_wait3A_1418, %dma_wait3A_1419] : memref<1x12x2048x2048xf32, #tpu.memory_space<any>> -> memref<1x1x128x2048xf32, #tpu.memory_space<any>>
      %dma_wait3A_1421 = tpu.memref_squeeze %dma_wait3A_1420 : memref<1x1x128x2048xf32, #tpu.memory_space<any>> -> memref<128x2048xf32, #tpu.memory_space<any>>
      %dma_wait3A_1422 = arith.constant 0 : i32
      %dma_wait3A_1423 = arith.constant 1536 : i32
      %dma_wait3A_1424 = tpu.memref_slice %arg3[%rem3A_0, %dma_wait3A_1422, %dma_wait3A_1423] : memref<2x128x4096xf32, #tpu.memory_space<vmem>> -> memref<1x128x2048xf32, #tpu.memory_space<vmem>>
      %dma_wait3A_1425 = tpu.memref_squeeze %dma_wait3A_1424 : memref<1x128x2048xf32, #tpu.memory_space<vmem>> -> memref<128x2048xf32, #tpu.memory_space<vmem>>
      tpu.wait_dma2 semaphore(%dma_wait3A_1417 : memref<!tpu.dma_semaphore, #tpu.memory_space<semaphore_mem>>) src(%dma_wait3A_1425 : memref<128x2048xf32, #tpu.memory_space<vmem>>) dst(%dma_wait3A_1421 : memref<128x2048xf32, #tpu.memory_space<any>>)
      %dma_wait3A_1426 = arith.constant 0 : i32
      %dma_wait3A_1427 = tpu.memref_slice %arg4[%rem3A_0] : memref<2x!tpu.dma_semaphore, #tpu.memory_space<semaphore_mem>> -> memref<1x!tpu.dma_semaphore, #tpu.memory_space<semaphore_mem>>
      %dma_wait3A_1428 = tpu.memref_squeeze %dma_wait3A_1427 : memref<1x!tpu.dma_semaphore, #tpu.memory_space<semaphore_mem>> -> memref<!tpu.dma_semaphore, #tpu.memory_space<semaphore_mem>>
      %dma_wait3A_1429 = arith.constant 512 : i32
      %dma_wait3A_1430 = arith.constant 0 : i32
      %dma_wait3A_1431 = tpu.memref_slice %arg2[%dma_wait3A_1426, %arg0, %dma_wait3A_1429, %dma_wait3A_1430] : memref<1x12x2048x2048xf32, #tpu.memory_space<any>> -> memref<1x1x128x2048xf32, #tpu.memory_space<any>>
      %dma_wait3A_1432 = tpu.memref_squeeze %dma_wait3A_1431 : memref<1x1x128x2048xf32, #tpu.memory_space<any>> -> memref<128x2048xf32, #tpu.memory_space<any>>
      %dma_wait3A_1433 = arith.constant 0 : i32
      %dma_wait3A_1434 = arith.constant 1408 : i32
      %dma_wait3A_1435 = tpu.memref_slice %arg3[%rem3A_0, %dma_wait3A_1433, %dma_wait3A_1434] : memref<2x128x4096xf32, #tpu.memory_space<vmem>> -> memref<1x128x2048xf32, #tpu.memory_space<vmem>>
      %dma_wait3A_1436 = tpu.memref_squeeze %dma_wait3A_1435 : memref<1x128x2048xf32, #tpu.memory_space<vmem>> -> memref<128x2048xf32, #tpu.memory_space<vmem>>
      tpu.wait_dma2 semaphore(%dma_wait3A_1428 : memref<!tpu.dma_semaphore, #tpu.memory_space<semaphore_mem>>) src(%dma_wait3A_1436 : memref<128x2048xf32, #tpu.memory_space<vmem>>) dst(%dma_wait3A_1432 : memref<128x2048xf32, #tpu.memory_space<any>>)
      %dma_wait3A_1437 = arith.constant 0 : i32
      %dma_wait3A_1438 = tpu.memref_slice %arg4[%rem3A_0] : memref<2x!tpu.dma_semaphore, #tpu.memory_space<semaphore_mem>> -> memref<1x!tpu.dma_semaphore, #tpu.memory_space<semaphore_mem>>
      %dma_wait3A_1439 = tpu.memref_squeeze %dma_wait3A_1438 : memref<1x!tpu.dma_semaphore, #tpu.memory_space<semaphore_mem>> -> memref<!tpu.dma_semaphore, #tpu.memory_space<semaphore_mem>>
      %dma_wait3A_1440 = arith.constant 640 : i32
      %dma_wait3A_1441 = arith.constant 0 : i32
      %dma_wait3A_1442 = tpu.memref_slice %arg2[%dma_wait3A_1437, %arg0, %dma_wait3A_1440, %dma_wait3A_1441] : memref<1x12x2048x2048xf32, #tpu.memory_space<any>> -> memref<1x1x128x2048xf32, #tpu.memory_space<any>>
      %dma_wait3A_1443 = tpu.memref_squeeze %dma_wait3A_1442 : memref<1x1x128x2048xf32, #tpu.memory_space<any>> -> memref<128x2048xf32, #tpu.memory_space<any>>
      %dma_wait3A_1444 = arith.constant 0 : i32
      %dma_wait3A_1445 = arith.constant 1280 : i32
      %dma_wait3A_1446 = tpu.memref_slice %arg3[%rem3A_0, %dma_wait3A_1444, %dma_wait3A_1445] : memref<2x128x4096xf32, #tpu.memory_space<vmem>> -> memref<1x128x2048xf32, #tpu.memory_space<vmem>>
      %dma_wait3A_1447 = tpu.memref_squeeze %dma_wait3A_1446 : memref<1x128x2048xf32, #tpu.memory_space<vmem>> -> memref<128x2048xf32, #tpu.memory_space<vmem>>
      tpu.wait_dma2 semaphore(%dma_wait3A_1439 : memref<!tpu.dma_semaphore, #tpu.memory_space<semaphore_mem>>) src(%dma_wait3A_1447 : memref<128x2048xf32, #tpu.memory_space<vmem>>) dst(%dma_wait3A_1443 : memref<128x2048xf32, #tpu.memory_space<any>>)
      %dma_wait3A_1448 = arith.constant 0 : i32
      %dma_wait3A_1449 = tpu.memref_slice %arg4[%rem3A_0] : memref<2x!tpu.dma_semaphore, #tpu.memory_space<semaphore_mem>> -> memref<1x!tpu.dma_semaphore, #tpu.memory_space<semaphore_mem>>
      %dma_wait3A_1450 = tpu.memref_squeeze %dma_wait3A_1449 : memref<1x!tpu.dma_semaphore, #tpu.memory_space<semaphore_mem>> -> memref<!tpu.dma_semaphore, #tpu.memory_space<semaphore_mem>>
      %dma_wait3A_1451 = arith.constant 768 : i32
      %dma_wait3A_1452 = arith.constant 0 : i32
      %dma_wait3A_1453 = tpu.memref_slice %arg2[%dma_wait3A_1448, %arg0, %dma_wait3A_1451, %dma_wait3A_1452] : memref<1x12x2048x2048xf32, #tpu.memory_space<any>> -> memref<1x1x128x2048xf32, #tpu.memory_space<any>>
      %dma_wait3A_1454 = tpu.memref_squeeze %dma_wait3A_1453 : memref<1x1x128x2048xf32, #tpu.memory_space<any>> -> memref<128x2048xf32, #tpu.memory_space<any>>
      %dma_wait3A_1455 = arith.constant 0 : i32
      %dma_wait3A_1456 = arith.constant 1152 : i32
      %dma_wait3A_1457 = tpu.memref_slice %arg3[%rem3A_0, %dma_wait3A_1455, %dma_wait3A_1456] : memref<2x128x4096xf32, #tpu.memory_space<vmem>> -> memref<1x128x2048xf32, #tpu.memory_space<vmem>>
      %dma_wait3A_1458 = tpu.memref_squeeze %dma_wait3A_1457 : memref<1x128x2048xf32, #tpu.memory_space<vmem>> -> memref<128x2048xf32, #tpu.memory_space<vmem>>
      tpu.wait_dma2 semaphore(%dma_wait3A_1450 : memref<!tpu.dma_semaphore, #tpu.memory_space<semaphore_mem>>) src(%dma_wait3A_1458 : memref<128x2048xf32, #tpu.memory_space<vmem>>) dst(%dma_wait3A_1454 : memref<128x2048xf32, #tpu.memory_space<any>>)
      %dma_wait3A_1459 = arith.constant 0 : i32
      %dma_wait3A_1460 = tpu.memref_slice %arg4[%rem3A_0] : memref<2x!tpu.dma_semaphore, #tpu.memory_space<semaphore_mem>> -> memref<1x!tpu.dma_semaphore, #tpu.memory_space<semaphore_mem>>
      %dma_wait3A_1461 = tpu.memref_squeeze %dma_wait3A_1460 : memref<1x!tpu.dma_semaphore, #tpu.memory_space<semaphore_mem>> -> memref<!tpu.dma_semaphore, #tpu.memory_space<semaphore_mem>>
      %dma_wait3A_1462 = arith.constant 896 : i32
      %dma_wait3A_1463 = arith.constant 0 : i32
      %dma_wait3A_1464 = tpu.memref_slice %arg2[%dma_wait3A_1459, %arg0, %dma_wait3A_1462, %dma_wait3A_1463] : memref<1x12x2048x2048xf32, #tpu.memory_space<any>> -> memref<1x1x128x2048xf32, #tpu.memory_space<any>>
      %dma_wait3A_1465 = tpu.memref_squeeze %dma_wait3A_1464 : memref<1x1x128x2048xf32, #tpu.memory_space<any>> -> memref<128x2048xf32, #tpu.memory_space<any>>
      %dma_wait3A_1466 = arith.constant 0 : i32
      %dma_wait3A_1467 = arith.constant 1024 : i32
      %dma_wait3A_1468 = tpu.memref_slice %arg3[%rem3A_0, %dma_wait3A_1466, %dma_wait3A_1467] : memref<2x128x4096xf32, #tpu.memory_space<vmem>> -> memref<1x128x2048xf32, #tpu.memory_space<vmem>>
      %dma_wait3A_1469 = tpu.memref_squeeze %dma_wait3A_1468 : memref<1x128x2048xf32, #tpu.memory_space<vmem>> -> memref<128x2048xf32, #tpu.memory_space<vmem>>
      tpu.wait_dma2 semaphore(%dma_wait3A_1461 : memref<!tpu.dma_semaphore, #tpu.memory_space<semaphore_mem>>) src(%dma_wait3A_1469 : memref<128x2048xf32, #tpu.memory_space<vmem>>) dst(%dma_wait3A_1465 : memref<128x2048xf32, #tpu.memory_space<any>>)
      %dma_wait3A_1470 = arith.constant 0 : i32
      %dma_wait3A_1471 = tpu.memref_slice %arg4[%rem3A_0] : memref<2x!tpu.dma_semaphore, #tpu.memory_space<semaphore_mem>> -> memref<1x!tpu.dma_semaphore, #tpu.memory_space<semaphore_mem>>
      %dma_wait3A_1472 = tpu.memref_squeeze %dma_wait3A_1471 : memref<1x!tpu.dma_semaphore, #tpu.memory_space<semaphore_mem>> -> memref<!tpu.dma_semaphore, #tpu.memory_space<semaphore_mem>>
      %dma_wait3A_1473 = arith.constant 1024 : i32
      %dma_wait3A_1474 = arith.constant 0 : i32
      %dma_wait3A_1475 = tpu.memref_slice %arg2[%dma_wait3A_1470, %arg0, %dma_wait3A_1473, %dma_wait3A_1474] : memref<1x12x2048x2048xf32, #tpu.memory_space<any>> -> memref<1x1x128x2048xf32, #tpu.memory_space<any>>
      %dma_wait3A_1476 = tpu.memref_squeeze %dma_wait3A_1475 : memref<1x1x128x2048xf32, #tpu.memory_space<any>> -> memref<128x2048xf32, #tpu.memory_space<any>>
      %dma_wait3A_1477 = arith.constant 0 : i32
      %dma_wait3A_1478 = arith.constant 896 : i32
      %dma_wait3A_1479 = tpu.memref_slice %arg3[%rem3A_0, %dma_wait3A_1477, %dma_wait3A_1478] : memref<2x128x4096xf32, #tpu.memory_space<vmem>> -> memref<1x128x2048xf32, #tpu.memory_space<vmem>>
      %dma_wait3A_1480 = tpu.memref_squeeze %dma_wait3A_1479 : memref<1x128x2048xf32, #tpu.memory_space<vmem>> -> memref<128x2048xf32, #tpu.memory_space<vmem>>
      tpu.wait_dma2 semaphore(%dma_wait3A_1472 : memref<!tpu.dma_semaphore, #tpu.memory_space<semaphore_mem>>) src(%dma_wait3A_1480 : memref<128x2048xf32, #tpu.memory_space<vmem>>) dst(%dma_wait3A_1476 : memref<128x2048xf32, #tpu.memory_space<any>>)
      %dma_wait3A_1481 = arith.constant 0 : i32
      %dma_wait3A_1482 = tpu.memref_slice %arg4[%rem3A_0] : memref<2x!tpu.dma_semaphore, #tpu.memory_space<semaphore_mem>> -> memref<1x!tpu.dma_semaphore, #tpu.memory_space<semaphore_mem>>
      %dma_wait3A_1483 = tpu.memref_squeeze %dma_wait3A_1482 : memref<1x!tpu.dma_semaphore, #tpu.memory_space<semaphore_mem>> -> memref<!tpu.dma_semaphore, #tpu.memory_space<semaphore_mem>>
      %dma_wait3A_1484 = arith.constant 1152 : i32
      %dma_wait3A_1485 = arith.constant 0 : i32
      %dma_wait3A_1486 = tpu.memref_slice %arg2[%dma_wait3A_1481, %arg0, %dma_wait3A_1484, %dma_wait3A_1485] : memref<1x12x2048x2048xf32, #tpu.memory_space<any>> -> memref<1x1x128x2048xf32, #tpu.memory_space<any>>
      %dma_wait3A_1487 = tpu.memref_squeeze %dma_wait3A_1486 : memref<1x1x128x2048xf32, #tpu.memory_space<any>> -> memref<128x2048xf32, #tpu.memory_space<any>>
      %dma_wait3A_1488 = arith.constant 0 : i32
      %dma_wait3A_1489 = arith.constant 768 : i32
      %dma_wait3A_1490 = tpu.memref_slice %arg3[%rem3A_0, %dma_wait3A_1488, %dma_wait3A_1489] : memref<2x128x4096xf32, #tpu.memory_space<vmem>> -> memref<1x128x2048xf32, #tpu.memory_space<vmem>>
      %dma_wait3A_1491 = tpu.memref_squeeze %dma_wait3A_1490 : memref<1x128x2048xf32, #tpu.memory_space<vmem>> -> memref<128x2048xf32, #tpu.memory_space<vmem>>
      tpu.wait_dma2 semaphore(%dma_wait3A_1483 : memref<!tpu.dma_semaphore, #tpu.memory_space<semaphore_mem>>) src(%dma_wait3A_1491 : memref<128x2048xf32, #tpu.memory_space<vmem>>) dst(%dma_wait3A_1487 : memref<128x2048xf32, #tpu.memory_space<any>>)
      %dma_wait3A_1492 = arith.constant 0 : i32
      %dma_wait3A_1493 = tpu.memref_slice %arg4[%rem3A_0] : memref<2x!tpu.dma_semaphore, #tpu.memory_space<semaphore_mem>> -> memref<1x!tpu.dma_semaphore, #tpu.memory_space<semaphore_mem>>
      %dma_wait3A_1494 = tpu.memref_squeeze %dma_wait3A_1493 : memref<1x!tpu.dma_semaphore, #tpu.memory_space<semaphore_mem>> -> memref<!tpu.dma_semaphore, #tpu.memory_space<semaphore_mem>>
      %dma_wait3A_1495 = arith.constant 1280 : i32
      %dma_wait3A_1496 = arith.constant 0 : i32
      %dma_wait3A_1497 = tpu.memref_slice %arg2[%dma_wait3A_1492, %arg0, %dma_wait3A_1495, %dma_wait3A_1496] : memref<1x12x2048x2048xf32, #tpu.memory_space<any>> -> memref<1x1x128x2048xf32, #tpu.memory_space<any>>
      %dma_wait3A_1498 = tpu.memref_squeeze %dma_wait3A_1497 : memref<1x1x128x2048xf32, #tpu.memory_space<any>> -> memref<128x2048xf32, #tpu.memory_space<any>>
      %dma_wait3A_1499 = arith.constant 0 : i32
      %dma_wait3A_1500 = arith.constant 640 : i32
      %dma_wait3A_1501 = tpu.memref_slice %arg3[%rem3A_0, %dma_wait3A_1499, %dma_wait3A_1500] : memref<2x128x4096xf32, #tpu.memory_space<vmem>> -> memref<1x128x2048xf32, #tpu.memory_space<vmem>>
      %dma_wait3A_1502 = tpu.memref_squeeze %dma_wait3A_1501 : memref<1x128x2048xf32, #tpu.memory_space<vmem>> -> memref<128x2048xf32, #tpu.memory_space<vmem>>
      tpu.wait_dma2 semaphore(%dma_wait3A_1494 : memref<!tpu.dma_semaphore, #tpu.memory_space<semaphore_mem>>) src(%dma_wait3A_1502 : memref<128x2048xf32, #tpu.memory_space<vmem>>) dst(%dma_wait3A_1498 : memref<128x2048xf32, #tpu.memory_space<any>>)
      %dma_wait3A_1503 = arith.constant 0 : i32
      %dma_wait3A_1504 = tpu.memref_slice %arg4[%rem3A_0] : memref<2x!tpu.dma_semaphore, #tpu.memory_space<semaphore_mem>> -> memref<1x!tpu.dma_semaphore, #tpu.memory_space<semaphore_mem>>
      %dma_wait3A_1505 = tpu.memref_squeeze %dma_wait3A_1504 : memref<1x!tpu.dma_semaphore, #tpu.memory_space<semaphore_mem>> -> memref<!tpu.dma_semaphore, #tpu.memory_space<semaphore_mem>>
      %dma_wait3A_1506 = arith.constant 1408 : i32
      %dma_wait3A_1507 = arith.constant 0 : i32
      %dma_wait3A_1508 = tpu.memref_slice %arg2[%dma_wait3A_1503, %arg0, %dma_wait3A_1506, %dma_wait3A_1507] : memref<1x12x2048x2048xf32, #tpu.memory_space<any>> -> memref<1x1x128x2048xf32, #tpu.memory_space<any>>
      %dma_wait3A_1509 = tpu.memref_squeeze %dma_wait3A_1508 : memref<1x1x128x2048xf32, #tpu.memory_space<any>> -> memref<128x2048xf32, #tpu.memory_space<any>>
      %dma_wait3A_1510 = arith.constant 0 : i32
      %dma_wait3A_1511 = arith.constant 512 : i32
      %dma_wait3A_1512 = tpu.memref_slice %arg3[%rem3A_0, %dma_wait3A_1510, %dma_wait3A_1511] : memref<2x128x4096xf32, #tpu.memory_space<vmem>> -> memref<1x128x2048xf32, #tpu.memory_space<vmem>>
      %dma_wait3A_1513 = tpu.memref_squeeze %dma_wait3A_1512 : memref<1x128x2048xf32, #tpu.memory_space<vmem>> -> memref<128x2048xf32, #tpu.memory_space<vmem>>
      tpu.wait_dma2 semaphore(%dma_wait3A_1505 : memref<!tpu.dma_semaphore, #tpu.memory_space<semaphore_mem>>) src(%dma_wait3A_1513 : memref<128x2048xf32, #tpu.memory_space<vmem>>) dst(%dma_wait3A_1509 : memref<128x2048xf32, #tpu.memory_space<any>>)
      %dma_wait3A_1514 = arith.constant 0 : i32
      %dma_wait3A_1515 = tpu.memref_slice %arg4[%rem3A_0] : memref<2x!tpu.dma_semaphore, #tpu.memory_space<semaphore_mem>> -> memref<1x!tpu.dma_semaphore, #tpu.memory_space<semaphore_mem>>
      %dma_wait3A_1516 = tpu.memref_squeeze %dma_wait3A_1515 : memref<1x!tpu.dma_semaphore, #tpu.memory_space<semaphore_mem>> -> memref<!tpu.dma_semaphore, #tpu.memory_space<semaphore_mem>>
      %dma_wait3A_1517 = arith.constant 1536 : i32
      %dma_wait3A_1518 = arith.constant 0 : i32
      %dma_wait3A_1519 = tpu.memref_slice %arg2[%dma_wait3A_1514, %arg0, %dma_wait3A_1517, %dma_wait3A_1518] : memref<1x12x2048x2048xf32, #tpu.memory_space<any>> -> memref<1x1x128x2048xf32, #tpu.memory_space<any>>
      %dma_wait3A_1520 = tpu.memref_squeeze %dma_wait3A_1519 : memref<1x1x128x2048xf32, #tpu.memory_space<any>> -> memref<128x2048xf32, #tpu.memory_space<any>>
      %dma_wait3A_1521 = arith.constant 0 : i32
      %dma_wait3A_1522 = arith.constant 384 : i32
      %dma_wait3A_1523 = tpu.memref_slice %arg3[%rem3A_0, %dma_wait3A_1521, %dma_wait3A_1522] : memref<2x128x4096xf32, #tpu.memory_space<vmem>> -> memref<1x128x2048xf32, #tpu.memory_space<vmem>>
      %dma_wait3A_1524 = tpu.memref_squeeze %dma_wait3A_1523 : memref<1x128x2048xf32, #tpu.memory_space<vmem>> -> memref<128x2048xf32, #tpu.memory_space<vmem>>
      tpu.wait_dma2 semaphore(%dma_wait3A_1516 : memref<!tpu.dma_semaphore, #tpu.memory_space<semaphore_mem>>) src(%dma_wait3A_1524 : memref<128x2048xf32, #tpu.memory_space<vmem>>) dst(%dma_wait3A_1520 : memref<128x2048xf32, #tpu.memory_space<any>>)
      %dma_wait3A_1525 = arith.constant 0 : i32
      %dma_wait3A_1526 = tpu.memref_slice %arg4[%rem3A_0] : memref<2x!tpu.dma_semaphore, #tpu.memory_space<semaphore_mem>> -> memref<1x!tpu.dma_semaphore, #tpu.memory_space<semaphore_mem>>
      %dma_wait3A_1527 = tpu.memref_squeeze %dma_wait3A_1526 : memref<1x!tpu.dma_semaphore, #tpu.memory_space<semaphore_mem>> -> memref<!tpu.dma_semaphore, #tpu.memory_space<semaphore_mem>>
      %dma_wait3A_1528 = arith.constant 1664 : i32
      %dma_wait3A_1529 = arith.constant 0 : i32
      %dma_wait3A_1530 = tpu.memref_slice %arg2[%dma_wait3A_1525, %arg0, %dma_wait3A_1528, %dma_wait3A_1529] : memref<1x12x2048x2048xf32, #tpu.memory_space<any>> -> memref<1x1x128x2048xf32, #tpu.memory_space<any>>
      %dma_wait3A_1531 = tpu.memref_squeeze %dma_wait3A_1530 : memref<1x1x128x2048xf32, #tpu.memory_space<any>> -> memref<128x2048xf32, #tpu.memory_space<any>>
      %dma_wait3A_1532 = arith.constant 0 : i32
      %dma_wait3A_1533 = arith.constant 256 : i32
      %dma_wait3A_1534 = tpu.memref_slice %arg3[%rem3A_0, %dma_wait3A_1532, %dma_wait3A_1533] : memref<2x128x4096xf32, #tpu.memory_space<vmem>> -> memref<1x128x2048xf32, #tpu.memory_space<vmem>>
      %dma_wait3A_1535 = tpu.memref_squeeze %dma_wait3A_1534 : memref<1x128x2048xf32, #tpu.memory_space<vmem>> -> memref<128x2048xf32, #tpu.memory_space<vmem>>
      tpu.wait_dma2 semaphore(%dma_wait3A_1527 : memref<!tpu.dma_semaphore, #tpu.memory_space<semaphore_mem>>) src(%dma_wait3A_1535 : memref<128x2048xf32, #tpu.memory_space<vmem>>) dst(%dma_wait3A_1531 : memref<128x2048xf32, #tpu.memory_space<any>>)
      %dma_wait3A_1536 = arith.constant 0 : i32
      %dma_wait3A_1537 = tpu.memref_slice %arg4[%rem3A_0] : memref<2x!tpu.dma_semaphore, #tpu.memory_space<semaphore_mem>> -> memref<1x!tpu.dma_semaphore, #tpu.memory_space<semaphore_mem>>
      %dma_wait3A_1538 = tpu.memref_squeeze %dma_wait3A_1537 : memref<1x!tpu.dma_semaphore, #tpu.memory_space<semaphore_mem>> -> memref<!tpu.dma_semaphore, #tpu.memory_space<semaphore_mem>>
      %dma_wait3A_1539 = arith.constant 1792 : i32
      %dma_wait3A_1540 = arith.constant 0 : i32
      %dma_wait3A_1541 = tpu.memref_slice %arg2[%dma_wait3A_1536, %arg0, %dma_wait3A_1539, %dma_wait3A_1540] : memref<1x12x2048x2048xf32, #tpu.memory_space<any>> -> memref<1x1x128x2048xf32, #tpu.memory_space<any>>
      %dma_wait3A_1542 = tpu.memref_squeeze %dma_wait3A_1541 : memref<1x1x128x2048xf32, #tpu.memory_space<any>> -> memref<128x2048xf32, #tpu.memory_space<any>>
      %dma_wait3A_1543 = arith.constant 0 : i32
      %dma_wait3A_1544 = arith.constant 128 : i32
      %dma_wait3A_1545 = tpu.memref_slice %arg3[%rem3A_0, %dma_wait3A_1543, %dma_wait3A_1544] : memref<2x128x4096xf32, #tpu.memory_space<vmem>> -> memref<1x128x2048xf32, #tpu.memory_space<vmem>>
      %dma_wait3A_1546 = tpu.memref_squeeze %dma_wait3A_1545 : memref<1x128x2048xf32, #tpu.memory_space<vmem>> -> memref<128x2048xf32, #tpu.memory_space<vmem>>
      tpu.wait_dma2 semaphore(%dma_wait3A_1538 : memref<!tpu.dma_semaphore, #tpu.memory_space<semaphore_mem>>) src(%dma_wait3A_1546 : memref<128x2048xf32, #tpu.memory_space<vmem>>) dst(%dma_wait3A_1542 : memref<128x2048xf32, #tpu.memory_space<any>>)
      %dma_wait3A_1547 = arith.constant 0 : i32
      %dma_wait3A_1548 = tpu.memref_slice %arg4[%rem3A_0] : memref<2x!tpu.dma_semaphore, #tpu.memory_space<semaphore_mem>> -> memref<1x!tpu.dma_semaphore, #tpu.memory_space<semaphore_mem>>
      %dma_wait3A_1549 = tpu.memref_squeeze %dma_wait3A_1548 : memref<1x!tpu.dma_semaphore, #tpu.memory_space<semaphore_mem>> -> memref<!tpu.dma_semaphore, #tpu.memory_space<semaphore_mem>>
      %dma_wait3A_1550 = arith.constant 1920 : i32
      %dma_wait3A_1551 = arith.constant 0 : i32
      %dma_wait3A_1552 = tpu.memref_slice %arg2[%dma_wait3A_1547, %arg0, %dma_wait3A_1550, %dma_wait3A_1551] : memref<1x12x2048x2048xf32, #tpu.memory_space<any>> -> memref<1x1x128x2048xf32, #tpu.memory_space<any>>
      %dma_wait3A_1553 = tpu.memref_squeeze %dma_wait3A_1552 : memref<1x1x128x2048xf32, #tpu.memory_space<any>> -> memref<128x2048xf32, #tpu.memory_space<any>>
      %dma_wait3A_1554 = arith.constant 0 : i32
      %dma_wait3A_1555 = arith.constant 0 : i32
      %dma_wait3A_1556 = tpu.memref_slice %arg3[%rem3A_0, %dma_wait3A_1554, %dma_wait3A_1555] : memref<2x128x4096xf32, #tpu.memory_space<vmem>> -> memref<1x128x2048xf32, #tpu.memory_space<vmem>>
      %dma_wait3A_1557 = tpu.memref_squeeze %dma_wait3A_1556 : memref<1x128x2048xf32, #tpu.memory_space<vmem>> -> memref<128x2048xf32, #tpu.memory_space<vmem>>
      tpu.wait_dma2 semaphore(%dma_wait3A_1549 : memref<!tpu.dma_semaphore, #tpu.memory_space<semaphore_mem>>) src(%dma_wait3A_1557 : memref<128x2048xf32, #tpu.memory_space<vmem>>) dst(%dma_wait3A_1553 : memref<128x2048xf32, #tpu.memory_space<any>>)
    } else {
    }
    return
  }
  func.func @transform_0(%arg0: i32) -> i32 {
    %c0_i32 = arith.constant 0 : i32
    return %arg0 : i32
  }
}

</mosaic_0001>

<sc_bundles>
// kernel: kernel.5.cloned.1.call-start
scs
__scs_entry_jumppad:
0x0: {  	(pc) =	sbr.rel $0x88, $3  }
0x1: {  	(tag) =	ssettag $0x0;
	lr =	simm.s32 $0x1  }
0x2: {  	[smem:$0x3F9E] =	sst lr;
	_ =	strace $0xD0000000  }
0x3: {  	_ = 	snop  }
0x4: {  	_ = 	snop  }
0x5: {  	_ = 	snop  }
0x6: {  	_ = 	snop  }
0x7: {  	_ = 	snop  }
__scs_overlays_trampoline_lowered:
0x8: {  	[smem:$0x3FAD] =	sst s0  }
0x9: {  	[smem:$0x3FAE] =	sst s1  }
0xa: {  	[smem:$0x3FAF] =	sst s2  }
0xb: {  	[smem:$0x3FB0] =	sst s3  }
0xc: {  	[smem:$0x3FB1] =	sst s4  }
0xd: {  	[smem:$0x3FB2] =	sst s5  }
0xe: {  	[smem:$0x3FB3] =	sst s6  }
0xf: {  	[smem:$0x3FB4] =	sst s7  }
0x10: {  	[smem:$0x3FB5] =	sst s8  }
0x11: {  	[smem:$0x3FB6] =	sst s9;
	s0 =	simm.s32 @!p0 $0x0  }
0x12: {  	s1 =	sld [smem:$0x3F9C];
	s0 =	simm.s32 @p0 $0x1  }
0x13: {  	[smem:$0x3FB7] =	sst s0;
	s0 =	simm.s32 @!p1 $0x0  }
0x14: {  	s2 =	sld [smem:$0x3F9B];
	s0 =	simm.s32 @p1 $0x1  }
0x15: {  	[smem:$0x3FB8] =	sst s0;
	s0 =	simm.s32 @!p2 $0x0  }
0x16: {  	s3 =	sld [smem:$0x3FDB];
	s0 =	simm.s32 @p2 $0x1  }
0x17: {  	s4 =	simm.s32 $0x1BF5;
	[smem:$0x3FBA] =	sst s0  }
0x18: {  	s0 =	sld [smem:$0x3F9D];
	_ =	swait.ge [sflag:s4], $0x0  }
0x19: {  	s7 =	sld [smem:$0x3F9E]  }
0x1a: {  	s8 =	sadd.s32 $0xFFFFE003, lr  }
0x1b: {  	s9 =	sadd.s32 $0xFFFFFEF7, lr;
	s5 =	simm.s32 $0xFFFFFFFF;
	p2 =	slt.u32 s8, $0xFFFFF086  }
0x1c: {  	p1 =	slt.u32 s9, $0xF7A;
	s5 =	simm.s32 @!p2 $0x0  }
0x1d: {  	s5 =	simm.s32 @p1 $0x1;
	p0 =	seq.s32 s7, s2  }
0x1e: {  	s7 =	smul.u32 @!p0 $0xF7A, s2;
	p2 =	seq.s32 @!p0 s5, $0x0  }
0x1f: {  	s9 =	smul.u32 $0xF7A, s1;
	s8 =	simm.s32 @!p0 $0x1BF5;
	p2 =	por !p2, p0  }
0x20: {  	[sflag:s8] =	ssyncset.s32 @!p0 $0xFFFFF086;
	s6 =	sadd.s32 @!p0 s3, s7;
	s7 =	simm.s32 @!p0 $0x108  }
0x21: {  	s3 =	sadd.s32 s3, s9;
	s6 =	sadd.s32 @!p0 $0x88, s6;
	s7 =	simm.s32 @p2 $0x1082  }
0x22: {  	[simem:s7], [sflag:s8] =	dma.local @!p0 [hbm:s6], $0xF7A  }
0x23: {  	s9 =	sor.u32 $0xD0000000, s2;
	s6 =	simm.s32 $0x108;
	_ =	swait.ge @!p0 [sflag:s8], $0x0  }
0x24: {  	s3 =	sadd.s32 $0x88, s3;
	s6 =	simm.s32 @!p1 $0x1082;
	[sflag:s4] =	ssyncset.s32 $0xFFFFF086  }
0x25: {  	[simem:s6], [sflag:s4] =	dma.local [hbm:s3], $0xF7A  }
0x26: {  	[smem:$0x3F9E] =	sst s1;
	(tag) =	ssettag s2;
	_ =	strace s9  }
0x27: {  	s1 =	sld [smem:$0x3FAE]  }
0x28: {  	s2 =	sld [smem:$0x3FAF]  }
0x29: {  	s4 =	sld [smem:$0x3FB1]  }
0x2a: {  	p0 =	seq.s32 s5, $0x0;
	s5 =	sld [smem:$0x3FB2]  }
0x2b: {  	s6 =	sld [smem:$0x3FB3]  }
0x2c: {  	s7 =	sld [smem:$0x3FB4]  }
0x2d: {  	s3 =	simm.s32 $0x108;
	s8 =	sld [smem:$0x3FB5]  }
0x2e: {  	s3 =	simm.s32 @!p0 $0x1082;
	s9 =	sld [smem:$0x3FB6]  }
0x2f: {  	lr =	sadd.s32 s0, s3;
	s0 =	sld [smem:$0x3FAD]  }
0x30: {  	s3 =	sld [smem:$0x3FB0]  }
0x31: {  	[smem:$0x3FB9] =	sst s10  }
0x32: {  	s10 =	sld [smem:$0x3FB7];
	_ =	sdelay $0x3  }
0x33: {  	p0 =	seq.s32 s10, $0x1;
	s10 =	sld [smem:$0x3FB9];
	_ =	sdelay $0x3  }
0x34: {  	[smem:$0x3FB9] =	sst s10  }
0x35: {  	s10 =	sld [smem:$0x3FB8];
	_ =	sdelay $0x3  }
0x36: {  	p1 =	seq.s32 s10, $0x1;
	s10 =	sld [smem:$0x3FB9];
	_ =	sdelay $0x3  }
0x37: {  	[smem:$0x3FB9] =	sst s10  }
0x38: {  	s10 =	sld [smem:$0x3FBA]  }
0x39: {  	_ = 	snop;
	(pc) =	sbr.ind lr, $3  }
0x3a: {  	_ = 	snop  }
0x3b: {  	_ = 	snop  }
0x3c: {  	p2 =	seq.s32 s10, $0x1;
	s10 =	sld [smem:$0x3FB9]  }
0x3d: {  	_ =	shalt  }
0x3e: {  	_ =	shalt  }
0x3f: {  	_ =	shalt  }
0x40: {  	_ =	shalt  }
0x41: {  	_ =	shalt  }
0x42: {  	_ =	shalt  }
0x43: {  	_ =	shalt  }
0x44: {  	_ =	shalt  }
0x45: {  	_ =	shalt  }
0x46: {  	_ =	shalt  }
0x47: {  	_ =	shalt  }
0x48: {  	_ =	shalt  }
0x49: {  	_ =	shalt  }
0x4a: {  	_ =	shalt  }
0x4b: {  	_ =	shalt  }
0x4c: {  	_ =	shalt  }
0x4d: {  	_ =	shalt  }
0x4e: {  	_ =	shalt  }
0x4f: {  	_ =	shalt  }
0x50: {  	_ =	shalt  }
0x51: {  	_ =	shalt  }
0x52: {  	_ =	shalt  }
0x53: {  	_ =	shalt  }
0x54: {  	_ =	shalt  }
0x55: {  	_ =	shalt  }
0x56: {  	_ =	shalt  }
0x57: {  	_ =	shalt  }
0x58: {  	_ =	shalt  }
0x59: {  	_ =	shalt  }
0x5a: {  	_ =	shalt  }
0x5b: {  	_ =	shalt  }
0x5c: {  	_ =	shalt  }
0x5d: {  	_ =	shalt  }
0x5e: {  	_ =	shalt  }
0x5f: {  	_ =	shalt  }
0x60: {  	_ =	shalt  }
0x61: {  	_ =	shalt  }
0x62: {  	_ =	shalt  }
0x63: {  	_ =	shalt  }
0x64: {  	_ =	shalt  }
0x65: {  	_ =	shalt  }
0x66: {  	_ =	shalt  }
0x67: {  	_ =	shalt  }
0x68: {  	_ =	shalt  }
0x69: {  	_ =	shalt  }
0x6a: {  	_ =	shalt  }
0x6b: {  	_ =	shalt  }
0x6c: {  	_ =	shalt  }
0x6d: {  	_ =	shalt  }
0x6e: {  	_ =	shalt  }
0x6f: {  	_ =	shalt  }
0x70: {  	_ =	shalt  }
0x71: {  	_ =	shalt  }
0x72: {  	_ =	shalt  }
0x73: {  	_ =	shalt  }
0x74: {  	_ =	shalt  }
0x75: {  	_ =	shalt  }
0x76: {  	_ =	shalt  }
0x77: {  	_ =	shalt  }
0x78: {  	_ =	shalt  }
0x79: {  	_ =	shalt  }
0x7a: {  	_ =	shalt  }
0x7b: {  	_ =	shalt  }
0x7c: {  	_ =	shalt  }
0x7d: {  	_ =	shalt  }
0x7e: {  	_ =	shalt  }
0x7f: {  	_ =	shalt  }
0x80: {  	_ =	shalt  }
0x81: {  	_ =	shalt  }
0x82: {  	_ =	shalt  }
0x83: {  	_ =	shalt  }
0x84: {  	_ =	shalt  }
0x85: {  	_ =	shalt  }
0x86: {  	_ =	shalt  }
0x87: {  	_ =	shalt  }
.Lfunc_end0:
.L_simem_size_0:
called_computation_lowered:
.L_overlay_start_0:
0x88: {  	s2 =	sld [smem:$0x3FD9]  }
0x89: {  	s3 =	sld [smem:$0x3FFE];
	_ =	sdelay $0x1  }
0x8a: {  	s1 =	srdreg.scid  }
0x8b: {  	s0 =	sand.u32 $0x1, s1  }
0x8c: {  	s17 =	sshll.u32 s0, $0xA;
	s2 =	sadd.s32 s3, s2  }
0x8d: {  	s2 =	sadd.s32 s2, s17  }
0x8e: {  	[smem:$0x3FC5] =	sst s2  }
0x8f: {  	_ = 	snop  }
0x90: {  	s2 =	sld [smem:$0x3FD0];
	(tm) =	ssettm $0x1  }
0x91: {  	s18 =	sld [smem:$0x3FFB];
	_ =	sdelay $0x3  }
0x92: {  	_ =	strace s18  }
0x93: {  	s3 =	sld [smem:$0x3FFC];
	_ =	sdelay $0x3  }
0x94: {  	_ =	strace s3  }
0x95: {  	s3 =	sld [smem:$0x3FFD];
	_ =	sdelay $0x3  }
0x96: {  	_ =	strace s3  }
0x97: {  	_ =	strace $0x8FFFFFFF  }
0x98: {  	s19 =	sld [smem:$0x3FDB];
	_ =	sdelay $0x1  }
0x99: {  	s4 =	simm.s32 $_scs_section_size  }
0x9a: {  	s5 =	simm.s32 $_size__tile_overlayer_lowered;
	s6 =	simm.s32 $_tile_overlayer_lowered  }
0x9b: {  	s22 =	simm.s32 $0x1BFF;
	s21 =	sshll.u32 s6, $0x1;
	s3 =	sadd.s32 s4, s19  }
0x9c: {  	s7 =	simm.s32 $0x0;
	s20 =	sshll.u32 s5, $0x1;
	s5 =	sadd.s32 s21, s3  }
0x9d: {  	[timem:s7], [sflag:s22] =	dma.local [hbm:s5], s20  }
0x9e: {  	_ =	swait.ge [sflag:s22], s20  }
0x9f: {  	s4 =	ssub.s32 $0x0, s20;
	[sflag:s22] =	ssyncset.done $0x0  }
0xa0: {  	[sflag:s22] =	ssyncadd.s32 s4;
	_ =	sdelay $0x1  }
0xa1: {  	s23 =	simm.s32 $0x1B8B  }
0xa2: {  	_ =	swait.ge [sflag:s23], $0x1  }
0xa3: {  	[sflag:s23] =	ssyncset.done $0x0  }
0xa4: {  	s25 =	simm.s32 $0x1B8E;
	s24 =	sld [smem:$0x3FFE];
	[sflag:s23] =	ssyncadd.s32 $0xFFFFFFFF  }
0xa5: {  	s26 =	simm.s32 $execute0_lowered;
	[smem:$0x3FD2] =	sst s25  }
0xa6: {  	s5 =	sshll.u32 s26, $0x1;
	_ =	strace $0x80000046;
	[dreg:$0x1] =	wrdreg $0xFFFFFFFF  }
0xa7: {  	s28 =	simm.s32 $_size_execute0_lowered;
	s3 =	sadd.s32 s3, s5;
	[dreg:$0x0] =	wrdreg $0x0  }
0xa8: {  	s5 =	sshll.u32 s28, $0x1;
	[dreg:$0x2] =	wrdreg s3  }
0xa9: {  	[dreg:$0x3] =	wrdreg s5  }
0xaa: {  	[dreg:$0x4] =	wrdreg $0xC0  }
0xab: {  	_ =	task [dreg:s7], $0x5FFFF  }
0xac: {  	[dreg:$0x1] =	wrdreg $0xFFFFFFFF  }
0xad: {  	[dreg:$0x0] =	wrdreg $0x60  }
0xae: {  	[dreg:$0x2] =	wrdreg s24  }
0xaf: {  	[dreg:$0x3] =	wrdreg s2  }
0xb0: {  	[dreg:$0x4] =	wrdreg $0x9  }
0xb1: {  	_ =	task.clear_ibuf [dreg:s7], $0x5FFFF;
	_ =	strace $0x90000046  }
0xb2: {  	s29 =	simm.s32 $0x9;
	_ =	strace $0x80000048  }
0xb3: {  	_ =	swait.ge [sflag:s29], $0x1  }
0xb4: {  	[sflag:s29] =	ssyncadd.s32 $0xFFFFFFFF  }
0xb5: {  	_ =	strace $0x90000048  }
0xb6: {  	_ =	sfence  }
0xb7: {  	s30 =	sld [smem:$0x0];
	_ =	sdelay $0x2  }
0xb8: {  	s31 =	sshll.u32 s1, $0xD;
	s1 =	sshrl.u32 s1, $0x2  }
0xb9: {  	s3 =	sand.u32 $0x4000, s31;
	s1 =	sadd.s32 s1, s30  }
0xba: {  	s0 =	sor.u32 s3, s0;
	s1 =	sshll.u32 s1, $0x11  }
0xbb: {  	s0 =	sor.u32 s1, s0  }
0xbc: {  	s0 =	sadd.s32 $0x8F2B, s0  }
0xbd: {  	[sflag:s0] =	ssyncadd.remote.s32 $0x1  }
0xbe: {  	_ =	sfence.sel $0xFFFF  }
0xbf: {  	[dreg:$0x0] =	wrdreg $0xFFFFFFFF;
	(pc) =	sbr.abs _section_cstart, $3  }
0xc0: {  	[dreg:$0x1] =	wrdreg $0xFFFFFFFF  }
0xc1: {  	_ =	task.clear_ibuf [dreg:s7], $0x2FFFF;
	_ =	strace $0x9FFFFFFF  }
0xc2: {  	(tm) =	ssettm $0x7FFFFFFF  }
0xc3: {  	_ =	shalt  }
tec
execute0_lowered:
.L_overlay_start_1:
0x0: {  	(tag) =	ssettag $0x1  }
0x1: {  	s1 =	stileid.u32  }
0x2: {  	p0 =	sgt.u32 s1, $0xB  }
.Ltmp0:
0x3: {  	_ = 	snop;
	(pc) =	sbr.rel @p0 .LBB2_5-.Ltmp0, $4  }
0x4: {  	s4 =	rddreg [dreg:$0x0]  }
0x5: {  	s6 =	rddreg [dreg:$0x1];
	s2 =	simm.s32 $0x0  }
0x6: {  	[smem:$0x7FF] =	sst s2  }
0x7: {  	s0 =	rddreg [dreg:$0x2];
	_ =	strace $0x80000047  }
0x8: {  	s3 =	srdreg.scid  }
0x9: {  	s7 =	sand.u32 $0x1, s3  }
0xa: {  	s3 =	sor.u32 s7, s1  }
0xb: {  	p1 =	seq.s32 s7, $0x1;
	p0 =	seq.s32 s3, $0x0  }
0xc: {  	p0 =	por !p0, !p1  }
0xd: {  	s3 =	simm.s32 $0x1;
	p0 =	por !p0, !p0  }
0xe: {  	s9 =	simm.s32 $0xA00;
	s3 =	simm.s32 @!p0 $0x0  }
0xf: {  	s9 =	simm.s32 @!p1 $0x0;
	s8 =	ssub.s32 s1, s3  }
0x10: {  	s11 =	ssub.s32 $0x2, s7;
	s31 =	sadd.s32 $0x180, s9;
	s5 =	smul.u32 $0x1400, s8  }
0x11: {  	s30 =	sshrl.u32 s11, $0x1;
	v1 =	vmov s31  }
0x12: {  	s7 =	sor.u32 $0x1580, s9;
	s12 =	sadd.s32 $0x1580, s9;
	s10 =	sadd.s32 s9, s5  }
0x13: {  	s3 =	sadd.s32 $0xA00, s4;
	s4 =	sadd.s32 $0x800, s4;
	s10 =	sshrl.u32 s10, $0x3  }
0x14: {  	s5 =	simm.s32 $0x1;
	s6 =	sadd.s32 s6, s10;
	s10 =	ssub.s32 s11, s30  }
0x15: {  	v2 =	vmov s12;
	v0 =	vmov s8;
	s9 =	simm.s32 $0x180;
	s8 =	smax.u32 s10, $0x1;
	s10 =	simm.s32 $0x0  }
.LBB2_2:
0x16: {  	s11 =	simm.s32 $0x0  }
0x17: {  	[tilespmem:s11], [sflag:$0x1] =	stream.linear.gather [hbm4b:s4+s11], $0x180, $0x38;
	[tilespmem:$0x2980] =	vst v63  }
0x18: {  	_ =	swait.ge [sflag:s5], $0x180  }
0x19: {  	[sflag:s5] =	ssyncset.done $0x0  }
0x1a: {  	[sflag:s5] =	ssyncadd.s32 $0xFFFFFE80  }
0x1b: {  	[tilespmem:s9], [sflag:$0x1] =	stream.linear.gather [hbm4b:s3+s11], $0x1400, $0x38;
	[tilespmem:$0x2980] =	vst v63  }
0x1c: {  	_ =	swait.ge [sflag:s5], $0x1400  }
0x1d: {  	[sflag:s5] =	ssyncset.done $0x0  }
0x1e: {  	s12 =	simm.s32 $0x40;
	s11 =	simm.s32 $0x0;
	[sflag:s5] =	ssyncadd.s32 $0xFFFFEC00  }
.LBB2_3:
0x1f: {  	p0 =	sne.s32 s12, $0x27C0;
	v3 =	vld.idx.msk [tilespmem:v1+s11+$0x0 ss:$0x1], $0xffff;
	_ =	sdelay $0x5  }
0x20: {  	v3 =	vmul.u32 $0xC, v3;
	_ =	sdelay $0x1  }
0x21: {  	v3 =	vadd.s32 v0, v3;
	_ =	sdelay $0x4  }
0x22: {  	v3 =	vld.idx.msk [tilespmem:v3+s2+$0x0], $0xffff;
	_ =	sdelay $0x1  }
.Ltmp1:
0x23: {  	(pc) =	sbr.rel @p0 .LBB2_3-.Ltmp1, $2  }
0x24: {  	_ =	sdelay $0x2  }
0x25: {  	[tilespmem:v2+s11+$0x0 ss:$0x1] =	vst.idx.msk $0xffff, v3;
	s11 =	sshra.s32 s12, $0x2;
	s12 =	sadd.s32 $0x40, s12  }
0x26: {  	_ =	sdelay $0x3  }
0x27: {  	v3 =	vld.idx.msk [tilespmem:v1+s11+$0x0 ss:$0x1], $0xffff;
	_ =	sdelay $0x4  }
0x28: {  	v3 =	vmul.u32 $0xC, v3;
	_ =	sdelay $0x1  }
0x29: {  	v3 =	vadd.s32 v0, v3;
	_ =	sdelay $0x4  }
0x2a: {  	v3 =	vld.idx.msk [tilespmem:v3+s2+$0x0], $0xffff;
	_ =	sdelay $0x2  }
0x2b: {  	s10 =	sadd.s32 $0x1, s10  }
0x2c: {  	p0 =	sne.s32 s10, s8  }
.Ltmp2:
0x2d: {  	[tilespmem:v2+s11+$0x0 ss:$0x1] =	vst.idx.msk $0xffff, v3;
	(pc) =	sbr.rel @p0 .LBB2_2-.Ltmp2, $4  }
0x2e: {  	[hbm4b:s6+s2] =	stream.linear.scatter [tilespmem:s7], [sflag:$0x1], $0xA00, $0x38;
	[tilespmem:$0x2980] =	vst v63  }
0x2f: {  	_ =	swait.ge [sflag:s5], $0xA00  }
0x30: {  	[sflag:s5] =	ssyncset.done $0x0  }
0x31: {  	[sflag:s5] =	ssyncadd.s32 $0xFFFFF600  }
.LBB2_5:
0x32: {  	_ =	sfence.sel $0x180000  }
0x33: {  	[bflag:$0x0] =	sbarrier.arrive $0xFFFF  }
0x34: {  	p0 =	sne.s32 s1, $0x0;
	_ =	strace $0x90000047  }
0x35: {  	s0 =	sadd.s32 @!p0 $0x100000, s0;
	[bflag:$0x2] =	sbarrier.arrive $0xFFFF  }
0x36: {  	[sflag:s0] =	ssyncadd.tile.s32 @!p0 $0x1;
	_ =	shalt  }
.Lfunc_end2:
_tile_overlayer_lowered:
.L_overlay_start_2:
0x37: {  	(tag) =	ssettag $0x2  }
0x38: {  	s0 =	rddreg [dreg:$0x0];
	s2 =	stileid.u32  }
0x39: {  	s1 =	rddreg [dreg:$0x1];
	p0 =	sne.s32 s2, $0x0  }
0x3a: {  	s3 =	rddreg [dreg:$0x2];
	[bflag:$0x3] =	sbarrier.arrive $0xFFFF;
	s2 =	simm.s32 @!p0 $0x1C01  }
0x3b: {  	[timem:s3], [sflag:s2] =	dma.local @!p0 [hbm:s0], s1  }
0x3c: {  	s0 =	simm.s32 @!p0 $0x1  }
0x3d: {  	_ =	swait.ge @!p0 [sflag:s0], s1  }
0x3e: {  	s1 =	ssub.s32 @!p0 $0x0, s1;
	[sflag:s0] =	ssyncset.done @!p0 $0x0  }
0x3f: {  	[sflag:s0] =	ssyncadd.s32 @!p0 s1  }
0x40: {  	[bflag:$0x3] =	sbarrier.arrive $0xFFFF  }
0x41: {  	_ =	shalt  }

</sc_bundles>
